<compile_context>
chip_gen: v7x
topology: tpu7x:2x2x1
jax: 0.10.2.dev20260603
libtpu: 0.0.44.dev20260713+nightly
codegen_flags: <defaults>
</compile_context>

<pallas_src>
import functools
import math

import jax
import jax.numpy as jnp
from jax import lax
from jax.experimental import pallas as pl
from jax.experimental.pallas import tpu as pltpu
from jax.experimental.pallas import tpu_sc as plsc

_S, _B, _H = 200, 4096, 64
_K = 4
_NW = 32
_BPW = _B // _NW
_LANES = 16
_BBLK_A = 256
_BBLK_C = 256


def _scores_body(qT_ref, wq_ref, wk_ref, memT_ref, st_ref):
    qT = jnp.dot(wq_ref[...], qT_ref[...],
                 preferred_element_type=jnp.float32)
    memT = memT_ref[...]
    wk_b = jnp.broadcast_to(wk_ref[...][None], (_S, _H, _H))
    keysT = jax.lax.dot_general(
        wk_b, memT, (((2,), (1,)), ((0,), (0,))),
        preferred_element_type=jnp.float32)
    scale = 1.0 / math.sqrt(_H)
    st_ref[...] = jnp.sum(keysT * qT[None], axis=1) * scale


def _fuse_body(qT_ref, attnK_ref, idxK_ref, memT_ref,
               wv_ref, w1q_ref, w1r_ref, b1_ref, w2_ref, b2_ref,
               wo_ref, bo_ref, outT_ref, gateT_ref):
    qT = qT_ref[...]
    attnK = attnK_ref[...]
    idxK = idxK_ref[...]
    memT = memT_ref[...]
    iota_s = lax.broadcasted_iota(jnp.int32, (_S, qT.shape[1]), 0)
    wT = jnp.zeros((_S, qT.shape[1]), dtype=jnp.float32)
    for k in range(_K):
        wT = wT + jnp.where(iota_s == idxK[k:k + 1, :], attnK[k:k + 1, :], 0.0)
    r_rawT = jnp.sum(wT[:, None, :] * memT, axis=0)
    rT = jnp.dot(wv_ref[...], r_rawT,
                 preferred_element_type=jnp.float32)
    h1 = jnp.dot(w1q_ref[...], qT, preferred_element_type=jnp.float32)
    h1 = h1 + jnp.dot(w1r_ref[...], rT, preferred_element_type=jnp.float32)
    h1 = jnp.maximum(h1 + b1_ref[...], 0.0)
    gateT = jax.nn.sigmoid(
        jnp.dot(w2_ref[...], h1, preferred_element_type=jnp.float32)
        + b2_ref[...])
    fusedT = gateT * qT + (1.0 - gateT) * rT
    outT_ref[...] = (jnp.dot(wo_ref[...], fusedT,
                             preferred_element_type=jnp.float32) + bo_ref[...])
    gateT_ref[...] = gateT


def _sc_retrieve_body(stT_hbm, attn_out, idx_out, st_v, attn_v, idxv_v):
    cid = lax.axis_index("c")
    sid = lax.axis_index("s")
    wid = sid * 2 + cid
    base = wid * _BPW
    pltpu.sync_copy(stT_hbm.at[:, pl.ds(base, _BPW)], st_v)
    neg = jnp.full((_LANES,), -jnp.inf, dtype=jnp.float32)
    zero = jnp.zeros((_LANES,), dtype=jnp.int32)
    for j in range(_BPW // _LANES):
        col0 = j * _LANES

        def body(s, carry, col0=col0):
            t0, t1, t2, t3, i0, i1, i2, i3 = carry
            v = st_v[s, pl.ds(col0, _LANES)]
            sv = jnp.full((_LANES,), s, dtype=jnp.int32)
            c0 = v > t0
            c1 = v > t1
            c2 = v > t2
            c3 = v > t3
            n0 = jnp.where(c0, v, t0)
            n1 = jnp.where(c0, t0, jnp.where(c1, v, t1))
            n2 = jnp.where(c1, t1, jnp.where(c2, v, t2))
            n3 = jnp.where(c2, t2, jnp.where(c3, v, t3))
            m0 = jnp.where(c0, sv, i0)
            m1 = jnp.where(c0, i0, jnp.where(c1, sv, i1))
            m2 = jnp.where(c1, i1, jnp.where(c2, sv, i2))
            m3 = jnp.where(c2, i2, jnp.where(c3, sv, i3))
            return (n0, n1, n2, n3, m0, m1, m2, m3)

        t0, t1, t2, t3, i0, i1, i2, i3 = lax.fori_loop(
            0, _S, body, (neg, neg, neg, neg, zero, zero, zero, zero),
            unroll=4)
        e1 = jnp.exp(t1 - t0)
        e2 = jnp.exp(t2 - t0)
        e3 = jnp.exp(t3 - t0)
        inv = 1.0 / (1.0 + e1 + e2 + e3)
        a0 = inv
        a1 = e1 * inv
        a2 = e2 * inv
        a3 = e3 * inv
        for k, (ak, ik) in enumerate(((a0, i0), (a1, i1), (a2, i2), (a3, i3))):
            attn_v[k, pl.ds(col0, _LANES)] = ak
            idxv_v[k, pl.ds(col0, _LANES)] = ik
    pltpu.sync_copy(attn_v, attn_out.at[:, pl.ds(base, _BPW)])
    pltpu.sync_copy(idxv_v, idx_out.at[:, pl.ds(base, _BPW)])


def kernel(query, cached_memory, Wq, Wk, Wv, Wg1, bg1, Wg2, bg2, Wo, bo):
    S, B, H = cached_memory.shape
    f32 = jnp.float32
    queryT = query.T
    memT = jnp.transpose(cached_memory, (0, 2, 1))

    qblk = pl.BlockSpec((H, _BBLK_A), lambda i: (0, i))
    wblk = pl.BlockSpec((H, H), lambda i: (0, 0))
    scoresT = pl.pallas_call(
        _scores_body,
        grid=(B // _BBLK_A,),
        in_specs=[
            qblk, wblk, wblk,
            pl.BlockSpec((S, H, _BBLK_A), lambda i: (0, 0, i)),
        ],
        out_specs=pl.BlockSpec((S, _BBLK_A), lambda i: (0, i)),
        out_shape=jax.ShapeDtypeStruct((S, B), f32),
    )(queryT, Wq, Wk, memT)

    mesh = plsc.VectorSubcoreMesh(core_axis_name="c", subcore_axis_name="s")
    sc_retrieve = functools.partial(
        pl.kernel,
        out_type=[
            jax.ShapeDtypeStruct((_K, B), f32),
            jax.ShapeDtypeStruct((_K, B), jnp.int32),
        ],
        mesh=mesh,
        scratch_types=[
            pltpu.VMEM((S, _BPW), f32),
            pltpu.VMEM((_K, _BPW), f32),
            pltpu.VMEM((_K, _BPW), jnp.int32),
        ],
    )(_sc_retrieve_body)
    attn_kB, idx_kB = sc_retrieve(scoresT)

    w1q = Wg1[:, :H] + Wg1[:, 2 * H:]
    w1r = Wg1[:, H:2 * H] - Wg1[:, 2 * H:]
    kblk = pl.BlockSpec((_K, _BBLK_C), lambda i: (0, i))
    qblk_c = pl.BlockSpec((H, _BBLK_C), lambda i: (0, i))
    bblk = pl.BlockSpec((H, 1), lambda i: (0, 0))
    outT, gateT = pl.pallas_call(
        _fuse_body,
        grid=(B // _BBLK_C,),
        in_specs=[
            qblk_c, kblk, kblk,
            pl.BlockSpec((S, H, _BBLK_C), lambda i: (0, 0, i)),
            wblk, wblk, wblk, bblk, wblk, bblk, wblk, bblk,
        ],
        out_specs=[qblk_c, qblk_c],
        out_shape=[
            jax.ShapeDtypeStruct((H, B), f32),
            jax.ShapeDtypeStruct((H, B), f32),
        ],
    )(queryT, attn_kB, idx_kB, memT,
      Wv, w1q, w1r, bg1.reshape(H, 1), Wg2, bg2.reshape(H, 1),
      Wo, bo.reshape(H, 1))

    return (outT.T, attn_kB.T, scoresT.T, idx_kB.T, gateT.T)

# --- scband reference (transcript-rebuilt; emitter-appended) ---
"""Pipeline reference for scband-segment-memory-retriever-91139206021430 (READ-ONLY COPY).

The authoritative reference and input builder live on the scoring server;
editing this copy changes nothing except your own understanding.
"""

import jax, jax.numpy as jnp
import numpy as np
import math

B, S, H = 4096, 200, 64
K = 4

def _lin_init(key, out_f, in_f):
    s = 1.0 / math.sqrt(in_f)
    return jax.random.uniform(key, (out_f, in_f), minval=-s, maxval=s, dtype=jnp.float32)

def _bias_init(key, out_f, in_f):
    s = 1.0 / math.sqrt(in_f)
    return jax.random.uniform(key, (out_f,), minval=-s, maxval=s, dtype=jnp.float32)

def setup_inputs(seed: int = 0) -> dict:
    key = jax.random.key(seed)
    ks = jax.random.split(key, 12)
    inp = {}
    inp['query'] = jax.random.normal(ks[0], (B, H), dtype=jnp.float32)
    # torch side: list of S tensors each [B, H]; stacked here as [S, B, H]
    inp['cached_memory'] = jax.random.normal(ks[1], (S, B, H), dtype=jnp.float32)
    inp['Wq'] = _lin_init(ks[2], H, H)
    inp['Wk'] = _lin_init(ks[3], H, H)
    inp['Wv'] = _lin_init(ks[4], H, H)
    inp['Wg1'] = _lin_init(ks[5], H, 3 * H)
    inp['bg1'] = _bias_init(ks[6], H, 3 * H)
    inp['Wg2'] = _lin_init(ks[7], H, H)
    inp['bg2'] = _bias_init(ks[8], H, H)
    inp['Wo'] = _lin_init(ks[9], H, H)
    inp['bo'] = _bias_init(ks[10], H, H)
    return inp

def reference(query, cached_memory, Wq, Wk, Wv, Wg1, bg1, Wg2, bg2, Wo, bo):
    # torch.stack(cached_memory, dim=1) -> [B, S, H]
    mem = jnp.transpose(cached_memory, (1, 0, 2))
    q = query @ Wq.T  # [B, H]
    keys = mem @ Wk.T  # [B, S, H] (use_segment_context=False -> keys from memory bank)
    scores = jnp.sum(q[:, None, :] * keys, axis=-1) / math.sqrt(query.shape[-1])  # [B, S]
    k = min(K, scores.shape[1])
    topk_scores, topk_idx = jax.lax.top_k(scores, k)  # [B, k]
    values = mem @ Wv.T  # [B, S, H]
    gidx = jnp.broadcast_to(topk_idx[:, :, None], (values.shape[0], k, values.shape[-1]))
    topk_values = jnp.take_along_axis(values, gidx, axis=1)  # [B, k, H]
    topk_attn = jax.nn.softmax(topk_scores, axis=-1)  # [B, k]
    retrieved = jnp.sum(topk_attn[:, :, None] * topk_values, axis=1)  # [B, H]
    gate_in = jnp.concatenate([query, retrieved, query - retrieved], axis=-1)  # [B, 3H]
    h1 = jax.nn.relu(gate_in @ Wg1.T + bg1)
    gate = jax.nn.sigmoid(h1 @ Wg2.T + bg2)  # [B, H] (dropout=0.0)
    fused = gate * query + (1.0 - gate) * retrieved
    out = fused @ Wo.T + bo  # [B, H]
    return (out, topk_attn, scores, topk_idx, gate)

if __name__ == "__main__":
    import jax
    _d = setup_inputs()
    print(jax.jit(kernel)(*tuple(_d.values())))

</pallas_src>

<mosaic_0001>
#map = affine_map<(d0, d1) -> (0, 0)>
module attributes {stable_mosaic.version = 14 : i64} {
  func.func @_sc_retrieve_body(%arg0: i32, %arg1: i32, %arg2: memref<200x4096xf32, #tpu.memory_space<hbm>>, %arg3: memref<4x4096xf32, #tpu.memory_space<hbm>>, %arg4: memref<4x4096xi32, #tpu.memory_space<hbm>>, %arg5: memref<200x128xf32, #tpu.memory_space<vmem>>, %arg6: memref<4x128xf32, #tpu.memory_space<vmem>>, %arg7: memref<4x128xi32, #tpu.memory_space<vmem>>) attributes {dimension_semantics = [#tpu.dimension_semantics<core_parallel>, #tpu.dimension_semantics<subcore_parallel>], iteration_bounds = array<i64: 2, 16>, scalar_prefetch = 0 : i64, scratch_operands = 3 : i64, tpu.core_type = #tpu.core_type<sc_vector_subcore>, window_params = [{transform_indices = #map}, {transform_indices = #map}, {transform_indices = #map}]} {
    %mul3A = arith.constant 2 : i32
    %mul3A_0 = arith.muli %arg1, %mul3A : i32
    %add3A = arith.addi %mul3A_0, %arg0 : i32
    %mul3A_1 = arith.constant 128 : i32
    %mul3A_2 = arith.muli %add3A, %mul3A_1 : i32
    "tpu.region"() ({
      %run_scoped3A = tpu.sem_alloc : memref<!tpu.dma_semaphore, #tpu.memory_space<semaphore_mem>>
      %dma_start3A = arith.constant 0 : i32
      %dma_start3A_569 = tpu.memref_slice %arg2[%dma_start3A, %mul3A_2] : memref<200x4096xf32, #tpu.memory_space<hbm>> -> memref<200x128xf32, #tpu.memory_space<hbm>>
      %dma_start3A_570 = arith.constant 0 : i32
      %dma_start3A_571 = tpu.memref_slice %arg2[%dma_start3A_570, %mul3A_2] : memref<200x4096xf32, #tpu.memory_space<hbm>> -> memref<200x128xf32, #tpu.memory_space<hbm>>
      tpu.enqueue_dma source(%dma_start3A_571 : memref<200x128xf32, #tpu.memory_space<hbm>>) target(%arg5 : memref<200x128xf32, #tpu.memory_space<vmem>>) target_semaphore(%run_scoped3A : memref<!tpu.dma_semaphore, #tpu.memory_space<semaphore_mem>>)
      %dma_wait3A = arith.constant 0 : i32
      %dma_wait3A_572 = tpu.memref_slice %arg2[%dma_wait3A, %mul3A_2] : memref<200x4096xf32, #tpu.memory_space<hbm>> -> memref<200x128xf32, #tpu.memory_space<hbm>>
      %dma_wait3A_573 = arith.constant 0 : i32
      %dma_wait3A_574 = tpu.memref_slice %arg2[%dma_wait3A_573, %mul3A_2] : memref<200x4096xf32, #tpu.memory_space<hbm>> -> memref<200x128xf32, #tpu.memory_space<hbm>>
      tpu.wait_dma2 semaphore(%run_scoped3A : memref<!tpu.dma_semaphore, #tpu.memory_space<semaphore_mem>>) src(%dma_wait3A_574 : memref<200x128xf32, #tpu.memory_space<hbm>>) dst(%arg5 : memref<200x128xf32, #tpu.memory_space<vmem>>)
      tpu.yield
    }) : () -> ()
    %broadcast_in_dim3A = arith.constant 0xFF800000 : f32
    %broadcast_in_dim3A_3 = vector.broadcast %broadcast_in_dim3A : f32 to vector<16xf32>
    %broadcast_in_dim3A_4 = arith.constant 0 : i32
    %broadcast_in_dim3A_5 = vector.broadcast %broadcast_in_dim3A_4 : i32 to vector<16xi32>
    %scan3A = arith.constant 0 : i32
    %scan3A_6 = arith.constant 200 : i32
    %scan3A_7 = arith.addi %scan3A, %scan3A_6 : i32
    %scan3A_8 = arith.constant 4 : i32
    %scan3A_9:8 = scf.for %scan3A_569 = %scan3A to %scan3A_7 step %scan3A_8 iter_args(%scan3A_570 = %broadcast_in_dim3A_3, %scan3A_571 = %broadcast_in_dim3A_3, %scan3A_572 = %broadcast_in_dim3A_3, %scan3A_573 = %broadcast_in_dim3A_3, %scan3A_574 = %broadcast_in_dim3A_5, %scan3A_575 = %broadcast_in_dim3A_5, %scan3A_576 = %broadcast_in_dim3A_5, %scan3A_577 = %broadcast_in_dim3A_5) -> (vector<16xf32>, vector<16xf32>, vector<16xf32>, vector<16xf32>, vector<16xi32>, vector<16xi32>, vector<16xi32>, vector<16xi32>)  : i32 {
      %get3A = arith.index_cast %scan3A_569 : i32 to index
      %get3A_578 = arith.constant 0 : index
      %get3A_579 = tpu.vector_load %arg5[%get3A, %get3A_578] {strides = array<i32>} : memref<200x128xf32, #tpu.memory_space<vmem>>, vector<1x16xf32>,
      %get3A_580 = vector.shape_cast %get3A_579 : vector<1x16xf32> to vector<16xf32>
      %broadcast_in_dim3A_581 = vector.broadcast %scan3A_569 : i32 to vector<16xi32>
      %gt3A = arith.cmpf ogt, %get3A_580, %scan3A_570 : vector<16xf32>
      %gt3A_582 = arith.cmpf ogt, %get3A_580, %scan3A_571 : vector<16xf32>
      %gt3A_583 = arith.cmpf ogt, %get3A_580, %scan3A_572 : vector<16xf32>
      %gt3A_584 = arith.cmpf ogt, %get3A_580, %scan3A_573 : vector<16xf32>
      %select_n3A = arith.select %gt3A, %get3A_580, %scan3A_570 : vector<16xi1>, vector<16xf32>
      %select_n3A_585 = arith.select %gt3A_582, %get3A_580, %scan3A_571 : vector<16xi1>, vector<16xf32>
      %select_n3A_586 = arith.select %gt3A, %scan3A_570, %select_n3A_585 : vector<16xi1>, vector<16xf32>
      %select_n3A_587 = arith.select %gt3A_583, %get3A_580, %scan3A_572 : vector<16xi1>, vector<16xf32>
      %select_n3A_588 = arith.select %gt3A_582, %scan3A_571, %select_n3A_587 : vector<16xi1>, vector<16xf32>
      %select_n3A_589 = arith.select %gt3A_584, %get3A_580, %scan3A_573 : vector<16xi1>, vector<16xf32>
      %select_n3A_590 = arith.select %gt3A_583, %scan3A_572, %select_n3A_589 : vector<16xi1>, vector<16xf32>
      %select_n3A_591 = arith.select %gt3A, %broadcast_in_dim3A_581, %scan3A_574 : vector<16xi1>, vector<16xi32>
      %select_n3A_592 = arith.select %gt3A_582, %broadcast_in_dim3A_581, %scan3A_575 : vector<16xi1>, vector<16xi32>
      %select_n3A_593 = arith.select %gt3A, %scan3A_574, %select_n3A_592 : vector<16xi1>, vector<16xi32>
      %select_n3A_594 = arith.select %gt3A_583, %broadcast_in_dim3A_581, %scan3A_576 : vector<16xi1>, vector<16xi32>
      %select_n3A_595 = arith.select %gt3A_582, %scan3A_575, %select_n3A_594 : vector<16xi1>, vector<16xi32>
      %select_n3A_596 = arith.select %gt3A_584, %broadcast_in_dim3A_581, %scan3A_577 : vector<16xi1>, vector<16xi32>
      %select_n3A_597 = arith.select %gt3A_583, %scan3A_576, %select_n3A_596 : vector<16xi1>, vector<16xi32>
      %scan3A_598 = arith.constant 1 : i32
      %scan3A_599 = arith.addi %scan3A_569, %scan3A_598 : i32
      %get3A_600 = arith.index_cast %scan3A_599 : i32 to index
      %get3A_601 = arith.constant 0 : index
      %get3A_602 = tpu.vector_load %arg5[%get3A_600, %get3A_601] {strides = array<i32>} : memref<200x128xf32, #tpu.memory_space<vmem>>, vector<1x16xf32>,
      %get3A_603 = vector.shape_cast %get3A_602 : vector<1x16xf32> to vector<16xf32>
      %broadcast_in_dim3A_604 = vector.broadcast %scan3A_599 : i32 to vector<16xi32>
      %gt3A_605 = arith.cmpf ogt, %get3A_603, %select_n3A : vector<16xf32>
      %gt3A_606 = arith.cmpf ogt, %get3A_603, %select_n3A_586 : vector<16xf32>
      %gt3A_607 = arith.cmpf ogt, %get3A_603, %select_n3A_588 : vector<16xf32>
      %gt3A_608 = arith.cmpf ogt, %get3A_603, %select_n3A_590 : vector<16xf32>
      %select_n3A_609 = arith.select %gt3A_605, %get3A_603, %select_n3A : vector<16xi1>, vector<16xf32>
      %select_n3A_610 = arith.select %gt3A_606, %get3A_603, %select_n3A_586 : vector<16xi1>, vector<16xf32>
      %select_n3A_611 = arith.select %gt3A_605, %select_n3A, %select_n3A_610 : vector<16xi1>, vector<16xf32>
      %select_n3A_612 = arith.select %gt3A_607, %get3A_603, %select_n3A_588 : vector<16xi1>, vector<16xf32>
      %select_n3A_613 = arith.select %gt3A_606, %select_n3A_586, %select_n3A_612 : vector<16xi1>, vector<16xf32>
      %select_n3A_614 = arith.select %gt3A_608, %get3A_603, %select_n3A_590 : vector<16xi1>, vector<16xf32>
      %select_n3A_615 = arith.select %gt3A_607, %select_n3A_588, %select_n3A_614 : vector<16xi1>, vector<16xf32>
      %select_n3A_616 = arith.select %gt3A_605, %broadcast_in_dim3A_604, %select_n3A_591 : vector<16xi1>, vector<16xi32>
      %select_n3A_617 = arith.select %gt3A_606, %broadcast_in_dim3A_604, %select_n3A_593 : vector<16xi1>, vector<16xi32>
      %select_n3A_618 = arith.select %gt3A_605, %select_n3A_591, %select_n3A_617 : vector<16xi1>, vector<16xi32>
      %select_n3A_619 = arith.select %gt3A_607, %broadcast_in_dim3A_604, %select_n3A_595 : vector<16xi1>, vector<16xi32>
      %select_n3A_620 = arith.select %gt3A_606, %select_n3A_593, %select_n3A_619 : vector<16xi1>, vector<16xi32>
      %select_n3A_621 = arith.select %gt3A_608, %broadcast_in_dim3A_604, %select_n3A_597 : vector<16xi1>, vector<16xi32>
      %select_n3A_622 = arith.select %gt3A_607, %select_n3A_595, %select_n3A_621 : vector<16xi1>, vector<16xi32>
      %scan3A_623 = arith.constant 2 : i32
      %scan3A_624 = arith.addi %scan3A_569, %scan3A_623 : i32
      %get3A_625 = arith.index_cast %scan3A_624 : i32 to index
      %get3A_626 = arith.constant 0 : index
      %get3A_627 = tpu.vector_load %arg5[%get3A_625, %get3A_626] {strides = array<i32>} : memref<200x128xf32, #tpu.memory_space<vmem>>, vector<1x16xf32>,
      %get3A_628 = vector.shape_cast %get3A_627 : vector<1x16xf32> to vector<16xf32>
      %broadcast_in_dim3A_629 = vector.broadcast %scan3A_624 : i32 to vector<16xi32>
      %gt3A_630 = arith.cmpf ogt, %get3A_628, %select_n3A_609 : vector<16xf32>
      %gt3A_631 = arith.cmpf ogt, %get3A_628, %select_n3A_611 : vector<16xf32>
      %gt3A_632 = arith.cmpf ogt, %get3A_628, %select_n3A_613 : vector<16xf32>
      %gt3A_633 = arith.cmpf ogt, %get3A_628, %select_n3A_615 : vector<16xf32>
      %select_n3A_634 = arith.select %gt3A_630, %get3A_628, %select_n3A_609 : vector<16xi1>, vector<16xf32>
      %select_n3A_635 = arith.select %gt3A_631, %get3A_628, %select_n3A_611 : vector<16xi1>, vector<16xf32>
      %select_n3A_636 = arith.select %gt3A_630, %select_n3A_609, %select_n3A_635 : vector<16xi1>, vector<16xf32>
      %select_n3A_637 = arith.select %gt3A_632, %get3A_628, %select_n3A_613 : vector<16xi1>, vector<16xf32>
      %select_n3A_638 = arith.select %gt3A_631, %select_n3A_611, %select_n3A_637 : vector<16xi1>, vector<16xf32>
      %select_n3A_639 = arith.select %gt3A_633, %get3A_628, %select_n3A_615 : vector<16xi1>, vector<16xf32>
      %select_n3A_640 = arith.select %gt3A_632, %select_n3A_613, %select_n3A_639 : vector<16xi1>, vector<16xf32>
      %select_n3A_641 = arith.select %gt3A_630, %broadcast_in_dim3A_629, %select_n3A_616 : vector<16xi1>, vector<16xi32>
      %select_n3A_642 = arith.select %gt3A_631, %broadcast_in_dim3A_629, %select_n3A_618 : vector<16xi1>, vector<16xi32>
      %select_n3A_643 = arith.select %gt3A_630, %select_n3A_616, %select_n3A_642 : vector<16xi1>, vector<16xi32>
      %select_n3A_644 = arith.select %gt3A_632, %broadcast_in_dim3A_629, %select_n3A_620 : vector<16xi1>, vector<16xi32>
      %select_n3A_645 = arith.select %gt3A_631, %select_n3A_618, %select_n3A_644 : vector<16xi1>, vector<16xi32>
      %select_n3A_646 = arith.select %gt3A_633, %broadcast_in_dim3A_629, %select_n3A_622 : vector<16xi1>, vector<16xi32>
      %select_n3A_647 = arith.select %gt3A_632, %select_n3A_620, %select_n3A_646 : vector<16xi1>, vector<16xi32>
      %scan3A_648 = arith.constant 3 : i32
      %scan3A_649 = arith.addi %scan3A_569, %scan3A_648 : i32
      %get3A_650 = arith.index_cast %scan3A_649 : i32 to index
      %get3A_651 = arith.constant 0 : index
      %get3A_652 = tpu.vector_load %arg5[%get3A_650, %get3A_651] {strides = array<i32>} : memref<200x128xf32, #tpu.memory_space<vmem>>, vector<1x16xf32>,
      %get3A_653 = vector.shape_cast %get3A_652 : vector<1x16xf32> to vector<16xf32>
      %broadcast_in_dim3A_654 = vector.broadcast %scan3A_649 : i32 to vector<16xi32>
      %gt3A_655 = arith.cmpf ogt, %get3A_653, %select_n3A_634 : vector<16xf32>
      %gt3A_656 = arith.cmpf ogt, %get3A_653, %select_n3A_636 : vector<16xf32>
      %gt3A_657 = arith.cmpf ogt, %get3A_653, %select_n3A_638 : vector<16xf32>
      %gt3A_658 = arith.cmpf ogt, %get3A_653, %select_n3A_640 : vector<16xf32>
      %select_n3A_659 = arith.select %gt3A_655, %get3A_653, %select_n3A_634 : vector<16xi1>, vector<16xf32>
      %select_n3A_660 = arith.select %gt3A_656, %get3A_653, %select_n3A_636 : vector<16xi1>, vector<16xf32>
      %select_n3A_661 = arith.select %gt3A_655, %select_n3A_634, %select_n3A_660 : vector<16xi1>, vector<16xf32>
      %select_n3A_662 = arith.select %gt3A_657, %get3A_653, %select_n3A_638 : vector<16xi1>, vector<16xf32>
      %select_n3A_663 = arith.select %gt3A_656, %select_n3A_636, %select_n3A_662 : vector<16xi1>, vector<16xf32>
      %select_n3A_664 = arith.select %gt3A_658, %get3A_653, %select_n3A_640 : vector<16xi1>, vector<16xf32>
      %select_n3A_665 = arith.select %gt3A_657, %select_n3A_638, %select_n3A_664 : vector<16xi1>, vector<16xf32>
      %select_n3A_666 = arith.select %gt3A_655, %broadcast_in_dim3A_654, %select_n3A_641 : vector<16xi1>, vector<16xi32>
      %select_n3A_667 = arith.select %gt3A_656, %broadcast_in_dim3A_654, %select_n3A_643 : vector<16xi1>, vector<16xi32>
      %select_n3A_668 = arith.select %gt3A_655, %select_n3A_641, %select_n3A_667 : vector<16xi1>, vector<16xi32>
      %select_n3A_669 = arith.select %gt3A_657, %broadcast_in_dim3A_654, %select_n3A_645 : vector<16xi1>, vector<16xi32>
      %select_n3A_670 = arith.select %gt3A_656, %select_n3A_643, %select_n3A_669 : vector<16xi1>, vector<16xi32>
      %select_n3A_671 = arith.select %gt3A_658, %broadcast_in_dim3A_654, %select_n3A_647 : vector<16xi1>, vector<16xi32>
      %select_n3A_672 = arith.select %gt3A_657, %select_n3A_645, %select_n3A_671 : vector<16xi1>, vector<16xi32>
      scf.yield %select_n3A_659, %select_n3A_661, %select_n3A_663, %select_n3A_665, %select_n3A_666, %select_n3A_668, %select_n3A_670, %select_n3A_672 : vector<16xf32>, vector<16xf32>, vector<16xf32>, vector<16xf32>, vector<16xi32>, vector<16xi32>, vector<16xi32>, vector<16xi32>
    }
    %scan3A_10 = arith.constant 200 : i32
    %sub3A = arith.subf %scan3A_9#1, %scan3A_9#0 : vector<16xf32>
    %exp3A = math.exp %sub3A : vector<16xf32>
    %sub3A_11 = arith.subf %scan3A_9#2, %scan3A_9#0 : vector<16xf32>
    %exp3A_12 = math.exp %sub3A_11 : vector<16xf32>
    %sub3A_13 = arith.subf %scan3A_9#3, %scan3A_9#0 : vector<16xf32>
    %exp3A_14 = math.exp %sub3A_13 : vector<16xf32>
    %add3A_15 = arith.constant 1.000000e+00 : f32
    %add3A_16 = vector.broadcast %add3A_15 : f32 to vector<16xf32>
    %add3A_17 = arith.addf %add3A_16, %exp3A : vector<16xf32>
    %add3A_18 = arith.addf %add3A_17, %exp3A_12 : vector<16xf32>
    %add3A_19 = arith.addf %add3A_18, %exp3A_14 : vector<16xf32>
    %div3A = arith.constant 1.000000e+00 : f32
    %div3A_20 = vector.broadcast %div3A : f32 to vector<16xf32>
    %div3A_21 = arith.divf %div3A_20, %add3A_19 : vector<16xf32>
    %mul3A_22 = arith.mulf %exp3A, %div3A_21 : vector<16xf32>
    %mul3A_23 = arith.mulf %exp3A_12, %div3A_21 : vector<16xf32>
    %mul3A_24 = arith.mulf %exp3A_14, %div3A_21 : vector<16xf32>
    %swap3A = arith.constant 0 : i32
    %swap3A_25 = arith.index_cast %swap3A : i32 to index
    %swap3A_26 = arith.constant 0 : index
    %swap3A_27 = tpu.vector_load %arg6[%swap3A_25, %swap3A_26] {strides = array<i32>} : memref<4x128xf32, #tpu.memory_space<vmem>>, vector<1x16xf32>,
    %swap3A_28 = vector.shape_cast %swap3A_27 : vector<1x16xf32> to vector<16xf32>
    %swap3A_29 = vector.shape_cast %div3A_21 : vector<16xf32> to vector<1x16xf32>
    tpu.vector_store %arg6[%swap3A_25, %swap3A_26], %swap3A_29 {strides = array<i32>} : memref<4x128xf32, #tpu.memory_space<vmem>>, vector<1x16xf32>,
    %swap3A_30 = arith.constant 0 : i32
    %swap3A_31 = arith.index_cast %swap3A_30 : i32 to index
    %swap3A_32 = arith.constant 0 : index
    %swap3A_33 = tpu.vector_load %arg7[%swap3A_31, %swap3A_32] {strides = array<i32>} : memref<4x128xi32, #tpu.memory_space<vmem>>, vector<1x16xi32>,
    %swap3A_34 = vector.shape_cast %swap3A_33 : vector<1x16xi32> to vector<16xi32>
    %swap3A_35 = vector.shape_cast %scan3A_9#4 : vector<16xi32> to vector<1x16xi32>
    tpu.vector_store %arg7[%swap3A_31, %swap3A_32], %swap3A_35 {strides = array<i32>} : memref<4x128xi32, #tpu.memory_space<vmem>>, vector<1x16xi32>,
    %swap3A_36 = arith.constant 1 : i32
    %swap3A_37 = arith.index_cast %swap3A_36 : i32 to index
    %swap3A_38 = arith.constant 0 : index
    %swap3A_39 = tpu.vector_load %arg6[%swap3A_37, %swap3A_38] {strides = array<i32>} : memref<4x128xf32, #tpu.memory_space<vmem>>, vector<1x16xf32>,
    %swap3A_40 = vector.shape_cast %swap3A_39 : vector<1x16xf32> to vector<16xf32>
    %swap3A_41 = vector.shape_cast %mul3A_22 : vector<16xf32> to vector<1x16xf32>
    tpu.vector_store %arg6[%swap3A_37, %swap3A_38], %swap3A_41 {strides = array<i32>} : memref<4x128xf32, #tpu.memory_space<vmem>>, vector<1x16xf32>,
    %swap3A_42 = arith.constant 1 : i32
    %swap3A_43 = arith.index_cast %swap3A_42 : i32 to index
    %swap3A_44 = arith.constant 0 : index
    %swap3A_45 = tpu.vector_load %arg7[%swap3A_43, %swap3A_44] {strides = array<i32>} : memref<4x128xi32, #tpu.memory_space<vmem>>, vector<1x16xi32>,
    %swap3A_46 = vector.shape_cast %swap3A_45 : vector<1x16xi32> to vector<16xi32>
    %swap3A_47 = vector.shape_cast %scan3A_9#5 : vector<16xi32> to vector<1x16xi32>
    tpu.vector_store %arg7[%swap3A_43, %swap3A_44], %swap3A_47 {strides = array<i32>} : memref<4x128xi32, #tpu.memory_space<vmem>>, vector<1x16xi32>,
    %swap3A_48 = arith.constant 2 : i32
    %swap3A_49 = arith.index_cast %swap3A_48 : i32 to index
    %swap3A_50 = arith.constant 0 : index
    %swap3A_51 = tpu.vector_load %arg6[%swap3A_49, %swap3A_50] {strides = array<i32>} : memref<4x128xf32, #tpu.memory_space<vmem>>, vector<1x16xf32>,
    %swap3A_52 = vector.shape_cast %swap3A_51 : vector<1x16xf32> to vector<16xf32>
    %swap3A_53 = vector.shape_cast %mul3A_23 : vector<16xf32> to vector<1x16xf32>
    tpu.vector_store %arg6[%swap3A_49, %swap3A_50], %swap3A_53 {strides = array<i32>} : memref<4x128xf32, #tpu.memory_space<vmem>>, vector<1x16xf32>,
    %swap3A_54 = arith.constant 2 : i32
    %swap3A_55 = arith.index_cast %swap3A_54 : i32 to index
    %swap3A_56 = arith.constant 0 : index
    %swap3A_57 = tpu.vector_load %arg7[%swap3A_55, %swap3A_56] {strides = array<i32>} : memref<4x128xi32, #tpu.memory_space<vmem>>, vector<1x16xi32>,
    %swap3A_58 = vector.shape_cast %swap3A_57 : vector<1x16xi32> to vector<16xi32>
    %swap3A_59 = vector.shape_cast %scan3A_9#6 : vector<16xi32> to vector<1x16xi32>
    tpu.vector_store %arg7[%swap3A_55, %swap3A_56], %swap3A_59 {strides = array<i32>} : memref<4x128xi32, #tpu.memory_space<vmem>>, vector<1x16xi32>,
    %swap3A_60 = arith.constant 3 : i32
    %swap3A_61 = arith.index_cast %swap3A_60 : i32 to index
    %swap3A_62 = arith.constant 0 : index
    %swap3A_63 = tpu.vector_load %arg6[%swap3A_61, %swap3A_62] {strides = array<i32>} : memref<4x128xf32, #tpu.memory_space<vmem>>, vector<1x16xf32>,
    %swap3A_64 = vector.shape_cast %swap3A_63 : vector<1x16xf32> to vector<16xf32>
    %swap3A_65 = vector.shape_cast %mul3A_24 : vector<16xf32> to vector<1x16xf32>
    tpu.vector_store %arg6[%swap3A_61, %swap3A_62], %swap3A_65 {strides = array<i32>} : memref<4x128xf32, #tpu.memory_space<vmem>>, vector<1x16xf32>,
    %swap3A_66 = arith.constant 3 : i32
    %swap3A_67 = arith.index_cast %swap3A_66 : i32 to index
    %swap3A_68 = arith.constant 0 : index
    %swap3A_69 = tpu.vector_load %arg7[%swap3A_67, %swap3A_68] {strides = array<i32>} : memref<4x128xi32, #tpu.memory_space<vmem>>, vector<1x16xi32>,
    %swap3A_70 = vector.shape_cast %swap3A_69 : vector<1x16xi32> to vector<16xi32>
    %swap3A_71 = vector.shape_cast %scan3A_9#7 : vector<16xi32> to vector<1x16xi32>
    tpu.vector_store %arg7[%swap3A_67, %swap3A_68], %swap3A_71 {strides = array<i32>} : memref<4x128xi32, #tpu.memory_space<vmem>>, vector<1x16xi32>,
    %scan3A_72 = arith.constant 0 : i32
    %scan3A_73 = arith.constant 200 : i32
    %scan3A_74 = arith.addi %scan3A_72, %scan3A_73 : i32
    %scan3A_75 = arith.constant 4 : i32
    %scan3A_76:8 = scf.for %scan3A_569 = %scan3A_72 to %scan3A_74 step %scan3A_75 iter_args(%scan3A_570 = %broadcast_in_dim3A_3, %scan3A_571 = %broadcast_in_dim3A_3, %scan3A_572 = %broadcast_in_dim3A_3, %scan3A_573 = %broadcast_in_dim3A_3, %scan3A_574 = %broadcast_in_dim3A_5, %scan3A_575 = %broadcast_in_dim3A_5, %scan3A_576 = %broadcast_in_dim3A_5, %scan3A_577 = %broadcast_in_dim3A_5) -> (vector<16xf32>, vector<16xf32>, vector<16xf32>, vector<16xf32>, vector<16xi32>, vector<16xi32>, vector<16xi32>, vector<16xi32>)  : i32 {
      %get3A = arith.index_cast %scan3A_569 : i32 to index
      %get3A_578 = arith.constant 16 : index
      %get3A_579 = tpu.vector_load %arg5[%get3A, %get3A_578] {strides = array<i32>} : memref<200x128xf32, #tpu.memory_space<vmem>>, vector<1x16xf32>,
      %get3A_580 = vector.shape_cast %get3A_579 : vector<1x16xf32> to vector<16xf32>
      %broadcast_in_dim3A_581 = vector.broadcast %scan3A_569 : i32 to vector<16xi32>
      %gt3A = arith.cmpf ogt, %get3A_580, %scan3A_570 : vector<16xf32>
      %gt3A_582 = arith.cmpf ogt, %get3A_580, %scan3A_571 : vector<16xf32>
      %gt3A_583 = arith.cmpf ogt, %get3A_580, %scan3A_572 : vector<16xf32>
      %gt3A_584 = arith.cmpf ogt, %get3A_580, %scan3A_573 : vector<16xf32>
      %select_n3A = arith.select %gt3A, %get3A_580, %scan3A_570 : vector<16xi1>, vector<16xf32>
      %select_n3A_585 = arith.select %gt3A_582, %get3A_580, %scan3A_571 : vector<16xi1>, vector<16xf32>
      %select_n3A_586 = arith.select %gt3A, %scan3A_570, %select_n3A_585 : vector<16xi1>, vector<16xf32>
      %select_n3A_587 = arith.select %gt3A_583, %get3A_580, %scan3A_572 : vector<16xi1>, vector<16xf32>
      %select_n3A_588 = arith.select %gt3A_582, %scan3A_571, %select_n3A_587 : vector<16xi1>, vector<16xf32>
      %select_n3A_589 = arith.select %gt3A_584, %get3A_580, %scan3A_573 : vector<16xi1>, vector<16xf32>
      %select_n3A_590 = arith.select %gt3A_583, %scan3A_572, %select_n3A_589 : vector<16xi1>, vector<16xf32>
      %select_n3A_591 = arith.select %gt3A, %broadcast_in_dim3A_581, %scan3A_574 : vector<16xi1>, vector<16xi32>
      %select_n3A_592 = arith.select %gt3A_582, %broadcast_in_dim3A_581, %scan3A_575 : vector<16xi1>, vector<16xi32>
      %select_n3A_593 = arith.select %gt3A, %scan3A_574, %select_n3A_592 : vector<16xi1>, vector<16xi32>
      %select_n3A_594 = arith.select %gt3A_583, %broadcast_in_dim3A_581, %scan3A_576 : vector<16xi1>, vector<16xi32>
      %select_n3A_595 = arith.select %gt3A_582, %scan3A_575, %select_n3A_594 : vector<16xi1>, vector<16xi32>
      %select_n3A_596 = arith.select %gt3A_584, %broadcast_in_dim3A_581, %scan3A_577 : vector<16xi1>, vector<16xi32>
      %select_n3A_597 = arith.select %gt3A_583, %scan3A_576, %select_n3A_596 : vector<16xi1>, vector<16xi32>
      %scan3A_598 = arith.constant 1 : i32
      %scan3A_599 = arith.addi %scan3A_569, %scan3A_598 : i32
      %get3A_600 = arith.index_cast %scan3A_599 : i32 to index
      %get3A_601 = arith.constant 16 : index
      %get3A_602 = tpu.vector_load %arg5[%get3A_600, %get3A_601] {strides = array<i32>} : memref<200x128xf32, #tpu.memory_space<vmem>>, vector<1x16xf32>,
      %get3A_603 = vector.shape_cast %get3A_602 : vector<1x16xf32> to vector<16xf32>
      %broadcast_in_dim3A_604 = vector.broadcast %scan3A_599 : i32 to vector<16xi32>
      %gt3A_605 = arith.cmpf ogt, %get3A_603, %select_n3A : vector<16xf32>
      %gt3A_606 = arith.cmpf ogt, %get3A_603, %select_n3A_586 : vector<16xf32>
      %gt3A_607 = arith.cmpf ogt, %get3A_603, %select_n3A_588 : vector<16xf32>
      %gt3A_608 = arith.cmpf ogt, %get3A_603, %select_n3A_590 : vector<16xf32>
      %select_n3A_609 = arith.select %gt3A_605, %get3A_603, %select_n3A : vector<16xi1>, vector<16xf32>
      %select_n3A_610 = arith.select %gt3A_606, %get3A_603, %select_n3A_586 : vector<16xi1>, vector<16xf32>
      %select_n3A_611 = arith.select %gt3A_605, %select_n3A, %select_n3A_610 : vector<16xi1>, vector<16xf32>
      %select_n3A_612 = arith.select %gt3A_607, %get3A_603, %select_n3A_588 : vector<16xi1>, vector<16xf32>
      %select_n3A_613 = arith.select %gt3A_606, %select_n3A_586, %select_n3A_612 : vector<16xi1>, vector<16xf32>
      %select_n3A_614 = arith.select %gt3A_608, %get3A_603, %select_n3A_590 : vector<16xi1>, vector<16xf32>
      %select_n3A_615 = arith.select %gt3A_607, %select_n3A_588, %select_n3A_614 : vector<16xi1>, vector<16xf32>
      %select_n3A_616 = arith.select %gt3A_605, %broadcast_in_dim3A_604, %select_n3A_591 : vector<16xi1>, vector<16xi32>
      %select_n3A_617 = arith.select %gt3A_606, %broadcast_in_dim3A_604, %select_n3A_593 : vector<16xi1>, vector<16xi32>
      %select_n3A_618 = arith.select %gt3A_605, %select_n3A_591, %select_n3A_617 : vector<16xi1>, vector<16xi32>
      %select_n3A_619 = arith.select %gt3A_607, %broadcast_in_dim3A_604, %select_n3A_595 : vector<16xi1>, vector<16xi32>
      %select_n3A_620 = arith.select %gt3A_606, %select_n3A_593, %select_n3A_619 : vector<16xi1>, vector<16xi32>
      %select_n3A_621 = arith.select %gt3A_608, %broadcast_in_dim3A_604, %select_n3A_597 : vector<16xi1>, vector<16xi32>
      %select_n3A_622 = arith.select %gt3A_607, %select_n3A_595, %select_n3A_621 : vector<16xi1>, vector<16xi32>
      %scan3A_623 = arith.constant 2 : i32
      %scan3A_624 = arith.addi %scan3A_569, %scan3A_623 : i32
      %get3A_625 = arith.index_cast %scan3A_624 : i32 to index
      %get3A_626 = arith.constant 16 : index
      %get3A_627 = tpu.vector_load %arg5[%get3A_625, %get3A_626] {strides = array<i32>} : memref<200x128xf32, #tpu.memory_space<vmem>>, vector<1x16xf32>,
      %get3A_628 = vector.shape_cast %get3A_627 : vector<1x16xf32> to vector<16xf32>
      %broadcast_in_dim3A_629 = vector.broadcast %scan3A_624 : i32 to vector<16xi32>
      %gt3A_630 = arith.cmpf ogt, %get3A_628, %select_n3A_609 : vector<16xf32>
      %gt3A_631 = arith.cmpf ogt, %get3A_628, %select_n3A_611 : vector<16xf32>
      %gt3A_632 = arith.cmpf ogt, %get3A_628, %select_n3A_613 : vector<16xf32>
      %gt3A_633 = arith.cmpf ogt, %get3A_628, %select_n3A_615 : vector<16xf32>
      %select_n3A_634 = arith.select %gt3A_630, %get3A_628, %select_n3A_609 : vector<16xi1>, vector<16xf32>
      %select_n3A_635 = arith.select %gt3A_631, %get3A_628, %select_n3A_611 : vector<16xi1>, vector<16xf32>
      %select_n3A_636 = arith.select %gt3A_630, %select_n3A_609, %select_n3A_635 : vector<16xi1>, vector<16xf32>
      %select_n3A_637 = arith.select %gt3A_632, %get3A_628, %select_n3A_613 : vector<16xi1>, vector<16xf32>
      %select_n3A_638 = arith.select %gt3A_631, %select_n3A_611, %select_n3A_637 : vector<16xi1>, vector<16xf32>
      %select_n3A_639 = arith.select %gt3A_633, %get3A_628, %select_n3A_615 : vector<16xi1>, vector<16xf32>
      %select_n3A_640 = arith.select %gt3A_632, %select_n3A_613, %select_n3A_639 : vector<16xi1>, vector<16xf32>
      %select_n3A_641 = arith.select %gt3A_630, %broadcast_in_dim3A_629, %select_n3A_616 : vector<16xi1>, vector<16xi32>
      %select_n3A_642 = arith.select %gt3A_631, %broadcast_in_dim3A_629, %select_n3A_618 : vector<16xi1>, vector<16xi32>
      %select_n3A_643 = arith.select %gt3A_630, %select_n3A_616, %select_n3A_642 : vector<16xi1>, vector<16xi32>
      %select_n3A_644 = arith.select %gt3A_632, %broadcast_in_dim3A_629, %select_n3A_620 : vector<16xi1>, vector<16xi32>
      %select_n3A_645 = arith.select %gt3A_631, %select_n3A_618, %select_n3A_644 : vector<16xi1>, vector<16xi32>
      %select_n3A_646 = arith.select %gt3A_633, %broadcast_in_dim3A_629, %select_n3A_622 : vector<16xi1>, vector<16xi32>
      %select_n3A_647 = arith.select %gt3A_632, %select_n3A_620, %select_n3A_646 : vector<16xi1>, vector<16xi32>
      %scan3A_648 = arith.constant 3 : i32
      %scan3A_649 = arith.addi %scan3A_569, %scan3A_648 : i32
      %get3A_650 = arith.index_cast %scan3A_649 : i32 to index
      %get3A_651 = arith.constant 16 : index
      %get3A_652 = tpu.vector_load %arg5[%get3A_650, %get3A_651] {strides = array<i32>} : memref<200x128xf32, #tpu.memory_space<vmem>>, vector<1x16xf32>,
      %get3A_653 = vector.shape_cast %get3A_652 : vector<1x16xf32> to vector<16xf32>
      %broadcast_in_dim3A_654 = vector.broadcast %scan3A_649 : i32 to vector<16xi32>
      %gt3A_655 = arith.cmpf ogt, %get3A_653, %select_n3A_634 : vector<16xf32>
      %gt3A_656 = arith.cmpf ogt, %get3A_653, %select_n3A_636 : vector<16xf32>
      %gt3A_657 = arith.cmpf ogt, %get3A_653, %select_n3A_638 : vector<16xf32>
      %gt3A_658 = arith.cmpf ogt, %get3A_653, %select_n3A_640 : vector<16xf32>
      %select_n3A_659 = arith.select %gt3A_655, %get3A_653, %select_n3A_634 : vector<16xi1>, vector<16xf32>
      %select_n3A_660 = arith.select %gt3A_656, %get3A_653, %select_n3A_636 : vector<16xi1>, vector<16xf32>
      %select_n3A_661 = arith.select %gt3A_655, %select_n3A_634, %select_n3A_660 : vector<16xi1>, vector<16xf32>
      %select_n3A_662 = arith.select %gt3A_657, %get3A_653, %select_n3A_638 : vector<16xi1>, vector<16xf32>
      %select_n3A_663 = arith.select %gt3A_656, %select_n3A_636, %select_n3A_662 : vector<16xi1>, vector<16xf32>
      %select_n3A_664 = arith.select %gt3A_658, %get3A_653, %select_n3A_640 : vector<16xi1>, vector<16xf32>
      %select_n3A_665 = arith.select %gt3A_657, %select_n3A_638, %select_n3A_664 : vector<16xi1>, vector<16xf32>
      %select_n3A_666 = arith.select %gt3A_655, %broadcast_in_dim3A_654, %select_n3A_641 : vector<16xi1>, vector<16xi32>
      %select_n3A_667 = arith.select %gt3A_656, %broadcast_in_dim3A_654, %select_n3A_643 : vector<16xi1>, vector<16xi32>
      %select_n3A_668 = arith.select %gt3A_655, %select_n3A_641, %select_n3A_667 : vector<16xi1>, vector<16xi32>
      %select_n3A_669 = arith.select %gt3A_657, %broadcast_in_dim3A_654, %select_n3A_645 : vector<16xi1>, vector<16xi32>
      %select_n3A_670 = arith.select %gt3A_656, %select_n3A_643, %select_n3A_669 : vector<16xi1>, vector<16xi32>
      %select_n3A_671 = arith.select %gt3A_658, %broadcast_in_dim3A_654, %select_n3A_647 : vector<16xi1>, vector<16xi32>
      %select_n3A_672 = arith.select %gt3A_657, %select_n3A_645, %select_n3A_671 : vector<16xi1>, vector<16xi32>
      scf.yield %select_n3A_659, %select_n3A_661, %select_n3A_663, %select_n3A_665, %select_n3A_666, %select_n3A_668, %select_n3A_670, %select_n3A_672 : vector<16xf32>, vector<16xf32>, vector<16xf32>, vector<16xf32>, vector<16xi32>, vector<16xi32>, vector<16xi32>, vector<16xi32>
    }
    %scan3A_77 = arith.constant 200 : i32
    %sub3A_78 = arith.subf %scan3A_76#1, %scan3A_76#0 : vector<16xf32>
    %exp3A_79 = math.exp %sub3A_78 : vector<16xf32>
    %sub3A_80 = arith.subf %scan3A_76#2, %scan3A_76#0 : vector<16xf32>
    %exp3A_81 = math.exp %sub3A_80 : vector<16xf32>
    %sub3A_82 = arith.subf %scan3A_76#3, %scan3A_76#0 : vector<16xf32>
    %exp3A_83 = math.exp %sub3A_82 : vector<16xf32>
    %add3A_84 = arith.constant 1.000000e+00 : f32
    %add3A_85 = vector.broadcast %add3A_84 : f32 to vector<16xf32>
    %add3A_86 = arith.addf %add3A_85, %exp3A_79 : vector<16xf32>
    %add3A_87 = arith.addf %add3A_86, %exp3A_81 : vector<16xf32>
    %add3A_88 = arith.addf %add3A_87, %exp3A_83 : vector<16xf32>
    %div3A_89 = arith.constant 1.000000e+00 : f32
    %div3A_90 = vector.broadcast %div3A_89 : f32 to vector<16xf32>
    %div3A_91 = arith.divf %div3A_90, %add3A_88 : vector<16xf32>
    %mul3A_92 = arith.mulf %exp3A_79, %div3A_91 : vector<16xf32>
    %mul3A_93 = arith.mulf %exp3A_81, %div3A_91 : vector<16xf32>
    %mul3A_94 = arith.mulf %exp3A_83, %div3A_91 : vector<16xf32>
    %swap3A_95 = arith.constant 0 : i32
    %swap3A_96 = arith.index_cast %swap3A_95 : i32 to index
    %swap3A_97 = arith.constant 16 : index
    %swap3A_98 = tpu.vector_load %arg6[%swap3A_96, %swap3A_97] {strides = array<i32>} : memref<4x128xf32, #tpu.memory_space<vmem>>, vector<1x16xf32>,
    %swap3A_99 = vector.shape_cast %swap3A_98 : vector<1x16xf32> to vector<16xf32>
    %swap3A_100 = vector.shape_cast %div3A_91 : vector<16xf32> to vector<1x16xf32>
    tpu.vector_store %arg6[%swap3A_96, %swap3A_97], %swap3A_100 {strides = array<i32>} : memref<4x128xf32, #tpu.memory_space<vmem>>, vector<1x16xf32>,
    %swap3A_101 = arith.constant 0 : i32
    %swap3A_102 = arith.index_cast %swap3A_101 : i32 to index
    %swap3A_103 = arith.constant 16 : index
    %swap3A_104 = tpu.vector_load %arg7[%swap3A_102, %swap3A_103] {strides = array<i32>} : memref<4x128xi32, #tpu.memory_space<vmem>>, vector<1x16xi32>,
    %swap3A_105 = vector.shape_cast %swap3A_104 : vector<1x16xi32> to vector<16xi32>
    %swap3A_106 = vector.shape_cast %scan3A_76#4 : vector<16xi32> to vector<1x16xi32>
    tpu.vector_store %arg7[%swap3A_102, %swap3A_103], %swap3A_106 {strides = array<i32>} : memref<4x128xi32, #tpu.memory_space<vmem>>, vector<1x16xi32>,
    %swap3A_107 = arith.constant 1 : i32
    %swap3A_108 = arith.index_cast %swap3A_107 : i32 to index
    %swap3A_109 = arith.constant 16 : index
    %swap3A_110 = tpu.vector_load %arg6[%swap3A_108, %swap3A_109] {strides = array<i32>} : memref<4x128xf32, #tpu.memory_space<vmem>>, vector<1x16xf32>,
    %swap3A_111 = vector.shape_cast %swap3A_110 : vector<1x16xf32> to vector<16xf32>
    %swap3A_112 = vector.shape_cast %mul3A_92 : vector<16xf32> to vector<1x16xf32>
    tpu.vector_store %arg6[%swap3A_108, %swap3A_109], %swap3A_112 {strides = array<i32>} : memref<4x128xf32, #tpu.memory_space<vmem>>, vector<1x16xf32>,
    %swap3A_113 = arith.constant 1 : i32
    %swap3A_114 = arith.index_cast %swap3A_113 : i32 to index
    %swap3A_115 = arith.constant 16 : index
    %swap3A_116 = tpu.vector_load %arg7[%swap3A_114, %swap3A_115] {strides = array<i32>} : memref<4x128xi32, #tpu.memory_space<vmem>>, vector<1x16xi32>,
    %swap3A_117 = vector.shape_cast %swap3A_116 : vector<1x16xi32> to vector<16xi32>
    %swap3A_118 = vector.shape_cast %scan3A_76#5 : vector<16xi32> to vector<1x16xi32>
    tpu.vector_store %arg7[%swap3A_114, %swap3A_115], %swap3A_118 {strides = array<i32>} : memref<4x128xi32, #tpu.memory_space<vmem>>, vector<1x16xi32>,
    %swap3A_119 = arith.constant 2 : i32
    %swap3A_120 = arith.index_cast %swap3A_119 : i32 to index
    %swap3A_121 = arith.constant 16 : index
    %swap3A_122 = tpu.vector_load %arg6[%swap3A_120, %swap3A_121] {strides = array<i32>} : memref<4x128xf32, #tpu.memory_space<vmem>>, vector<1x16xf32>,
    %swap3A_123 = vector.shape_cast %swap3A_122 : vector<1x16xf32> to vector<16xf32>
    %swap3A_124 = vector.shape_cast %mul3A_93 : vector<16xf32> to vector<1x16xf32>
    tpu.vector_store %arg6[%swap3A_120, %swap3A_121], %swap3A_124 {strides = array<i32>} : memref<4x128xf32, #tpu.memory_space<vmem>>, vector<1x16xf32>,
    %swap3A_125 = arith.constant 2 : i32
    %swap3A_126 = arith.index_cast %swap3A_125 : i32 to index
    %swap3A_127 = arith.constant 16 : index
    %swap3A_128 = tpu.vector_load %arg7[%swap3A_126, %swap3A_127] {strides = array<i32>} : memref<4x128xi32, #tpu.memory_space<vmem>>, vector<1x16xi32>,
    %swap3A_129 = vector.shape_cast %swap3A_128 : vector<1x16xi32> to vector<16xi32>
    %swap3A_130 = vector.shape_cast %scan3A_76#6 : vector<16xi32> to vector<1x16xi32>
    tpu.vector_store %arg7[%swap3A_126, %swap3A_127], %swap3A_130 {strides = array<i32>} : memref<4x128xi32, #tpu.memory_space<vmem>>, vector<1x16xi32>,
    %swap3A_131 = arith.constant 3 : i32
    %swap3A_132 = arith.index_cast %swap3A_131 : i32 to index
    %swap3A_133 = arith.constant 16 : index
    %swap3A_134 = tpu.vector_load %arg6[%swap3A_132, %swap3A_133] {strides = array<i32>} : memref<4x128xf32, #tpu.memory_space<vmem>>, vector<1x16xf32>,
    %swap3A_135 = vector.shape_cast %swap3A_134 : vector<1x16xf32> to vector<16xf32>
    %swap3A_136 = vector.shape_cast %mul3A_94 : vector<16xf32> to vector<1x16xf32>
    tpu.vector_store %arg6[%swap3A_132, %swap3A_133], %swap3A_136 {strides = array<i32>} : memref<4x128xf32, #tpu.memory_space<vmem>>, vector<1x16xf32>,
    %swap3A_137 = arith.constant 3 : i32
    %swap3A_138 = arith.index_cast %swap3A_137 : i32 to index
    %swap3A_139 = arith.constant 16 : index
    %swap3A_140 = tpu.vector_load %arg7[%swap3A_138, %swap3A_139] {strides = array<i32>} : memref<4x128xi32, #tpu.memory_space<vmem>>, vector<1x16xi32>,
    %swap3A_141 = vector.shape_cast %swap3A_140 : vector<1x16xi32> to vector<16xi32>
    %swap3A_142 = vector.shape_cast %scan3A_76#7 : vector<16xi32> to vector<1x16xi32>
    tpu.vector_store %arg7[%swap3A_138, %swap3A_139], %swap3A_142 {strides = array<i32>} : memref<4x128xi32, #tpu.memory_space<vmem>>, vector<1x16xi32>,
    %scan3A_143 = arith.constant 0 : i32
    %scan3A_144 = arith.constant 200 : i32
    %scan3A_145 = arith.addi %scan3A_143, %scan3A_144 : i32
    %scan3A_146 = arith.constant 4 : i32
    %scan3A_147:8 = scf.for %scan3A_569 = %scan3A_143 to %scan3A_145 step %scan3A_146 iter_args(%scan3A_570 = %broadcast_in_dim3A_3, %scan3A_571 = %broadcast_in_dim3A_3, %scan3A_572 = %broadcast_in_dim3A_3, %scan3A_573 = %broadcast_in_dim3A_3, %scan3A_574 = %broadcast_in_dim3A_5, %scan3A_575 = %broadcast_in_dim3A_5, %scan3A_576 = %broadcast_in_dim3A_5, %scan3A_577 = %broadcast_in_dim3A_5) -> (vector<16xf32>, vector<16xf32>, vector<16xf32>, vector<16xf32>, vector<16xi32>, vector<16xi32>, vector<16xi32>, vector<16xi32>)  : i32 {
      %get3A = arith.index_cast %scan3A_569 : i32 to index
      %get3A_578 = arith.constant 32 : index
      %get3A_579 = tpu.vector_load %arg5[%get3A, %get3A_578] {strides = array<i32>} : memref<200x128xf32, #tpu.memory_space<vmem>>, vector<1x16xf32>,
      %get3A_580 = vector.shape_cast %get3A_579 : vector<1x16xf32> to vector<16xf32>
      %broadcast_in_dim3A_581 = vector.broadcast %scan3A_569 : i32 to vector<16xi32>
      %gt3A = arith.cmpf ogt, %get3A_580, %scan3A_570 : vector<16xf32>
      %gt3A_582 = arith.cmpf ogt, %get3A_580, %scan3A_571 : vector<16xf32>
      %gt3A_583 = arith.cmpf ogt, %get3A_580, %scan3A_572 : vector<16xf32>
      %gt3A_584 = arith.cmpf ogt, %get3A_580, %scan3A_573 : vector<16xf32>
      %select_n3A = arith.select %gt3A, %get3A_580, %scan3A_570 : vector<16xi1>, vector<16xf32>
      %select_n3A_585 = arith.select %gt3A_582, %get3A_580, %scan3A_571 : vector<16xi1>, vector<16xf32>
      %select_n3A_586 = arith.select %gt3A, %scan3A_570, %select_n3A_585 : vector<16xi1>, vector<16xf32>
      %select_n3A_587 = arith.select %gt3A_583, %get3A_580, %scan3A_572 : vector<16xi1>, vector<16xf32>
      %select_n3A_588 = arith.select %gt3A_582, %scan3A_571, %select_n3A_587 : vector<16xi1>, vector<16xf32>
      %select_n3A_589 = arith.select %gt3A_584, %get3A_580, %scan3A_573 : vector<16xi1>, vector<16xf32>
      %select_n3A_590 = arith.select %gt3A_583, %scan3A_572, %select_n3A_589 : vector<16xi1>, vector<16xf32>
      %select_n3A_591 = arith.select %gt3A, %broadcast_in_dim3A_581, %scan3A_574 : vector<16xi1>, vector<16xi32>
      %select_n3A_592 = arith.select %gt3A_582, %broadcast_in_dim3A_581, %scan3A_575 : vector<16xi1>, vector<16xi32>
      %select_n3A_593 = arith.select %gt3A, %scan3A_574, %select_n3A_592 : vector<16xi1>, vector<16xi32>
      %select_n3A_594 = arith.select %gt3A_583, %broadcast_in_dim3A_581, %scan3A_576 : vector<16xi1>, vector<16xi32>
      %select_n3A_595 = arith.select %gt3A_582, %scan3A_575, %select_n3A_594 : vector<16xi1>, vector<16xi32>
      %select_n3A_596 = arith.select %gt3A_584, %broadcast_in_dim3A_581, %scan3A_577 : vector<16xi1>, vector<16xi32>
      %select_n3A_597 = arith.select %gt3A_583, %scan3A_576, %select_n3A_596 : vector<16xi1>, vector<16xi32>
      %scan3A_598 = arith.constant 1 : i32
      %scan3A_599 = arith.addi %scan3A_569, %scan3A_598 : i32
      %get3A_600 = arith.index_cast %scan3A_599 : i32 to index
      %get3A_601 = arith.constant 32 : index
      %get3A_602 = tpu.vector_load %arg5[%get3A_600, %get3A_601] {strides = array<i32>} : memref<200x128xf32, #tpu.memory_space<vmem>>, vector<1x16xf32>,
      %get3A_603 = vector.shape_cast %get3A_602 : vector<1x16xf32> to vector<16xf32>
      %broadcast_in_dim3A_604 = vector.broadcast %scan3A_599 : i32 to vector<16xi32>
      %gt3A_605 = arith.cmpf ogt, %get3A_603, %select_n3A : vector<16xf32>
      %gt3A_606 = arith.cmpf ogt, %get3A_603, %select_n3A_586 : vector<16xf32>
      %gt3A_607 = arith.cmpf ogt, %get3A_603, %select_n3A_588 : vector<16xf32>
      %gt3A_608 = arith.cmpf ogt, %get3A_603, %select_n3A_590 : vector<16xf32>
      %select_n3A_609 = arith.select %gt3A_605, %get3A_603, %select_n3A : vector<16xi1>, vector<16xf32>
      %select_n3A_610 = arith.select %gt3A_606, %get3A_603, %select_n3A_586 : vector<16xi1>, vector<16xf32>
      %select_n3A_611 = arith.select %gt3A_605, %select_n3A, %select_n3A_610 : vector<16xi1>, vector<16xf32>
      %select_n3A_612 = arith.select %gt3A_607, %get3A_603, %select_n3A_588 : vector<16xi1>, vector<16xf32>
      %select_n3A_613 = arith.select %gt3A_606, %select_n3A_586, %select_n3A_612 : vector<16xi1>, vector<16xf32>
      %select_n3A_614 = arith.select %gt3A_608, %get3A_603, %select_n3A_590 : vector<16xi1>, vector<16xf32>
      %select_n3A_615 = arith.select %gt3A_607, %select_n3A_588, %select_n3A_614 : vector<16xi1>, vector<16xf32>
      %select_n3A_616 = arith.select %gt3A_605, %broadcast_in_dim3A_604, %select_n3A_591 : vector<16xi1>, vector<16xi32>
      %select_n3A_617 = arith.select %gt3A_606, %broadcast_in_dim3A_604, %select_n3A_593 : vector<16xi1>, vector<16xi32>
      %select_n3A_618 = arith.select %gt3A_605, %select_n3A_591, %select_n3A_617 : vector<16xi1>, vector<16xi32>
      %select_n3A_619 = arith.select %gt3A_607, %broadcast_in_dim3A_604, %select_n3A_595 : vector<16xi1>, vector<16xi32>
      %select_n3A_620 = arith.select %gt3A_606, %select_n3A_593, %select_n3A_619 : vector<16xi1>, vector<16xi32>
      %select_n3A_621 = arith.select %gt3A_608, %broadcast_in_dim3A_604, %select_n3A_597 : vector<16xi1>, vector<16xi32>
      %select_n3A_622 = arith.select %gt3A_607, %select_n3A_595, %select_n3A_621 : vector<16xi1>, vector<16xi32>
      %scan3A_623 = arith.constant 2 : i32
      %scan3A_624 = arith.addi %scan3A_569, %scan3A_623 : i32
      %get3A_625 = arith.index_cast %scan3A_624 : i32 to index
      %get3A_626 = arith.constant 32 : index
      %get3A_627 = tpu.vector_load %arg5[%get3A_625, %get3A_626] {strides = array<i32>} : memref<200x128xf32, #tpu.memory_space<vmem>>, vector<1x16xf32>,
      %get3A_628 = vector.shape_cast %get3A_627 : vector<1x16xf32> to vector<16xf32>
      %broadcast_in_dim3A_629 = vector.broadcast %scan3A_624 : i32 to vector<16xi32>
      %gt3A_630 = arith.cmpf ogt, %get3A_628, %select_n3A_609 : vector<16xf32>
      %gt3A_631 = arith.cmpf ogt, %get3A_628, %select_n3A_611 : vector<16xf32>
      %gt3A_632 = arith.cmpf ogt, %get3A_628, %select_n3A_613 : vector<16xf32>
      %gt3A_633 = arith.cmpf ogt, %get3A_628, %select_n3A_615 : vector<16xf32>
      %select_n3A_634 = arith.select %gt3A_630, %get3A_628, %select_n3A_609 : vector<16xi1>, vector<16xf32>
      %select_n3A_635 = arith.select %gt3A_631, %get3A_628, %select_n3A_611 : vector<16xi1>, vector<16xf32>
      %select_n3A_636 = arith.select %gt3A_630, %select_n3A_609, %select_n3A_635 : vector<16xi1>, vector<16xf32>
      %select_n3A_637 = arith.select %gt3A_632, %get3A_628, %select_n3A_613 : vector<16xi1>, vector<16xf32>
      %select_n3A_638 = arith.select %gt3A_631, %select_n3A_611, %select_n3A_637 : vector<16xi1>, vector<16xf32>
      %select_n3A_639 = arith.select %gt3A_633, %get3A_628, %select_n3A_615 : vector<16xi1>, vector<16xf32>
      %select_n3A_640 = arith.select %gt3A_632, %select_n3A_613, %select_n3A_639 : vector<16xi1>, vector<16xf32>
      %select_n3A_641 = arith.select %gt3A_630, %broadcast_in_dim3A_629, %select_n3A_616 : vector<16xi1>, vector<16xi32>
      %select_n3A_642 = arith.select %gt3A_631, %broadcast_in_dim3A_629, %select_n3A_618 : vector<16xi1>, vector<16xi32>
      %select_n3A_643 = arith.select %gt3A_630, %select_n3A_616, %select_n3A_642 : vector<16xi1>, vector<16xi32>
      %select_n3A_644 = arith.select %gt3A_632, %broadcast_in_dim3A_629, %select_n3A_620 : vector<16xi1>, vector<16xi32>
      %select_n3A_645 = arith.select %gt3A_631, %select_n3A_618, %select_n3A_644 : vector<16xi1>, vector<16xi32>
      %select_n3A_646 = arith.select %gt3A_633, %broadcast_in_dim3A_629, %select_n3A_622 : vector<16xi1>, vector<16xi32>
      %select_n3A_647 = arith.select %gt3A_632, %select_n3A_620, %select_n3A_646 : vector<16xi1>, vector<16xi32>
      %scan3A_648 = arith.constant 3 : i32
      %scan3A_649 = arith.addi %scan3A_569, %scan3A_648 : i32
      %get3A_650 = arith.index_cast %scan3A_649 : i32 to index
      %get3A_651 = arith.constant 32 : index
      %get3A_652 = tpu.vector_load %arg5[%get3A_650, %get3A_651] {strides = array<i32>} : memref<200x128xf32, #tpu.memory_space<vmem>>, vector<1x16xf32>,
      %get3A_653 = vector.shape_cast %get3A_652 : vector<1x16xf32> to vector<16xf32>
      %broadcast_in_dim3A_654 = vector.broadcast %scan3A_649 : i32 to vector<16xi32>
      %gt3A_655 = arith.cmpf ogt, %get3A_653, %select_n3A_634 : vector<16xf32>
      %gt3A_656 = arith.cmpf ogt, %get3A_653, %select_n3A_636 : vector<16xf32>
      %gt3A_657 = arith.cmpf ogt, %get3A_653, %select_n3A_638 : vector<16xf32>
      %gt3A_658 = arith.cmpf ogt, %get3A_653, %select_n3A_640 : vector<16xf32>
      %select_n3A_659 = arith.select %gt3A_655, %get3A_653, %select_n3A_634 : vector<16xi1>, vector<16xf32>
      %select_n3A_660 = arith.select %gt3A_656, %get3A_653, %select_n3A_636 : vector<16xi1>, vector<16xf32>
      %select_n3A_661 = arith.select %gt3A_655, %select_n3A_634, %select_n3A_660 : vector<16xi1>, vector<16xf32>
      %select_n3A_662 = arith.select %gt3A_657, %get3A_653, %select_n3A_638 : vector<16xi1>, vector<16xf32>
      %select_n3A_663 = arith.select %gt3A_656, %select_n3A_636, %select_n3A_662 : vector<16xi1>, vector<16xf32>
      %select_n3A_664 = arith.select %gt3A_658, %get3A_653, %select_n3A_640 : vector<16xi1>, vector<16xf32>
      %select_n3A_665 = arith.select %gt3A_657, %select_n3A_638, %select_n3A_664 : vector<16xi1>, vector<16xf32>
      %select_n3A_666 = arith.select %gt3A_655, %broadcast_in_dim3A_654, %select_n3A_641 : vector<16xi1>, vector<16xi32>
      %select_n3A_667 = arith.select %gt3A_656, %broadcast_in_dim3A_654, %select_n3A_643 : vector<16xi1>, vector<16xi32>
      %select_n3A_668 = arith.select %gt3A_655, %select_n3A_641, %select_n3A_667 : vector<16xi1>, vector<16xi32>
      %select_n3A_669 = arith.select %gt3A_657, %broadcast_in_dim3A_654, %select_n3A_645 : vector<16xi1>, vector<16xi32>
      %select_n3A_670 = arith.select %gt3A_656, %select_n3A_643, %select_n3A_669 : vector<16xi1>, vector<16xi32>
      %select_n3A_671 = arith.select %gt3A_658, %broadcast_in_dim3A_654, %select_n3A_647 : vector<16xi1>, vector<16xi32>
      %select_n3A_672 = arith.select %gt3A_657, %select_n3A_645, %select_n3A_671 : vector<16xi1>, vector<16xi32>
      scf.yield %select_n3A_659, %select_n3A_661, %select_n3A_663, %select_n3A_665, %select_n3A_666, %select_n3A_668, %select_n3A_670, %select_n3A_672 : vector<16xf32>, vector<16xf32>, vector<16xf32>, vector<16xf32>, vector<16xi32>, vector<16xi32>, vector<16xi32>, vector<16xi32>
    }
    %scan3A_148 = arith.constant 200 : i32
    %sub3A_149 = arith.subf %scan3A_147#1, %scan3A_147#0 : vector<16xf32>
    %exp3A_150 = math.exp %sub3A_149 : vector<16xf32>
    %sub3A_151 = arith.subf %scan3A_147#2, %scan3A_147#0 : vector<16xf32>
    %exp3A_152 = math.exp %sub3A_151 : vector<16xf32>
    %sub3A_153 = arith.subf %scan3A_147#3, %scan3A_147#0 : vector<16xf32>
    %exp3A_154 = math.exp %sub3A_153 : vector<16xf32>
    %add3A_155 = arith.constant 1.000000e+00 : f32
    %add3A_156 = vector.broadcast %add3A_155 : f32 to vector<16xf32>
    %add3A_157 = arith.addf %add3A_156, %exp3A_150 : vector<16xf32>
    %add3A_158 = arith.addf %add3A_157, %exp3A_152 : vector<16xf32>
    %add3A_159 = arith.addf %add3A_158, %exp3A_154 : vector<16xf32>
    %div3A_160 = arith.constant 1.000000e+00 : f32
    %div3A_161 = vector.broadcast %div3A_160 : f32 to vector<16xf32>
    %div3A_162 = arith.divf %div3A_161, %add3A_159 : vector<16xf32>
    %mul3A_163 = arith.mulf %exp3A_150, %div3A_162 : vector<16xf32>
    %mul3A_164 = arith.mulf %exp3A_152, %div3A_162 : vector<16xf32>
    %mul3A_165 = arith.mulf %exp3A_154, %div3A_162 : vector<16xf32>
    %swap3A_166 = arith.constant 0 : i32
    %swap3A_167 = arith.index_cast %swap3A_166 : i32 to index
    %swap3A_168 = arith.constant 32 : index
    %swap3A_169 = tpu.vector_load %arg6[%swap3A_167, %swap3A_168] {strides = array<i32>} : memref<4x128xf32, #tpu.memory_space<vmem>>, vector<1x16xf32>,
    %swap3A_170 = vector.shape_cast %swap3A_169 : vector<1x16xf32> to vector<16xf32>
    %swap3A_171 = vector.shape_cast %div3A_162 : vector<16xf32> to vector<1x16xf32>
    tpu.vector_store %arg6[%swap3A_167, %swap3A_168], %swap3A_171 {strides = array<i32>} : memref<4x128xf32, #tpu.memory_space<vmem>>, vector<1x16xf32>,
    %swap3A_172 = arith.constant 0 : i32
    %swap3A_173 = arith.index_cast %swap3A_172 : i32 to index
    %swap3A_174 = arith.constant 32 : index
    %swap3A_175 = tpu.vector_load %arg7[%swap3A_173, %swap3A_174] {strides = array<i32>} : memref<4x128xi32, #tpu.memory_space<vmem>>, vector<1x16xi32>,
    %swap3A_176 = vector.shape_cast %swap3A_175 : vector<1x16xi32> to vector<16xi32>
    %swap3A_177 = vector.shape_cast %scan3A_147#4 : vector<16xi32> to vector<1x16xi32>
    tpu.vector_store %arg7[%swap3A_173, %swap3A_174], %swap3A_177 {strides = array<i32>} : memref<4x128xi32, #tpu.memory_space<vmem>>, vector<1x16xi32>,
    %swap3A_178 = arith.constant 1 : i32
    %swap3A_179 = arith.index_cast %swap3A_178 : i32 to index
    %swap3A_180 = arith.constant 32 : index
    %swap3A_181 = tpu.vector_load %arg6[%swap3A_179, %swap3A_180] {strides = array<i32>} : memref<4x128xf32, #tpu.memory_space<vmem>>, vector<1x16xf32>,
    %swap3A_182 = vector.shape_cast %swap3A_181 : vector<1x16xf32> to vector<16xf32>
    %swap3A_183 = vector.shape_cast %mul3A_163 : vector<16xf32> to vector<1x16xf32>
    tpu.vector_store %arg6[%swap3A_179, %swap3A_180], %swap3A_183 {strides = array<i32>} : memref<4x128xf32, #tpu.memory_space<vmem>>, vector<1x16xf32>,
    %swap3A_184 = arith.constant 1 : i32
    %swap3A_185 = arith.index_cast %swap3A_184 : i32 to index
    %swap3A_186 = arith.constant 32 : index
    %swap3A_187 = tpu.vector_load %arg7[%swap3A_185, %swap3A_186] {strides = array<i32>} : memref<4x128xi32, #tpu.memory_space<vmem>>, vector<1x16xi32>,
    %swap3A_188 = vector.shape_cast %swap3A_187 : vector<1x16xi32> to vector<16xi32>
    %swap3A_189 = vector.shape_cast %scan3A_147#5 : vector<16xi32> to vector<1x16xi32>
    tpu.vector_store %arg7[%swap3A_185, %swap3A_186], %swap3A_189 {strides = array<i32>} : memref<4x128xi32, #tpu.memory_space<vmem>>, vector<1x16xi32>,
    %swap3A_190 = arith.constant 2 : i32
    %swap3A_191 = arith.index_cast %swap3A_190 : i32 to index
    %swap3A_192 = arith.constant 32 : index
    %swap3A_193 = tpu.vector_load %arg6[%swap3A_191, %swap3A_192] {strides = array<i32>} : memref<4x128xf32, #tpu.memory_space<vmem>>, vector<1x16xf32>,
    %swap3A_194 = vector.shape_cast %swap3A_193 : vector<1x16xf32> to vector<16xf32>
    %swap3A_195 = vector.shape_cast %mul3A_164 : vector<16xf32> to vector<1x16xf32>
    tpu.vector_store %arg6[%swap3A_191, %swap3A_192], %swap3A_195 {strides = array<i32>} : memref<4x128xf32, #tpu.memory_space<vmem>>, vector<1x16xf32>,
    %swap3A_196 = arith.constant 2 : i32
    %swap3A_197 = arith.index_cast %swap3A_196 : i32 to index
    %swap3A_198 = arith.constant 32 : index
    %swap3A_199 = tpu.vector_load %arg7[%swap3A_197, %swap3A_198] {strides = array<i32>} : memref<4x128xi32, #tpu.memory_space<vmem>>, vector<1x16xi32>,
    %swap3A_200 = vector.shape_cast %swap3A_199 : vector<1x16xi32> to vector<16xi32>
    %swap3A_201 = vector.shape_cast %scan3A_147#6 : vector<16xi32> to vector<1x16xi32>
    tpu.vector_store %arg7[%swap3A_197, %swap3A_198], %swap3A_201 {strides = array<i32>} : memref<4x128xi32, #tpu.memory_space<vmem>>, vector<1x16xi32>,
    %swap3A_202 = arith.constant 3 : i32
    %swap3A_203 = arith.index_cast %swap3A_202 : i32 to index
    %swap3A_204 = arith.constant 32 : index
    %swap3A_205 = tpu.vector_load %arg6[%swap3A_203, %swap3A_204] {strides = array<i32>} : memref<4x128xf32, #tpu.memory_space<vmem>>, vector<1x16xf32>,
    %swap3A_206 = vector.shape_cast %swap3A_205 : vector<1x16xf32> to vector<16xf32>
    %swap3A_207 = vector.shape_cast %mul3A_165 : vector<16xf32> to vector<1x16xf32>
    tpu.vector_store %arg6[%swap3A_203, %swap3A_204], %swap3A_207 {strides = array<i32>} : memref<4x128xf32, #tpu.memory_space<vmem>>, vector<1x16xf32>,
    %swap3A_208 = arith.constant 3 : i32
    %swap3A_209 = arith.index_cast %swap3A_208 : i32 to index
    %swap3A_210 = arith.constant 32 : index
    %swap3A_211 = tpu.vector_load %arg7[%swap3A_209, %swap3A_210] {strides = array<i32>} : memref<4x128xi32, #tpu.memory_space<vmem>>, vector<1x16xi32>,
    %swap3A_212 = vector.shape_cast %swap3A_211 : vector<1x16xi32> to vector<16xi32>
    %swap3A_213 = vector.shape_cast %scan3A_147#7 : vector<16xi32> to vector<1x16xi32>
    tpu.vector_store %arg7[%swap3A_209, %swap3A_210], %swap3A_213 {strides = array<i32>} : memref<4x128xi32, #tpu.memory_space<vmem>>, vector<1x16xi32>,
    %scan3A_214 = arith.constant 0 : i32
    %scan3A_215 = arith.constant 200 : i32
    %scan3A_216 = arith.addi %scan3A_214, %scan3A_215 : i32
    %scan3A_217 = arith.constant 4 : i32
    %scan3A_218:8 = scf.for %scan3A_569 = %scan3A_214 to %scan3A_216 step %scan3A_217 iter_args(%scan3A_570 = %broadcast_in_dim3A_3, %scan3A_571 = %broadcast_in_dim3A_3, %scan3A_572 = %broadcast_in_dim3A_3, %scan3A_573 = %broadcast_in_dim3A_3, %scan3A_574 = %broadcast_in_dim3A_5, %scan3A_575 = %broadcast_in_dim3A_5, %scan3A_576 = %broadcast_in_dim3A_5, %scan3A_577 = %broadcast_in_dim3A_5) -> (vector<16xf32>, vector<16xf32>, vector<16xf32>, vector<16xf32>, vector<16xi32>, vector<16xi32>, vector<16xi32>, vector<16xi32>)  : i32 {
      %get3A = arith.index_cast %scan3A_569 : i32 to index
      %get3A_578 = arith.constant 48 : index
      %get3A_579 = tpu.vector_load %arg5[%get3A, %get3A_578] {strides = array<i32>} : memref<200x128xf32, #tpu.memory_space<vmem>>, vector<1x16xf32>,
      %get3A_580 = vector.shape_cast %get3A_579 : vector<1x16xf32> to vector<16xf32>
      %broadcast_in_dim3A_581 = vector.broadcast %scan3A_569 : i32 to vector<16xi32>
      %gt3A = arith.cmpf ogt, %get3A_580, %scan3A_570 : vector<16xf32>
      %gt3A_582 = arith.cmpf ogt, %get3A_580, %scan3A_571 : vector<16xf32>
      %gt3A_583 = arith.cmpf ogt, %get3A_580, %scan3A_572 : vector<16xf32>
      %gt3A_584 = arith.cmpf ogt, %get3A_580, %scan3A_573 : vector<16xf32>
      %select_n3A = arith.select %gt3A, %get3A_580, %scan3A_570 : vector<16xi1>, vector<16xf32>
      %select_n3A_585 = arith.select %gt3A_582, %get3A_580, %scan3A_571 : vector<16xi1>, vector<16xf32>
      %select_n3A_586 = arith.select %gt3A, %scan3A_570, %select_n3A_585 : vector<16xi1>, vector<16xf32>
      %select_n3A_587 = arith.select %gt3A_583, %get3A_580, %scan3A_572 : vector<16xi1>, vector<16xf32>
      %select_n3A_588 = arith.select %gt3A_582, %scan3A_571, %select_n3A_587 : vector<16xi1>, vector<16xf32>
      %select_n3A_589 = arith.select %gt3A_584, %get3A_580, %scan3A_573 : vector<16xi1>, vector<16xf32>
      %select_n3A_590 = arith.select %gt3A_583, %scan3A_572, %select_n3A_589 : vector<16xi1>, vector<16xf32>
      %select_n3A_591 = arith.select %gt3A, %broadcast_in_dim3A_581, %scan3A_574 : vector<16xi1>, vector<16xi32>
      %select_n3A_592 = arith.select %gt3A_582, %broadcast_in_dim3A_581, %scan3A_575 : vector<16xi1>, vector<16xi32>
      %select_n3A_593 = arith.select %gt3A, %scan3A_574, %select_n3A_592 : vector<16xi1>, vector<16xi32>
      %select_n3A_594 = arith.select %gt3A_583, %broadcast_in_dim3A_581, %scan3A_576 : vector<16xi1>, vector<16xi32>
      %select_n3A_595 = arith.select %gt3A_582, %scan3A_575, %select_n3A_594 : vector<16xi1>, vector<16xi32>
      %select_n3A_596 = arith.select %gt3A_584, %broadcast_in_dim3A_581, %scan3A_577 : vector<16xi1>, vector<16xi32>
      %select_n3A_597 = arith.select %gt3A_583, %scan3A_576, %select_n3A_596 : vector<16xi1>, vector<16xi32>
      %scan3A_598 = arith.constant 1 : i32
      %scan3A_599 = arith.addi %scan3A_569, %scan3A_598 : i32
      %get3A_600 = arith.index_cast %scan3A_599 : i32 to index
      %get3A_601 = arith.constant 48 : index
      %get3A_602 = tpu.vector_load %arg5[%get3A_600, %get3A_601] {strides = array<i32>} : memref<200x128xf32, #tpu.memory_space<vmem>>, vector<1x16xf32>,
      %get3A_603 = vector.shape_cast %get3A_602 : vector<1x16xf32> to vector<16xf32>
      %broadcast_in_dim3A_604 = vector.broadcast %scan3A_599 : i32 to vector<16xi32>
      %gt3A_605 = arith.cmpf ogt, %get3A_603, %select_n3A : vector<16xf32>
      %gt3A_606 = arith.cmpf ogt, %get3A_603, %select_n3A_586 : vector<16xf32>
      %gt3A_607 = arith.cmpf ogt, %get3A_603, %select_n3A_588 : vector<16xf32>
      %gt3A_608 = arith.cmpf ogt, %get3A_603, %select_n3A_590 : vector<16xf32>
      %select_n3A_609 = arith.select %gt3A_605, %get3A_603, %select_n3A : vector<16xi1>, vector<16xf32>
      %select_n3A_610 = arith.select %gt3A_606, %get3A_603, %select_n3A_586 : vector<16xi1>, vector<16xf32>
      %select_n3A_611 = arith.select %gt3A_605, %select_n3A, %select_n3A_610 : vector<16xi1>, vector<16xf32>
      %select_n3A_612 = arith.select %gt3A_607, %get3A_603, %select_n3A_588 : vector<16xi1>, vector<16xf32>
      %select_n3A_613 = arith.select %gt3A_606, %select_n3A_586, %select_n3A_612 : vector<16xi1>, vector<16xf32>
      %select_n3A_614 = arith.select %gt3A_608, %get3A_603, %select_n3A_590 : vector<16xi1>, vector<16xf32>
      %select_n3A_615 = arith.select %gt3A_607, %select_n3A_588, %select_n3A_614 : vector<16xi1>, vector<16xf32>
      %select_n3A_616 = arith.select %gt3A_605, %broadcast_in_dim3A_604, %select_n3A_591 : vector<16xi1>, vector<16xi32>
      %select_n3A_617 = arith.select %gt3A_606, %broadcast_in_dim3A_604, %select_n3A_593 : vector<16xi1>, vector<16xi32>
      %select_n3A_618 = arith.select %gt3A_605, %select_n3A_591, %select_n3A_617 : vector<16xi1>, vector<16xi32>
      %select_n3A_619 = arith.select %gt3A_607, %broadcast_in_dim3A_604, %select_n3A_595 : vector<16xi1>, vector<16xi32>
      %select_n3A_620 = arith.select %gt3A_606, %select_n3A_593, %select_n3A_619 : vector<16xi1>, vector<16xi32>
      %select_n3A_621 = arith.select %gt3A_608, %broadcast_in_dim3A_604, %select_n3A_597 : vector<16xi1>, vector<16xi32>
      %select_n3A_622 = arith.select %gt3A_607, %select_n3A_595, %select_n3A_621 : vector<16xi1>, vector<16xi32>
      %scan3A_623 = arith.constant 2 : i32
      %scan3A_624 = arith.addi %scan3A_569, %scan3A_623 : i32
      %get3A_625 = arith.index_cast %scan3A_624 : i32 to index
      %get3A_626 = arith.constant 48 : index
      %get3A_627 = tpu.vector_load %arg5[%get3A_625, %get3A_626] {strides = array<i32>} : memref<200x128xf32, #tpu.memory_space<vmem>>, vector<1x16xf32>,
      %get3A_628 = vector.shape_cast %get3A_627 : vector<1x16xf32> to vector<16xf32>
      %broadcast_in_dim3A_629 = vector.broadcast %scan3A_624 : i32 to vector<16xi32>
      %gt3A_630 = arith.cmpf ogt, %get3A_628, %select_n3A_609 : vector<16xf32>
      %gt3A_631 = arith.cmpf ogt, %get3A_628, %select_n3A_611 : vector<16xf32>
      %gt3A_632 = arith.cmpf ogt, %get3A_628, %select_n3A_613 : vector<16xf32>
      %gt3A_633 = arith.cmpf ogt, %get3A_628, %select_n3A_615 : vector<16xf32>
      %select_n3A_634 = arith.select %gt3A_630, %get3A_628, %select_n3A_609 : vector<16xi1>, vector<16xf32>
      %select_n3A_635 = arith.select %gt3A_631, %get3A_628, %select_n3A_611 : vector<16xi1>, vector<16xf32>
      %select_n3A_636 = arith.select %gt3A_630, %select_n3A_609, %select_n3A_635 : vector<16xi1>, vector<16xf32>
      %select_n3A_637 = arith.select %gt3A_632, %get3A_628, %select_n3A_613 : vector<16xi1>, vector<16xf32>
      %select_n3A_638 = arith.select %gt3A_631, %select_n3A_611, %select_n3A_637 : vector<16xi1>, vector<16xf32>
      %select_n3A_639 = arith.select %gt3A_633, %get3A_628, %select_n3A_615 : vector<16xi1>, vector<16xf32>
      %select_n3A_640 = arith.select %gt3A_632, %select_n3A_613, %select_n3A_639 : vector<16xi1>, vector<16xf32>
      %select_n3A_641 = arith.select %gt3A_630, %broadcast_in_dim3A_629, %select_n3A_616 : vector<16xi1>, vector<16xi32>
      %select_n3A_642 = arith.select %gt3A_631, %broadcast_in_dim3A_629, %select_n3A_618 : vector<16xi1>, vector<16xi32>
      %select_n3A_643 = arith.select %gt3A_630, %select_n3A_616, %select_n3A_642 : vector<16xi1>, vector<16xi32>
      %select_n3A_644 = arith.select %gt3A_632, %broadcast_in_dim3A_629, %select_n3A_620 : vector<16xi1>, vector<16xi32>
      %select_n3A_645 = arith.select %gt3A_631, %select_n3A_618, %select_n3A_644 : vector<16xi1>, vector<16xi32>
      %select_n3A_646 = arith.select %gt3A_633, %broadcast_in_dim3A_629, %select_n3A_622 : vector<16xi1>, vector<16xi32>
      %select_n3A_647 = arith.select %gt3A_632, %select_n3A_620, %select_n3A_646 : vector<16xi1>, vector<16xi32>
      %scan3A_648 = arith.constant 3 : i32
      %scan3A_649 = arith.addi %scan3A_569, %scan3A_648 : i32
      %get3A_650 = arith.index_cast %scan3A_649 : i32 to index
      %get3A_651 = arith.constant 48 : index
      %get3A_652 = tpu.vector_load %arg5[%get3A_650, %get3A_651] {strides = array<i32>} : memref<200x128xf32, #tpu.memory_space<vmem>>, vector<1x16xf32>,
      %get3A_653 = vector.shape_cast %get3A_652 : vector<1x16xf32> to vector<16xf32>
      %broadcast_in_dim3A_654 = vector.broadcast %scan3A_649 : i32 to vector<16xi32>
      %gt3A_655 = arith.cmpf ogt, %get3A_653, %select_n3A_634 : vector<16xf32>
      %gt3A_656 = arith.cmpf ogt, %get3A_653, %select_n3A_636 : vector<16xf32>
      %gt3A_657 = arith.cmpf ogt, %get3A_653, %select_n3A_638 : vector<16xf32>
      %gt3A_658 = arith.cmpf ogt, %get3A_653, %select_n3A_640 : vector<16xf32>
      %select_n3A_659 = arith.select %gt3A_655, %get3A_653, %select_n3A_634 : vector<16xi1>, vector<16xf32>
      %select_n3A_660 = arith.select %gt3A_656, %get3A_653, %select_n3A_636 : vector<16xi1>, vector<16xf32>
      %select_n3A_661 = arith.select %gt3A_655, %select_n3A_634, %select_n3A_660 : vector<16xi1>, vector<16xf32>
      %select_n3A_662 = arith.select %gt3A_657, %get3A_653, %select_n3A_638 : vector<16xi1>, vector<16xf32>
      %select_n3A_663 = arith.select %gt3A_656, %select_n3A_636, %select_n3A_662 : vector<16xi1>, vector<16xf32>
      %select_n3A_664 = arith.select %gt3A_658, %get3A_653, %select_n3A_640 : vector<16xi1>, vector<16xf32>
      %select_n3A_665 = arith.select %gt3A_657, %select_n3A_638, %select_n3A_664 : vector<16xi1>, vector<16xf32>
      %select_n3A_666 = arith.select %gt3A_655, %broadcast_in_dim3A_654, %select_n3A_641 : vector<16xi1>, vector<16xi32>
      %select_n3A_667 = arith.select %gt3A_656, %broadcast_in_dim3A_654, %select_n3A_643 : vector<16xi1>, vector<16xi32>
      %select_n3A_668 = arith.select %gt3A_655, %select_n3A_641, %select_n3A_667 : vector<16xi1>, vector<16xi32>
      %select_n3A_669 = arith.select %gt3A_657, %broadcast_in_dim3A_654, %select_n3A_645 : vector<16xi1>, vector<16xi32>
      %select_n3A_670 = arith.select %gt3A_656, %select_n3A_643, %select_n3A_669 : vector<16xi1>, vector<16xi32>
      %select_n3A_671 = arith.select %gt3A_658, %broadcast_in_dim3A_654, %select_n3A_647 : vector<16xi1>, vector<16xi32>
      %select_n3A_672 = arith.select %gt3A_657, %select_n3A_645, %select_n3A_671 : vector<16xi1>, vector<16xi32>
      scf.yield %select_n3A_659, %select_n3A_661, %select_n3A_663, %select_n3A_665, %select_n3A_666, %select_n3A_668, %select_n3A_670, %select_n3A_672 : vector<16xf32>, vector<16xf32>, vector<16xf32>, vector<16xf32>, vector<16xi32>, vector<16xi32>, vector<16xi32>, vector<16xi32>
    }
    %scan3A_219 = arith.constant 200 : i32
    %sub3A_220 = arith.subf %scan3A_218#1, %scan3A_218#0 : vector<16xf32>
    %exp3A_221 = math.exp %sub3A_220 : vector<16xf32>
    %sub3A_222 = arith.subf %scan3A_218#2, %scan3A_218#0 : vector<16xf32>
    %exp3A_223 = math.exp %sub3A_222 : vector<16xf32>
    %sub3A_224 = arith.subf %scan3A_218#3, %scan3A_218#0 : vector<16xf32>
    %exp3A_225 = math.exp %sub3A_224 : vector<16xf32>
    %add3A_226 = arith.constant 1.000000e+00 : f32
    %add3A_227 = vector.broadcast %add3A_226 : f32 to vector<16xf32>
    %add3A_228 = arith.addf %add3A_227, %exp3A_221 : vector<16xf32>
    %add3A_229 = arith.addf %add3A_228, %exp3A_223 : vector<16xf32>
    %add3A_230 = arith.addf %add3A_229, %exp3A_225 : vector<16xf32>
    %div3A_231 = arith.constant 1.000000e+00 : f32
    %div3A_232 = vector.broadcast %div3A_231 : f32 to vector<16xf32>
    %div3A_233 = arith.divf %div3A_232, %add3A_230 : vector<16xf32>
    %mul3A_234 = arith.mulf %exp3A_221, %div3A_233 : vector<16xf32>
    %mul3A_235 = arith.mulf %exp3A_223, %div3A_233 : vector<16xf32>
    %mul3A_236 = arith.mulf %exp3A_225, %div3A_233 : vector<16xf32>
    %swap3A_237 = arith.constant 0 : i32
    %swap3A_238 = arith.index_cast %swap3A_237 : i32 to index
    %swap3A_239 = arith.constant 48 : index
    %swap3A_240 = tpu.vector_load %arg6[%swap3A_238, %swap3A_239] {strides = array<i32>} : memref<4x128xf32, #tpu.memory_space<vmem>>, vector<1x16xf32>,
    %swap3A_241 = vector.shape_cast %swap3A_240 : vector<1x16xf32> to vector<16xf32>
    %swap3A_242 = vector.shape_cast %div3A_233 : vector<16xf32> to vector<1x16xf32>
    tpu.vector_store %arg6[%swap3A_238, %swap3A_239], %swap3A_242 {strides = array<i32>} : memref<4x128xf32, #tpu.memory_space<vmem>>, vector<1x16xf32>,
    %swap3A_243 = arith.constant 0 : i32
    %swap3A_244 = arith.index_cast %swap3A_243 : i32 to index
    %swap3A_245 = arith.constant 48 : index
    %swap3A_246 = tpu.vector_load %arg7[%swap3A_244, %swap3A_245] {strides = array<i32>} : memref<4x128xi32, #tpu.memory_space<vmem>>, vector<1x16xi32>,
    %swap3A_247 = vector.shape_cast %swap3A_246 : vector<1x16xi32> to vector<16xi32>
    %swap3A_248 = vector.shape_cast %scan3A_218#4 : vector<16xi32> to vector<1x16xi32>
    tpu.vector_store %arg7[%swap3A_244, %swap3A_245], %swap3A_248 {strides = array<i32>} : memref<4x128xi32, #tpu.memory_space<vmem>>, vector<1x16xi32>,
    %swap3A_249 = arith.constant 1 : i32
    %swap3A_250 = arith.index_cast %swap3A_249 : i32 to index
    %swap3A_251 = arith.constant 48 : index
    %swap3A_252 = tpu.vector_load %arg6[%swap3A_250, %swap3A_251] {strides = array<i32>} : memref<4x128xf32, #tpu.memory_space<vmem>>, vector<1x16xf32>,
    %swap3A_253 = vector.shape_cast %swap3A_252 : vector<1x16xf32> to vector<16xf32>
    %swap3A_254 = vector.shape_cast %mul3A_234 : vector<16xf32> to vector<1x16xf32>
    tpu.vector_store %arg6[%swap3A_250, %swap3A_251], %swap3A_254 {strides = array<i32>} : memref<4x128xf32, #tpu.memory_space<vmem>>, vector<1x16xf32>,
    %swap3A_255 = arith.constant 1 : i32
    %swap3A_256 = arith.index_cast %swap3A_255 : i32 to index
    %swap3A_257 = arith.constant 48 : index
    %swap3A_258 = tpu.vector_load %arg7[%swap3A_256, %swap3A_257] {strides = array<i32>} : memref<4x128xi32, #tpu.memory_space<vmem>>, vector<1x16xi32>,
    %swap3A_259 = vector.shape_cast %swap3A_258 : vector<1x16xi32> to vector<16xi32>
    %swap3A_260 = vector.shape_cast %scan3A_218#5 : vector<16xi32> to vector<1x16xi32>
    tpu.vector_store %arg7[%swap3A_256, %swap3A_257], %swap3A_260 {strides = array<i32>} : memref<4x128xi32, #tpu.memory_space<vmem>>, vector<1x16xi32>,
    %swap3A_261 = arith.constant 2 : i32
    %swap3A_262 = arith.index_cast %swap3A_261 : i32 to index
    %swap3A_263 = arith.constant 48 : index
    %swap3A_264 = tpu.vector_load %arg6[%swap3A_262, %swap3A_263] {strides = array<i32>} : memref<4x128xf32, #tpu.memory_space<vmem>>, vector<1x16xf32>,
    %swap3A_265 = vector.shape_cast %swap3A_264 : vector<1x16xf32> to vector<16xf32>
    %swap3A_266 = vector.shape_cast %mul3A_235 : vector<16xf32> to vector<1x16xf32>
    tpu.vector_store %arg6[%swap3A_262, %swap3A_263], %swap3A_266 {strides = array<i32>} : memref<4x128xf32, #tpu.memory_space<vmem>>, vector<1x16xf32>,
    %swap3A_267 = arith.constant 2 : i32
    %swap3A_268 = arith.index_cast %swap3A_267 : i32 to index
    %swap3A_269 = arith.constant 48 : index
    %swap3A_270 = tpu.vector_load %arg7[%swap3A_268, %swap3A_269] {strides = array<i32>} : memref<4x128xi32, #tpu.memory_space<vmem>>, vector<1x16xi32>,
    %swap3A_271 = vector.shape_cast %swap3A_270 : vector<1x16xi32> to vector<16xi32>
    %swap3A_272 = vector.shape_cast %scan3A_218#6 : vector<16xi32> to vector<1x16xi32>
    tpu.vector_store %arg7[%swap3A_268, %swap3A_269], %swap3A_272 {strides = array<i32>} : memref<4x128xi32, #tpu.memory_space<vmem>>, vector<1x16xi32>,
    %swap3A_273 = arith.constant 3 : i32
    %swap3A_274 = arith.index_cast %swap3A_273 : i32 to index
    %swap3A_275 = arith.constant 48 : index
    %swap3A_276 = tpu.vector_load %arg6[%swap3A_274, %swap3A_275] {strides = array<i32>} : memref<4x128xf32, #tpu.memory_space<vmem>>, vector<1x16xf32>,
    %swap3A_277 = vector.shape_cast %swap3A_276 : vector<1x16xf32> to vector<16xf32>
    %swap3A_278 = vector.shape_cast %mul3A_236 : vector<16xf32> to vector<1x16xf32>
    tpu.vector_store %arg6[%swap3A_274, %swap3A_275], %swap3A_278 {strides = array<i32>} : memref<4x128xf32, #tpu.memory_space<vmem>>, vector<1x16xf32>,
    %swap3A_279 = arith.constant 3 : i32
    %swap3A_280 = arith.index_cast %swap3A_279 : i32 to index
    %swap3A_281 = arith.constant 48 : index
    %swap3A_282 = tpu.vector_load %arg7[%swap3A_280, %swap3A_281] {strides = array<i32>} : memref<4x128xi32, #tpu.memory_space<vmem>>, vector<1x16xi32>,
    %swap3A_283 = vector.shape_cast %swap3A_282 : vector<1x16xi32> to vector<16xi32>
    %swap3A_284 = vector.shape_cast %scan3A_218#7 : vector<16xi32> to vector<1x16xi32>
    tpu.vector_store %arg7[%swap3A_280, %swap3A_281], %swap3A_284 {strides = array<i32>} : memref<4x128xi32, #tpu.memory_space<vmem>>, vector<1x16xi32>,
    %scan3A_285 = arith.constant 0 : i32
    %scan3A_286 = arith.constant 200 : i32
    %scan3A_287 = arith.addi %scan3A_285, %scan3A_286 : i32
    %scan3A_288 = arith.constant 4 : i32
    %scan3A_289:8 = scf.for %scan3A_569 = %scan3A_285 to %scan3A_287 step %scan3A_288 iter_args(%scan3A_570 = %broadcast_in_dim3A_3, %scan3A_571 = %broadcast_in_dim3A_3, %scan3A_572 = %broadcast_in_dim3A_3, %scan3A_573 = %broadcast_in_dim3A_3, %scan3A_574 = %broadcast_in_dim3A_5, %scan3A_575 = %broadcast_in_dim3A_5, %scan3A_576 = %broadcast_in_dim3A_5, %scan3A_577 = %broadcast_in_dim3A_5) -> (vector<16xf32>, vector<16xf32>, vector<16xf32>, vector<16xf32>, vector<16xi32>, vector<16xi32>, vector<16xi32>, vector<16xi32>)  : i32 {
      %get3A = arith.index_cast %scan3A_569 : i32 to index
      %get3A_578 = arith.constant 64 : index
      %get3A_579 = tpu.vector_load %arg5[%get3A, %get3A_578] {strides = array<i32>} : memref<200x128xf32, #tpu.memory_space<vmem>>, vector<1x16xf32>,
      %get3A_580 = vector.shape_cast %get3A_579 : vector<1x16xf32> to vector<16xf32>
      %broadcast_in_dim3A_581 = vector.broadcast %scan3A_569 : i32 to vector<16xi32>
      %gt3A = arith.cmpf ogt, %get3A_580, %scan3A_570 : vector<16xf32>
      %gt3A_582 = arith.cmpf ogt, %get3A_580, %scan3A_571 : vector<16xf32>
      %gt3A_583 = arith.cmpf ogt, %get3A_580, %scan3A_572 : vector<16xf32>
      %gt3A_584 = arith.cmpf ogt, %get3A_580, %scan3A_573 : vector<16xf32>
      %select_n3A = arith.select %gt3A, %get3A_580, %scan3A_570 : vector<16xi1>, vector<16xf32>
      %select_n3A_585 = arith.select %gt3A_582, %get3A_580, %scan3A_571 : vector<16xi1>, vector<16xf32>
      %select_n3A_586 = arith.select %gt3A, %scan3A_570, %select_n3A_585 : vector<16xi1>, vector<16xf32>
      %select_n3A_587 = arith.select %gt3A_583, %get3A_580, %scan3A_572 : vector<16xi1>, vector<16xf32>
      %select_n3A_588 = arith.select %gt3A_582, %scan3A_571, %select_n3A_587 : vector<16xi1>, vector<16xf32>
      %select_n3A_589 = arith.select %gt3A_584, %get3A_580, %scan3A_573 : vector<16xi1>, vector<16xf32>
      %select_n3A_590 = arith.select %gt3A_583, %scan3A_572, %select_n3A_589 : vector<16xi1>, vector<16xf32>
      %select_n3A_591 = arith.select %gt3A, %broadcast_in_dim3A_581, %scan3A_574 : vector<16xi1>, vector<16xi32>
      %select_n3A_592 = arith.select %gt3A_582, %broadcast_in_dim3A_581, %scan3A_575 : vector<16xi1>, vector<16xi32>
      %select_n3A_593 = arith.select %gt3A, %scan3A_574, %select_n3A_592 : vector<16xi1>, vector<16xi32>
      %select_n3A_594 = arith.select %gt3A_583, %broadcast_in_dim3A_581, %scan3A_576 : vector<16xi1>, vector<16xi32>
      %select_n3A_595 = arith.select %gt3A_582, %scan3A_575, %select_n3A_594 : vector<16xi1>, vector<16xi32>
      %select_n3A_596 = arith.select %gt3A_584, %broadcast_in_dim3A_581, %scan3A_577 : vector<16xi1>, vector<16xi32>
      %select_n3A_597 = arith.select %gt3A_583, %scan3A_576, %select_n3A_596 : vector<16xi1>, vector<16xi32>
      %scan3A_598 = arith.constant 1 : i32
      %scan3A_599 = arith.addi %scan3A_569, %scan3A_598 : i32
      %get3A_600 = arith.index_cast %scan3A_599 : i32 to index
      %get3A_601 = arith.constant 64 : index
      %get3A_602 = tpu.vector_load %arg5[%get3A_600, %get3A_601] {strides = array<i32>} : memref<200x128xf32, #tpu.memory_space<vmem>>, vector<1x16xf32>,
      %get3A_603 = vector.shape_cast %get3A_602 : vector<1x16xf32> to vector<16xf32>
      %broadcast_in_dim3A_604 = vector.broadcast %scan3A_599 : i32 to vector<16xi32>
      %gt3A_605 = arith.cmpf ogt, %get3A_603, %select_n3A : vector<16xf32>
      %gt3A_606 = arith.cmpf ogt, %get3A_603, %select_n3A_586 : vector<16xf32>
      %gt3A_607 = arith.cmpf ogt, %get3A_603, %select_n3A_588 : vector<16xf32>
      %gt3A_608 = arith.cmpf ogt, %get3A_603, %select_n3A_590 : vector<16xf32>
      %select_n3A_609 = arith.select %gt3A_605, %get3A_603, %select_n3A : vector<16xi1>, vector<16xf32>
      %select_n3A_610 = arith.select %gt3A_606, %get3A_603, %select_n3A_586 : vector<16xi1>, vector<16xf32>
      %select_n3A_611 = arith.select %gt3A_605, %select_n3A, %select_n3A_610 : vector<16xi1>, vector<16xf32>
      %select_n3A_612 = arith.select %gt3A_607, %get3A_603, %select_n3A_588 : vector<16xi1>, vector<16xf32>
      %select_n3A_613 = arith.select %gt3A_606, %select_n3A_586, %select_n3A_612 : vector<16xi1>, vector<16xf32>
      %select_n3A_614 = arith.select %gt3A_608, %get3A_603, %select_n3A_590 : vector<16xi1>, vector<16xf32>
      %select_n3A_615 = arith.select %gt3A_607, %select_n3A_588, %select_n3A_614 : vector<16xi1>, vector<16xf32>
      %select_n3A_616 = arith.select %gt3A_605, %broadcast_in_dim3A_604, %select_n3A_591 : vector<16xi1>, vector<16xi32>
      %select_n3A_617 = arith.select %gt3A_606, %broadcast_in_dim3A_604, %select_n3A_593 : vector<16xi1>, vector<16xi32>
      %select_n3A_618 = arith.select %gt3A_605, %select_n3A_591, %select_n3A_617 : vector<16xi1>, vector<16xi32>
      %select_n3A_619 = arith.select %gt3A_607, %broadcast_in_dim3A_604, %select_n3A_595 : vector<16xi1>, vector<16xi32>
      %select_n3A_620 = arith.select %gt3A_606, %select_n3A_593, %select_n3A_619 : vector<16xi1>, vector<16xi32>
      %select_n3A_621 = arith.select %gt3A_608, %broadcast_in_dim3A_604, %select_n3A_597 : vector<16xi1>, vector<16xi32>
      %select_n3A_622 = arith.select %gt3A_607, %select_n3A_595, %select_n3A_621 : vector<16xi1>, vector<16xi32>
      %scan3A_623 = arith.constant 2 : i32
      %scan3A_624 = arith.addi %scan3A_569, %scan3A_623 : i32
      %get3A_625 = arith.index_cast %scan3A_624 : i32 to index
      %get3A_626 = arith.constant 64 : index
      %get3A_627 = tpu.vector_load %arg5[%get3A_625, %get3A_626] {strides = array<i32>} : memref<200x128xf32, #tpu.memory_space<vmem>>, vector<1x16xf32>,
      %get3A_628 = vector.shape_cast %get3A_627 : vector<1x16xf32> to vector<16xf32>
      %broadcast_in_dim3A_629 = vector.broadcast %scan3A_624 : i32 to vector<16xi32>
      %gt3A_630 = arith.cmpf ogt, %get3A_628, %select_n3A_609 : vector<16xf32>
      %gt3A_631 = arith.cmpf ogt, %get3A_628, %select_n3A_611 : vector<16xf32>
      %gt3A_632 = arith.cmpf ogt, %get3A_628, %select_n3A_613 : vector<16xf32>
      %gt3A_633 = arith.cmpf ogt, %get3A_628, %select_n3A_615 : vector<16xf32>
      %select_n3A_634 = arith.select %gt3A_630, %get3A_628, %select_n3A_609 : vector<16xi1>, vector<16xf32>
      %select_n3A_635 = arith.select %gt3A_631, %get3A_628, %select_n3A_611 : vector<16xi1>, vector<16xf32>
      %select_n3A_636 = arith.select %gt3A_630, %select_n3A_609, %select_n3A_635 : vector<16xi1>, vector<16xf32>
      %select_n3A_637 = arith.select %gt3A_632, %get3A_628, %select_n3A_613 : vector<16xi1>, vector<16xf32>
      %select_n3A_638 = arith.select %gt3A_631, %select_n3A_611, %select_n3A_637 : vector<16xi1>, vector<16xf32>
      %select_n3A_639 = arith.select %gt3A_633, %get3A_628, %select_n3A_615 : vector<16xi1>, vector<16xf32>
      %select_n3A_640 = arith.select %gt3A_632, %select_n3A_613, %select_n3A_639 : vector<16xi1>, vector<16xf32>
      %select_n3A_641 = arith.select %gt3A_630, %broadcast_in_dim3A_629, %select_n3A_616 : vector<16xi1>, vector<16xi32>
      %select_n3A_642 = arith.select %gt3A_631, %broadcast_in_dim3A_629, %select_n3A_618 : vector<16xi1>, vector<16xi32>
      %select_n3A_643 = arith.select %gt3A_630, %select_n3A_616, %select_n3A_642 : vector<16xi1>, vector<16xi32>
      %select_n3A_644 = arith.select %gt3A_632, %broadcast_in_dim3A_629, %select_n3A_620 : vector<16xi1>, vector<16xi32>
      %select_n3A_645 = arith.select %gt3A_631, %select_n3A_618, %select_n3A_644 : vector<16xi1>, vector<16xi32>
      %select_n3A_646 = arith.select %gt3A_633, %broadcast_in_dim3A_629, %select_n3A_622 : vector<16xi1>, vector<16xi32>
      %select_n3A_647 = arith.select %gt3A_632, %select_n3A_620, %select_n3A_646 : vector<16xi1>, vector<16xi32>
      %scan3A_648 = arith.constant 3 : i32
      %scan3A_649 = arith.addi %scan3A_569, %scan3A_648 : i32
      %get3A_650 = arith.index_cast %scan3A_649 : i32 to index
      %get3A_651 = arith.constant 64 : index
      %get3A_652 = tpu.vector_load %arg5[%get3A_650, %get3A_651] {strides = array<i32>} : memref<200x128xf32, #tpu.memory_space<vmem>>, vector<1x16xf32>,
      %get3A_653 = vector.shape_cast %get3A_652 : vector<1x16xf32> to vector<16xf32>
      %broadcast_in_dim3A_654 = vector.broadcast %scan3A_649 : i32 to vector<16xi32>
      %gt3A_655 = arith.cmpf ogt, %get3A_653, %select_n3A_634 : vector<16xf32>
      %gt3A_656 = arith.cmpf ogt, %get3A_653, %select_n3A_636 : vector<16xf32>
      %gt3A_657 = arith.cmpf ogt, %get3A_653, %select_n3A_638 : vector<16xf32>
      %gt3A_658 = arith.cmpf ogt, %get3A_653, %select_n3A_640 : vector<16xf32>
      %select_n3A_659 = arith.select %gt3A_655, %get3A_653, %select_n3A_634 : vector<16xi1>, vector<16xf32>
      %select_n3A_660 = arith.select %gt3A_656, %get3A_653, %select_n3A_636 : vector<16xi1>, vector<16xf32>
      %select_n3A_661 = arith.select %gt3A_655, %select_n3A_634, %select_n3A_660 : vector<16xi1>, vector<16xf32>
      %select_n3A_662 = arith.select %gt3A_657, %get3A_653, %select_n3A_638 : vector<16xi1>, vector<16xf32>
      %select_n3A_663 = arith.select %gt3A_656, %select_n3A_636, %select_n3A_662 : vector<16xi1>, vector<16xf32>
      %select_n3A_664 = arith.select %gt3A_658, %get3A_653, %select_n3A_640 : vector<16xi1>, vector<16xf32>
      %select_n3A_665 = arith.select %gt3A_657, %select_n3A_638, %select_n3A_664 : vector<16xi1>, vector<16xf32>
      %select_n3A_666 = arith.select %gt3A_655, %broadcast_in_dim3A_654, %select_n3A_641 : vector<16xi1>, vector<16xi32>
      %select_n3A_667 = arith.select %gt3A_656, %broadcast_in_dim3A_654, %select_n3A_643 : vector<16xi1>, vector<16xi32>
      %select_n3A_668 = arith.select %gt3A_655, %select_n3A_641, %select_n3A_667 : vector<16xi1>, vector<16xi32>
      %select_n3A_669 = arith.select %gt3A_657, %broadcast_in_dim3A_654, %select_n3A_645 : vector<16xi1>, vector<16xi32>
      %select_n3A_670 = arith.select %gt3A_656, %select_n3A_643, %select_n3A_669 : vector<16xi1>, vector<16xi32>
      %select_n3A_671 = arith.select %gt3A_658, %broadcast_in_dim3A_654, %select_n3A_647 : vector<16xi1>, vector<16xi32>
      %select_n3A_672 = arith.select %gt3A_657, %select_n3A_645, %select_n3A_671 : vector<16xi1>, vector<16xi32>
      scf.yield %select_n3A_659, %select_n3A_661, %select_n3A_663, %select_n3A_665, %select_n3A_666, %select_n3A_668, %select_n3A_670, %select_n3A_672 : vector<16xf32>, vector<16xf32>, vector<16xf32>, vector<16xf32>, vector<16xi32>, vector<16xi32>, vector<16xi32>, vector<16xi32>
    }
    %scan3A_290 = arith.constant 200 : i32
    %sub3A_291 = arith.subf %scan3A_289#1, %scan3A_289#0 : vector<16xf32>
    %exp3A_292 = math.exp %sub3A_291 : vector<16xf32>
    %sub3A_293 = arith.subf %scan3A_289#2, %scan3A_289#0 : vector<16xf32>
    %exp3A_294 = math.exp %sub3A_293 : vector<16xf32>
    %sub3A_295 = arith.subf %scan3A_289#3, %scan3A_289#0 : vector<16xf32>
    %exp3A_296 = math.exp %sub3A_295 : vector<16xf32>
    %add3A_297 = arith.constant 1.000000e+00 : f32
    %add3A_298 = vector.broadcast %add3A_297 : f32 to vector<16xf32>
    %add3A_299 = arith.addf %add3A_298, %exp3A_292 : vector<16xf32>
    %add3A_300 = arith.addf %add3A_299, %exp3A_294 : vector<16xf32>
    %add3A_301 = arith.addf %add3A_300, %exp3A_296 : vector<16xf32>
    %div3A_302 = arith.constant 1.000000e+00 : f32
    %div3A_303 = vector.broadcast %div3A_302 : f32 to vector<16xf32>
    %div3A_304 = arith.divf %div3A_303, %add3A_301 : vector<16xf32>
    %mul3A_305 = arith.mulf %exp3A_292, %div3A_304 : vector<16xf32>
    %mul3A_306 = arith.mulf %exp3A_294, %div3A_304 : vector<16xf32>
    %mul3A_307 = arith.mulf %exp3A_296, %div3A_304 : vector<16xf32>
    %swap3A_308 = arith.constant 0 : i32
    %swap3A_309 = arith.index_cast %swap3A_308 : i32 to index
    %swap3A_310 = arith.constant 64 : index
    %swap3A_311 = tpu.vector_load %arg6[%swap3A_309, %swap3A_310] {strides = array<i32>} : memref<4x128xf32, #tpu.memory_space<vmem>>, vector<1x16xf32>,
    %swap3A_312 = vector.shape_cast %swap3A_311 : vector<1x16xf32> to vector<16xf32>
    %swap3A_313 = vector.shape_cast %div3A_304 : vector<16xf32> to vector<1x16xf32>
    tpu.vector_store %arg6[%swap3A_309, %swap3A_310], %swap3A_313 {strides = array<i32>} : memref<4x128xf32, #tpu.memory_space<vmem>>, vector<1x16xf32>,
    %swap3A_314 = arith.constant 0 : i32
    %swap3A_315 = arith.index_cast %swap3A_314 : i32 to index
    %swap3A_316 = arith.constant 64 : index
    %swap3A_317 = tpu.vector_load %arg7[%swap3A_315, %swap3A_316] {strides = array<i32>} : memref<4x128xi32, #tpu.memory_space<vmem>>, vector<1x16xi32>,
    %swap3A_318 = vector.shape_cast %swap3A_317 : vector<1x16xi32> to vector<16xi32>
    %swap3A_319 = vector.shape_cast %scan3A_289#4 : vector<16xi32> to vector<1x16xi32>
    tpu.vector_store %arg7[%swap3A_315, %swap3A_316], %swap3A_319 {strides = array<i32>} : memref<4x128xi32, #tpu.memory_space<vmem>>, vector<1x16xi32>,
    %swap3A_320 = arith.constant 1 : i32
    %swap3A_321 = arith.index_cast %swap3A_320 : i32 to index
    %swap3A_322 = arith.constant 64 : index
    %swap3A_323 = tpu.vector_load %arg6[%swap3A_321, %swap3A_322] {strides = array<i32>} : memref<4x128xf32, #tpu.memory_space<vmem>>, vector<1x16xf32>,
    %swap3A_324 = vector.shape_cast %swap3A_323 : vector<1x16xf32> to vector<16xf32>
    %swap3A_325 = vector.shape_cast %mul3A_305 : vector<16xf32> to vector<1x16xf32>
    tpu.vector_store %arg6[%swap3A_321, %swap3A_322], %swap3A_325 {strides = array<i32>} : memref<4x128xf32, #tpu.memory_space<vmem>>, vector<1x16xf32>,
    %swap3A_326 = arith.constant 1 : i32
    %swap3A_327 = arith.index_cast %swap3A_326 : i32 to index
    %swap3A_328 = arith.constant 64 : index
    %swap3A_329 = tpu.vector_load %arg7[%swap3A_327, %swap3A_328] {strides = array<i32>} : memref<4x128xi32, #tpu.memory_space<vmem>>, vector<1x16xi32>,
    %swap3A_330 = vector.shape_cast %swap3A_329 : vector<1x16xi32> to vector<16xi32>
    %swap3A_331 = vector.shape_cast %scan3A_289#5 : vector<16xi32> to vector<1x16xi32>
    tpu.vector_store %arg7[%swap3A_327, %swap3A_328], %swap3A_331 {strides = array<i32>} : memref<4x128xi32, #tpu.memory_space<vmem>>, vector<1x16xi32>,
    %swap3A_332 = arith.constant 2 : i32
    %swap3A_333 = arith.index_cast %swap3A_332 : i32 to index
    %swap3A_334 = arith.constant 64 : index
    %swap3A_335 = tpu.vector_load %arg6[%swap3A_333, %swap3A_334] {strides = array<i32>} : memref<4x128xf32, #tpu.memory_space<vmem>>, vector<1x16xf32>,
    %swap3A_336 = vector.shape_cast %swap3A_335 : vector<1x16xf32> to vector<16xf32>
    %swap3A_337 = vector.shape_cast %mul3A_306 : vector<16xf32> to vector<1x16xf32>
    tpu.vector_store %arg6[%swap3A_333, %swap3A_334], %swap3A_337 {strides = array<i32>} : memref<4x128xf32, #tpu.memory_space<vmem>>, vector<1x16xf32>,
    %swap3A_338 = arith.constant 2 : i32
    %swap3A_339 = arith.index_cast %swap3A_338 : i32 to index
    %swap3A_340 = arith.constant 64 : index
    %swap3A_341 = tpu.vector_load %arg7[%swap3A_339, %swap3A_340] {strides = array<i32>} : memref<4x128xi32, #tpu.memory_space<vmem>>, vector<1x16xi32>,
    %swap3A_342 = vector.shape_cast %swap3A_341 : vector<1x16xi32> to vector<16xi32>
    %swap3A_343 = vector.shape_cast %scan3A_289#6 : vector<16xi32> to vector<1x16xi32>
    tpu.vector_store %arg7[%swap3A_339, %swap3A_340], %swap3A_343 {strides = array<i32>} : memref<4x128xi32, #tpu.memory_space<vmem>>, vector<1x16xi32>,
    %swap3A_344 = arith.constant 3 : i32
    %swap3A_345 = arith.index_cast %swap3A_344 : i32 to index
    %swap3A_346 = arith.constant 64 : index
    %swap3A_347 = tpu.vector_load %arg6[%swap3A_345, %swap3A_346] {strides = array<i32>} : memref<4x128xf32, #tpu.memory_space<vmem>>, vector<1x16xf32>,
    %swap3A_348 = vector.shape_cast %swap3A_347 : vector<1x16xf32> to vector<16xf32>
    %swap3A_349 = vector.shape_cast %mul3A_307 : vector<16xf32> to vector<1x16xf32>
    tpu.vector_store %arg6[%swap3A_345, %swap3A_346], %swap3A_349 {strides = array<i32>} : memref<4x128xf32, #tpu.memory_space<vmem>>, vector<1x16xf32>,
    %swap3A_350 = arith.constant 3 : i32
    %swap3A_351 = arith.index_cast %swap3A_350 : i32 to index
    %swap3A_352 = arith.constant 64 : index
    %swap3A_353 = tpu.vector_load %arg7[%swap3A_351, %swap3A_352] {strides = array<i32>} : memref<4x128xi32, #tpu.memory_space<vmem>>, vector<1x16xi32>,
    %swap3A_354 = vector.shape_cast %swap3A_353 : vector<1x16xi32> to vector<16xi32>
    %swap3A_355 = vector.shape_cast %scan3A_289#7 : vector<16xi32> to vector<1x16xi32>
    tpu.vector_store %arg7[%swap3A_351, %swap3A_352], %swap3A_355 {strides = array<i32>} : memref<4x128xi32, #tpu.memory_space<vmem>>, vector<1x16xi32>,
    %scan3A_356 = arith.constant 0 : i32
    %scan3A_357 = arith.constant 200 : i32
    %scan3A_358 = arith.addi %scan3A_356, %scan3A_357 : i32
    %scan3A_359 = arith.constant 4 : i32
    %scan3A_360:8 = scf.for %scan3A_569 = %scan3A_356 to %scan3A_358 step %scan3A_359 iter_args(%scan3A_570 = %broadcast_in_dim3A_3, %scan3A_571 = %broadcast_in_dim3A_3, %scan3A_572 = %broadcast_in_dim3A_3, %scan3A_573 = %broadcast_in_dim3A_3, %scan3A_574 = %broadcast_in_dim3A_5, %scan3A_575 = %broadcast_in_dim3A_5, %scan3A_576 = %broadcast_in_dim3A_5, %scan3A_577 = %broadcast_in_dim3A_5) -> (vector<16xf32>, vector<16xf32>, vector<16xf32>, vector<16xf32>, vector<16xi32>, vector<16xi32>, vector<16xi32>, vector<16xi32>)  : i32 {
      %get3A = arith.index_cast %scan3A_569 : i32 to index
      %get3A_578 = arith.constant 80 : index
      %get3A_579 = tpu.vector_load %arg5[%get3A, %get3A_578] {strides = array<i32>} : memref<200x128xf32, #tpu.memory_space<vmem>>, vector<1x16xf32>,
      %get3A_580 = vector.shape_cast %get3A_579 : vector<1x16xf32> to vector<16xf32>
      %broadcast_in_dim3A_581 = vector.broadcast %scan3A_569 : i32 to vector<16xi32>
      %gt3A = arith.cmpf ogt, %get3A_580, %scan3A_570 : vector<16xf32>
      %gt3A_582 = arith.cmpf ogt, %get3A_580, %scan3A_571 : vector<16xf32>
      %gt3A_583 = arith.cmpf ogt, %get3A_580, %scan3A_572 : vector<16xf32>
      %gt3A_584 = arith.cmpf ogt, %get3A_580, %scan3A_573 : vector<16xf32>
      %select_n3A = arith.select %gt3A, %get3A_580, %scan3A_570 : vector<16xi1>, vector<16xf32>
      %select_n3A_585 = arith.select %gt3A_582, %get3A_580, %scan3A_571 : vector<16xi1>, vector<16xf32>
      %select_n3A_586 = arith.select %gt3A, %scan3A_570, %select_n3A_585 : vector<16xi1>, vector<16xf32>
      %select_n3A_587 = arith.select %gt3A_583, %get3A_580, %scan3A_572 : vector<16xi1>, vector<16xf32>
      %select_n3A_588 = arith.select %gt3A_582, %scan3A_571, %select_n3A_587 : vector<16xi1>, vector<16xf32>
      %select_n3A_589 = arith.select %gt3A_584, %get3A_580, %scan3A_573 : vector<16xi1>, vector<16xf32>
      %select_n3A_590 = arith.select %gt3A_583, %scan3A_572, %select_n3A_589 : vector<16xi1>, vector<16xf32>
      %select_n3A_591 = arith.select %gt3A, %broadcast_in_dim3A_581, %scan3A_574 : vector<16xi1>, vector<16xi32>
      %select_n3A_592 = arith.select %gt3A_582, %broadcast_in_dim3A_581, %scan3A_575 : vector<16xi1>, vector<16xi32>
      %select_n3A_593 = arith.select %gt3A, %scan3A_574, %select_n3A_592 : vector<16xi1>, vector<16xi32>
      %select_n3A_594 = arith.select %gt3A_583, %broadcast_in_dim3A_581, %scan3A_576 : vector<16xi1>, vector<16xi32>
      %select_n3A_595 = arith.select %gt3A_582, %scan3A_575, %select_n3A_594 : vector<16xi1>, vector<16xi32>
      %select_n3A_596 = arith.select %gt3A_584, %broadcast_in_dim3A_581, %scan3A_577 : vector<16xi1>, vector<16xi32>
      %select_n3A_597 = arith.select %gt3A_583, %scan3A_576, %select_n3A_596 : vector<16xi1>, vector<16xi32>
      %scan3A_598 = arith.constant 1 : i32
      %scan3A_599 = arith.addi %scan3A_569, %scan3A_598 : i32
      %get3A_600 = arith.index_cast %scan3A_599 : i32 to index
      %get3A_601 = arith.constant 80 : index
      %get3A_602 = tpu.vector_load %arg5[%get3A_600, %get3A_601] {strides = array<i32>} : memref<200x128xf32, #tpu.memory_space<vmem>>, vector<1x16xf32>,
      %get3A_603 = vector.shape_cast %get3A_602 : vector<1x16xf32> to vector<16xf32>
      %broadcast_in_dim3A_604 = vector.broadcast %scan3A_599 : i32 to vector<16xi32>
      %gt3A_605 = arith.cmpf ogt, %get3A_603, %select_n3A : vector<16xf32>
      %gt3A_606 = arith.cmpf ogt, %get3A_603, %select_n3A_586 : vector<16xf32>
      %gt3A_607 = arith.cmpf ogt, %get3A_603, %select_n3A_588 : vector<16xf32>
      %gt3A_608 = arith.cmpf ogt, %get3A_603, %select_n3A_590 : vector<16xf32>
      %select_n3A_609 = arith.select %gt3A_605, %get3A_603, %select_n3A : vector<16xi1>, vector<16xf32>
      %select_n3A_610 = arith.select %gt3A_606, %get3A_603, %select_n3A_586 : vector<16xi1>, vector<16xf32>
      %select_n3A_611 = arith.select %gt3A_605, %select_n3A, %select_n3A_610 : vector<16xi1>, vector<16xf32>
      %select_n3A_612 = arith.select %gt3A_607, %get3A_603, %select_n3A_588 : vector<16xi1>, vector<16xf32>
      %select_n3A_613 = arith.select %gt3A_606, %select_n3A_586, %select_n3A_612 : vector<16xi1>, vector<16xf32>
      %select_n3A_614 = arith.select %gt3A_608, %get3A_603, %select_n3A_590 : vector<16xi1>, vector<16xf32>
      %select_n3A_615 = arith.select %gt3A_607, %select_n3A_588, %select_n3A_614 : vector<16xi1>, vector<16xf32>
      %select_n3A_616 = arith.select %gt3A_605, %broadcast_in_dim3A_604, %select_n3A_591 : vector<16xi1>, vector<16xi32>
      %select_n3A_617 = arith.select %gt3A_606, %broadcast_in_dim3A_604, %select_n3A_593 : vector<16xi1>, vector<16xi32>
      %select_n3A_618 = arith.select %gt3A_605, %select_n3A_591, %select_n3A_617 : vector<16xi1>, vector<16xi32>
      %select_n3A_619 = arith.select %gt3A_607, %broadcast_in_dim3A_604, %select_n3A_595 : vector<16xi1>, vector<16xi32>
      %select_n3A_620 = arith.select %gt3A_606, %select_n3A_593, %select_n3A_619 : vector<16xi1>, vector<16xi32>
      %select_n3A_621 = arith.select %gt3A_608, %broadcast_in_dim3A_604, %select_n3A_597 : vector<16xi1>, vector<16xi32>
      %select_n3A_622 = arith.select %gt3A_607, %select_n3A_595, %select_n3A_621 : vector<16xi1>, vector<16xi32>
      %scan3A_623 = arith.constant 2 : i32
      %scan3A_624 = arith.addi %scan3A_569, %scan3A_623 : i32
      %get3A_625 = arith.index_cast %scan3A_624 : i32 to index
      %get3A_626 = arith.constant 80 : index
      %get3A_627 = tpu.vector_load %arg5[%get3A_625, %get3A_626] {strides = array<i32>} : memref<200x128xf32, #tpu.memory_space<vmem>>, vector<1x16xf32>,
      %get3A_628 = vector.shape_cast %get3A_627 : vector<1x16xf32> to vector<16xf32>
      %broadcast_in_dim3A_629 = vector.broadcast %scan3A_624 : i32 to vector<16xi32>
      %gt3A_630 = arith.cmpf ogt, %get3A_628, %select_n3A_609 : vector<16xf32>
      %gt3A_631 = arith.cmpf ogt, %get3A_628, %select_n3A_611 : vector<16xf32>
      %gt3A_632 = arith.cmpf ogt, %get3A_628, %select_n3A_613 : vector<16xf32>
      %gt3A_633 = arith.cmpf ogt, %get3A_628, %select_n3A_615 : vector<16xf32>
      %select_n3A_634 = arith.select %gt3A_630, %get3A_628, %select_n3A_609 : vector<16xi1>, vector<16xf32>
      %select_n3A_635 = arith.select %gt3A_631, %get3A_628, %select_n3A_611 : vector<16xi1>, vector<16xf32>
      %select_n3A_636 = arith.select %gt3A_630, %select_n3A_609, %select_n3A_635 : vector<16xi1>, vector<16xf32>
      %select_n3A_637 = arith.select %gt3A_632, %get3A_628, %select_n3A_613 : vector<16xi1>, vector<16xf32>
      %select_n3A_638 = arith.select %gt3A_631, %select_n3A_611, %select_n3A_637 : vector<16xi1>, vector<16xf32>
      %select_n3A_639 = arith.select %gt3A_633, %get3A_628, %select_n3A_615 : vector<16xi1>, vector<16xf32>
      %select_n3A_640 = arith.select %gt3A_632, %select_n3A_613, %select_n3A_639 : vector<16xi1>, vector<16xf32>
      %select_n3A_641 = arith.select %gt3A_630, %broadcast_in_dim3A_629, %select_n3A_616 : vector<16xi1>, vector<16xi32>
      %select_n3A_642 = arith.select %gt3A_631, %broadcast_in_dim3A_629, %select_n3A_618 : vector<16xi1>, vector<16xi32>
      %select_n3A_643 = arith.select %gt3A_630, %select_n3A_616, %select_n3A_642 : vector<16xi1>, vector<16xi32>
      %select_n3A_644 = arith.select %gt3A_632, %broadcast_in_dim3A_629, %select_n3A_620 : vector<16xi1>, vector<16xi32>
      %select_n3A_645 = arith.select %gt3A_631, %select_n3A_618, %select_n3A_644 : vector<16xi1>, vector<16xi32>
      %select_n3A_646 = arith.select %gt3A_633, %broadcast_in_dim3A_629, %select_n3A_622 : vector<16xi1>, vector<16xi32>
      %select_n3A_647 = arith.select %gt3A_632, %select_n3A_620, %select_n3A_646 : vector<16xi1>, vector<16xi32>
      %scan3A_648 = arith.constant 3 : i32
      %scan3A_649 = arith.addi %scan3A_569, %scan3A_648 : i32
      %get3A_650 = arith.index_cast %scan3A_649 : i32 to index
      %get3A_651 = arith.constant 80 : index
      %get3A_652 = tpu.vector_load %arg5[%get3A_650, %get3A_651] {strides = array<i32>} : memref<200x128xf32, #tpu.memory_space<vmem>>, vector<1x16xf32>,
      %get3A_653 = vector.shape_cast %get3A_652 : vector<1x16xf32> to vector<16xf32>
      %broadcast_in_dim3A_654 = vector.broadcast %scan3A_649 : i32 to vector<16xi32>
      %gt3A_655 = arith.cmpf ogt, %get3A_653, %select_n3A_634 : vector<16xf32>
      %gt3A_656 = arith.cmpf ogt, %get3A_653, %select_n3A_636 : vector<16xf32>
      %gt3A_657 = arith.cmpf ogt, %get3A_653, %select_n3A_638 : vector<16xf32>
      %gt3A_658 = arith.cmpf ogt, %get3A_653, %select_n3A_640 : vector<16xf32>
      %select_n3A_659 = arith.select %gt3A_655, %get3A_653, %select_n3A_634 : vector<16xi1>, vector<16xf32>
      %select_n3A_660 = arith.select %gt3A_656, %get3A_653, %select_n3A_636 : vector<16xi1>, vector<16xf32>
      %select_n3A_661 = arith.select %gt3A_655, %select_n3A_634, %select_n3A_660 : vector<16xi1>, vector<16xf32>
      %select_n3A_662 = arith.select %gt3A_657, %get3A_653, %select_n3A_638 : vector<16xi1>, vector<16xf32>
      %select_n3A_663 = arith.select %gt3A_656, %select_n3A_636, %select_n3A_662 : vector<16xi1>, vector<16xf32>
      %select_n3A_664 = arith.select %gt3A_658, %get3A_653, %select_n3A_640 : vector<16xi1>, vector<16xf32>
      %select_n3A_665 = arith.select %gt3A_657, %select_n3A_638, %select_n3A_664 : vector<16xi1>, vector<16xf32>
      %select_n3A_666 = arith.select %gt3A_655, %broadcast_in_dim3A_654, %select_n3A_641 : vector<16xi1>, vector<16xi32>
      %select_n3A_667 = arith.select %gt3A_656, %broadcast_in_dim3A_654, %select_n3A_643 : vector<16xi1>, vector<16xi32>
      %select_n3A_668 = arith.select %gt3A_655, %select_n3A_641, %select_n3A_667 : vector<16xi1>, vector<16xi32>
      %select_n3A_669 = arith.select %gt3A_657, %broadcast_in_dim3A_654, %select_n3A_645 : vector<16xi1>, vector<16xi32>
      %select_n3A_670 = arith.select %gt3A_656, %select_n3A_643, %select_n3A_669 : vector<16xi1>, vector<16xi32>
      %select_n3A_671 = arith.select %gt3A_658, %broadcast_in_dim3A_654, %select_n3A_647 : vector<16xi1>, vector<16xi32>
      %select_n3A_672 = arith.select %gt3A_657, %select_n3A_645, %select_n3A_671 : vector<16xi1>, vector<16xi32>
      scf.yield %select_n3A_659, %select_n3A_661, %select_n3A_663, %select_n3A_665, %select_n3A_666, %select_n3A_668, %select_n3A_670, %select_n3A_672 : vector<16xf32>, vector<16xf32>, vector<16xf32>, vector<16xf32>, vector<16xi32>, vector<16xi32>, vector<16xi32>, vector<16xi32>
    }
    %scan3A_361 = arith.constant 200 : i32
    %sub3A_362 = arith.subf %scan3A_360#1, %scan3A_360#0 : vector<16xf32>
    %exp3A_363 = math.exp %sub3A_362 : vector<16xf32>
    %sub3A_364 = arith.subf %scan3A_360#2, %scan3A_360#0 : vector<16xf32>
    %exp3A_365 = math.exp %sub3A_364 : vector<16xf32>
    %sub3A_366 = arith.subf %scan3A_360#3, %scan3A_360#0 : vector<16xf32>
    %exp3A_367 = math.exp %sub3A_366 : vector<16xf32>
    %add3A_368 = arith.constant 1.000000e+00 : f32
    %add3A_369 = vector.broadcast %add3A_368 : f32 to vector<16xf32>
    %add3A_370 = arith.addf %add3A_369, %exp3A_363 : vector<16xf32>
    %add3A_371 = arith.addf %add3A_370, %exp3A_365 : vector<16xf32>
    %add3A_372 = arith.addf %add3A_371, %exp3A_367 : vector<16xf32>
    %div3A_373 = arith.constant 1.000000e+00 : f32
    %div3A_374 = vector.broadcast %div3A_373 : f32 to vector<16xf32>
    %div3A_375 = arith.divf %div3A_374, %add3A_372 : vector<16xf32>
    %mul3A_376 = arith.mulf %exp3A_363, %div3A_375 : vector<16xf32>
    %mul3A_377 = arith.mulf %exp3A_365, %div3A_375 : vector<16xf32>
    %mul3A_378 = arith.mulf %exp3A_367, %div3A_375 : vector<16xf32>
    %swap3A_379 = arith.constant 0 : i32
    %swap3A_380 = arith.index_cast %swap3A_379 : i32 to index
    %swap3A_381 = arith.constant 80 : index
    %swap3A_382 = tpu.vector_load %arg6[%swap3A_380, %swap3A_381] {strides = array<i32>} : memref<4x128xf32, #tpu.memory_space<vmem>>, vector<1x16xf32>,
    %swap3A_383 = vector.shape_cast %swap3A_382 : vector<1x16xf32> to vector<16xf32>
    %swap3A_384 = vector.shape_cast %div3A_375 : vector<16xf32> to vector<1x16xf32>
    tpu.vector_store %arg6[%swap3A_380, %swap3A_381], %swap3A_384 {strides = array<i32>} : memref<4x128xf32, #tpu.memory_space<vmem>>, vector<1x16xf32>,
    %swap3A_385 = arith.constant 0 : i32
    %swap3A_386 = arith.index_cast %swap3A_385 : i32 to index
    %swap3A_387 = arith.constant 80 : index
    %swap3A_388 = tpu.vector_load %arg7[%swap3A_386, %swap3A_387] {strides = array<i32>} : memref<4x128xi32, #tpu.memory_space<vmem>>, vector<1x16xi32>,
    %swap3A_389 = vector.shape_cast %swap3A_388 : vector<1x16xi32> to vector<16xi32>
    %swap3A_390 = vector.shape_cast %scan3A_360#4 : vector<16xi32> to vector<1x16xi32>
    tpu.vector_store %arg7[%swap3A_386, %swap3A_387], %swap3A_390 {strides = array<i32>} : memref<4x128xi32, #tpu.memory_space<vmem>>, vector<1x16xi32>,
    %swap3A_391 = arith.constant 1 : i32
    %swap3A_392 = arith.index_cast %swap3A_391 : i32 to index
    %swap3A_393 = arith.constant 80 : index
    %swap3A_394 = tpu.vector_load %arg6[%swap3A_392, %swap3A_393] {strides = array<i32>} : memref<4x128xf32, #tpu.memory_space<vmem>>, vector<1x16xf32>,
    %swap3A_395 = vector.shape_cast %swap3A_394 : vector<1x16xf32> to vector<16xf32>
    %swap3A_396 = vector.shape_cast %mul3A_376 : vector<16xf32> to vector<1x16xf32>
    tpu.vector_store %arg6[%swap3A_392, %swap3A_393], %swap3A_396 {strides = array<i32>} : memref<4x128xf32, #tpu.memory_space<vmem>>, vector<1x16xf32>,
    %swap3A_397 = arith.constant 1 : i32
    %swap3A_398 = arith.index_cast %swap3A_397 : i32 to index
    %swap3A_399 = arith.constant 80 : index
    %swap3A_400 = tpu.vector_load %arg7[%swap3A_398, %swap3A_399] {strides = array<i32>} : memref<4x128xi32, #tpu.memory_space<vmem>>, vector<1x16xi32>,
    %swap3A_401 = vector.shape_cast %swap3A_400 : vector<1x16xi32> to vector<16xi32>
    %swap3A_402 = vector.shape_cast %scan3A_360#5 : vector<16xi32> to vector<1x16xi32>
    tpu.vector_store %arg7[%swap3A_398, %swap3A_399], %swap3A_402 {strides = array<i32>} : memref<4x128xi32, #tpu.memory_space<vmem>>, vector<1x16xi32>,
    %swap3A_403 = arith.constant 2 : i32
    %swap3A_404 = arith.index_cast %swap3A_403 : i32 to index
    %swap3A_405 = arith.constant 80 : index
    %swap3A_406 = tpu.vector_load %arg6[%swap3A_404, %swap3A_405] {strides = array<i32>} : memref<4x128xf32, #tpu.memory_space<vmem>>, vector<1x16xf32>,
    %swap3A_407 = vector.shape_cast %swap3A_406 : vector<1x16xf32> to vector<16xf32>
    %swap3A_408 = vector.shape_cast %mul3A_377 : vector<16xf32> to vector<1x16xf32>
    tpu.vector_store %arg6[%swap3A_404, %swap3A_405], %swap3A_408 {strides = array<i32>} : memref<4x128xf32, #tpu.memory_space<vmem>>, vector<1x16xf32>,
    %swap3A_409 = arith.constant 2 : i32
    %swap3A_410 = arith.index_cast %swap3A_409 : i32 to index
    %swap3A_411 = arith.constant 80 : index
    %swap3A_412 = tpu.vector_load %arg7[%swap3A_410, %swap3A_411] {strides = array<i32>} : memref<4x128xi32, #tpu.memory_space<vmem>>, vector<1x16xi32>,
    %swap3A_413 = vector.shape_cast %swap3A_412 : vector<1x16xi32> to vector<16xi32>
    %swap3A_414 = vector.shape_cast %scan3A_360#6 : vector<16xi32> to vector<1x16xi32>
    tpu.vector_store %arg7[%swap3A_410, %swap3A_411], %swap3A_414 {strides = array<i32>} : memref<4x128xi32, #tpu.memory_space<vmem>>, vector<1x16xi32>,
    %swap3A_415 = arith.constant 3 : i32
    %swap3A_416 = arith.index_cast %swap3A_415 : i32 to index
    %swap3A_417 = arith.constant 80 : index
    %swap3A_418 = tpu.vector_load %arg6[%swap3A_416, %swap3A_417] {strides = array<i32>} : memref<4x128xf32, #tpu.memory_space<vmem>>, vector<1x16xf32>,
    %swap3A_419 = vector.shape_cast %swap3A_418 : vector<1x16xf32> to vector<16xf32>
    %swap3A_420 = vector.shape_cast %mul3A_378 : vector<16xf32> to vector<1x16xf32>
    tpu.vector_store %arg6[%swap3A_416, %swap3A_417], %swap3A_420 {strides = array<i32>} : memref<4x128xf32, #tpu.memory_space<vmem>>, vector<1x16xf32>,
    %swap3A_421 = arith.constant 3 : i32
    %swap3A_422 = arith.index_cast %swap3A_421 : i32 to index
    %swap3A_423 = arith.constant 80 : index
    %swap3A_424 = tpu.vector_load %arg7[%swap3A_422, %swap3A_423] {strides = array<i32>} : memref<4x128xi32, #tpu.memory_space<vmem>>, vector<1x16xi32>,
    %swap3A_425 = vector.shape_cast %swap3A_424 : vector<1x16xi32> to vector<16xi32>
    %swap3A_426 = vector.shape_cast %scan3A_360#7 : vector<16xi32> to vector<1x16xi32>
    tpu.vector_store %arg7[%swap3A_422, %swap3A_423], %swap3A_426 {strides = array<i32>} : memref<4x128xi32, #tpu.memory_space<vmem>>, vector<1x16xi32>,
    %scan3A_427 = arith.constant 0 : i32
    %scan3A_428 = arith.constant 200 : i32
    %scan3A_429 = arith.addi %scan3A_427, %scan3A_428 : i32
    %scan3A_430 = arith.constant 4 : i32
    %scan3A_431:8 = scf.for %scan3A_569 = %scan3A_427 to %scan3A_429 step %scan3A_430 iter_args(%scan3A_570 = %broadcast_in_dim3A_3, %scan3A_571 = %broadcast_in_dim3A_3, %scan3A_572 = %broadcast_in_dim3A_3, %scan3A_573 = %broadcast_in_dim3A_3, %scan3A_574 = %broadcast_in_dim3A_5, %scan3A_575 = %broadcast_in_dim3A_5, %scan3A_576 = %broadcast_in_dim3A_5, %scan3A_577 = %broadcast_in_dim3A_5) -> (vector<16xf32>, vector<16xf32>, vector<16xf32>, vector<16xf32>, vector<16xi32>, vector<16xi32>, vector<16xi32>, vector<16xi32>)  : i32 {
      %get3A = arith.index_cast %scan3A_569 : i32 to index
      %get3A_578 = arith.constant 96 : index
      %get3A_579 = tpu.vector_load %arg5[%get3A, %get3A_578] {strides = array<i32>} : memref<200x128xf32, #tpu.memory_space<vmem>>, vector<1x16xf32>,
      %get3A_580 = vector.shape_cast %get3A_579 : vector<1x16xf32> to vector<16xf32>
      %broadcast_in_dim3A_581 = vector.broadcast %scan3A_569 : i32 to vector<16xi32>
      %gt3A = arith.cmpf ogt, %get3A_580, %scan3A_570 : vector<16xf32>
      %gt3A_582 = arith.cmpf ogt, %get3A_580, %scan3A_571 : vector<16xf32>
      %gt3A_583 = arith.cmpf ogt, %get3A_580, %scan3A_572 : vector<16xf32>
      %gt3A_584 = arith.cmpf ogt, %get3A_580, %scan3A_573 : vector<16xf32>
      %select_n3A = arith.select %gt3A, %get3A_580, %scan3A_570 : vector<16xi1>, vector<16xf32>
      %select_n3A_585 = arith.select %gt3A_582, %get3A_580, %scan3A_571 : vector<16xi1>, vector<16xf32>
      %select_n3A_586 = arith.select %gt3A, %scan3A_570, %select_n3A_585 : vector<16xi1>, vector<16xf32>
      %select_n3A_587 = arith.select %gt3A_583, %get3A_580, %scan3A_572 : vector<16xi1>, vector<16xf32>
      %select_n3A_588 = arith.select %gt3A_582, %scan3A_571, %select_n3A_587 : vector<16xi1>, vector<16xf32>
      %select_n3A_589 = arith.select %gt3A_584, %get3A_580, %scan3A_573 : vector<16xi1>, vector<16xf32>
      %select_n3A_590 = arith.select %gt3A_583, %scan3A_572, %select_n3A_589 : vector<16xi1>, vector<16xf32>
      %select_n3A_591 = arith.select %gt3A, %broadcast_in_dim3A_581, %scan3A_574 : vector<16xi1>, vector<16xi32>
      %select_n3A_592 = arith.select %gt3A_582, %broadcast_in_dim3A_581, %scan3A_575 : vector<16xi1>, vector<16xi32>
      %select_n3A_593 = arith.select %gt3A, %scan3A_574, %select_n3A_592 : vector<16xi1>, vector<16xi32>
      %select_n3A_594 = arith.select %gt3A_583, %broadcast_in_dim3A_581, %scan3A_576 : vector<16xi1>, vector<16xi32>
      %select_n3A_595 = arith.select %gt3A_582, %scan3A_575, %select_n3A_594 : vector<16xi1>, vector<16xi32>
      %select_n3A_596 = arith.select %gt3A_584, %broadcast_in_dim3A_581, %scan3A_577 : vector<16xi1>, vector<16xi32>
      %select_n3A_597 = arith.select %gt3A_583, %scan3A_576, %select_n3A_596 : vector<16xi1>, vector<16xi32>
      %scan3A_598 = arith.constant 1 : i32
      %scan3A_599 = arith.addi %scan3A_569, %scan3A_598 : i32
      %get3A_600 = arith.index_cast %scan3A_599 : i32 to index
      %get3A_601 = arith.constant 96 : index
      %get3A_602 = tpu.vector_load %arg5[%get3A_600, %get3A_601] {strides = array<i32>} : memref<200x128xf32, #tpu.memory_space<vmem>>, vector<1x16xf32>,
      %get3A_603 = vector.shape_cast %get3A_602 : vector<1x16xf32> to vector<16xf32>
      %broadcast_in_dim3A_604 = vector.broadcast %scan3A_599 : i32 to vector<16xi32>
      %gt3A_605 = arith.cmpf ogt, %get3A_603, %select_n3A : vector<16xf32>
      %gt3A_606 = arith.cmpf ogt, %get3A_603, %select_n3A_586 : vector<16xf32>
      %gt3A_607 = arith.cmpf ogt, %get3A_603, %select_n3A_588 : vector<16xf32>
      %gt3A_608 = arith.cmpf ogt, %get3A_603, %select_n3A_590 : vector<16xf32>
      %select_n3A_609 = arith.select %gt3A_605, %get3A_603, %select_n3A : vector<16xi1>, vector<16xf32>
      %select_n3A_610 = arith.select %gt3A_606, %get3A_603, %select_n3A_586 : vector<16xi1>, vector<16xf32>
      %select_n3A_611 = arith.select %gt3A_605, %select_n3A, %select_n3A_610 : vector<16xi1>, vector<16xf32>
      %select_n3A_612 = arith.select %gt3A_607, %get3A_603, %select_n3A_588 : vector<16xi1>, vector<16xf32>
      %select_n3A_613 = arith.select %gt3A_606, %select_n3A_586, %select_n3A_612 : vector<16xi1>, vector<16xf32>
      %select_n3A_614 = arith.select %gt3A_608, %get3A_603, %select_n3A_590 : vector<16xi1>, vector<16xf32>
      %select_n3A_615 = arith.select %gt3A_607, %select_n3A_588, %select_n3A_614 : vector<16xi1>, vector<16xf32>
      %select_n3A_616 = arith.select %gt3A_605, %broadcast_in_dim3A_604, %select_n3A_591 : vector<16xi1>, vector<16xi32>
      %select_n3A_617 = arith.select %gt3A_606, %broadcast_in_dim3A_604, %select_n3A_593 : vector<16xi1>, vector<16xi32>
      %select_n3A_618 = arith.select %gt3A_605, %select_n3A_591, %select_n3A_617 : vector<16xi1>, vector<16xi32>
      %select_n3A_619 = arith.select %gt3A_607, %broadcast_in_dim3A_604, %select_n3A_595 : vector<16xi1>, vector<16xi32>
      %select_n3A_620 = arith.select %gt3A_606, %select_n3A_593, %select_n3A_619 : vector<16xi1>, vector<16xi32>
      %select_n3A_621 = arith.select %gt3A_608, %broadcast_in_dim3A_604, %select_n3A_597 : vector<16xi1>, vector<16xi32>
      %select_n3A_622 = arith.select %gt3A_607, %select_n3A_595, %select_n3A_621 : vector<16xi1>, vector<16xi32>
      %scan3A_623 = arith.constant 2 : i32
      %scan3A_624 = arith.addi %scan3A_569, %scan3A_623 : i32
      %get3A_625 = arith.index_cast %scan3A_624 : i32 to index
      %get3A_626 = arith.constant 96 : index
      %get3A_627 = tpu.vector_load %arg5[%get3A_625, %get3A_626] {strides = array<i32>} : memref<200x128xf32, #tpu.memory_space<vmem>>, vector<1x16xf32>,
      %get3A_628 = vector.shape_cast %get3A_627 : vector<1x16xf32> to vector<16xf32>
      %broadcast_in_dim3A_629 = vector.broadcast %scan3A_624 : i32 to vector<16xi32>
      %gt3A_630 = arith.cmpf ogt, %get3A_628, %select_n3A_609 : vector<16xf32>
      %gt3A_631 = arith.cmpf ogt, %get3A_628, %select_n3A_611 : vector<16xf32>
      %gt3A_632 = arith.cmpf ogt, %get3A_628, %select_n3A_613 : vector<16xf32>
      %gt3A_633 = arith.cmpf ogt, %get3A_628, %select_n3A_615 : vector<16xf32>
      %select_n3A_634 = arith.select %gt3A_630, %get3A_628, %select_n3A_609 : vector<16xi1>, vector<16xf32>
      %select_n3A_635 = arith.select %gt3A_631, %get3A_628, %select_n3A_611 : vector<16xi1>, vector<16xf32>
      %select_n3A_636 = arith.select %gt3A_630, %select_n3A_609, %select_n3A_635 : vector<16xi1>, vector<16xf32>
      %select_n3A_637 = arith.select %gt3A_632, %get3A_628, %select_n3A_613 : vector<16xi1>, vector<16xf32>
      %select_n3A_638 = arith.select %gt3A_631, %select_n3A_611, %select_n3A_637 : vector<16xi1>, vector<16xf32>
      %select_n3A_639 = arith.select %gt3A_633, %get3A_628, %select_n3A_615 : vector<16xi1>, vector<16xf32>
      %select_n3A_640 = arith.select %gt3A_632, %select_n3A_613, %select_n3A_639 : vector<16xi1>, vector<16xf32>
      %select_n3A_641 = arith.select %gt3A_630, %broadcast_in_dim3A_629, %select_n3A_616 : vector<16xi1>, vector<16xi32>
      %select_n3A_642 = arith.select %gt3A_631, %broadcast_in_dim3A_629, %select_n3A_618 : vector<16xi1>, vector<16xi32>
      %select_n3A_643 = arith.select %gt3A_630, %select_n3A_616, %select_n3A_642 : vector<16xi1>, vector<16xi32>
      %select_n3A_644 = arith.select %gt3A_632, %broadcast_in_dim3A_629, %select_n3A_620 : vector<16xi1>, vector<16xi32>
      %select_n3A_645 = arith.select %gt3A_631, %select_n3A_618, %select_n3A_644 : vector<16xi1>, vector<16xi32>
      %select_n3A_646 = arith.select %gt3A_633, %broadcast_in_dim3A_629, %select_n3A_622 : vector<16xi1>, vector<16xi32>
      %select_n3A_647 = arith.select %gt3A_632, %select_n3A_620, %select_n3A_646 : vector<16xi1>, vector<16xi32>
      %scan3A_648 = arith.constant 3 : i32
      %scan3A_649 = arith.addi %scan3A_569, %scan3A_648 : i32
      %get3A_650 = arith.index_cast %scan3A_649 : i32 to index
      %get3A_651 = arith.constant 96 : index
      %get3A_652 = tpu.vector_load %arg5[%get3A_650, %get3A_651] {strides = array<i32>} : memref<200x128xf32, #tpu.memory_space<vmem>>, vector<1x16xf32>,
      %get3A_653 = vector.shape_cast %get3A_652 : vector<1x16xf32> to vector<16xf32>
      %broadcast_in_dim3A_654 = vector.broadcast %scan3A_649 : i32 to vector<16xi32>
      %gt3A_655 = arith.cmpf ogt, %get3A_653, %select_n3A_634 : vector<16xf32>
      %gt3A_656 = arith.cmpf ogt, %get3A_653, %select_n3A_636 : vector<16xf32>
      %gt3A_657 = arith.cmpf ogt, %get3A_653, %select_n3A_638 : vector<16xf32>
      %gt3A_658 = arith.cmpf ogt, %get3A_653, %select_n3A_640 : vector<16xf32>
      %select_n3A_659 = arith.select %gt3A_655, %get3A_653, %select_n3A_634 : vector<16xi1>, vector<16xf32>
      %select_n3A_660 = arith.select %gt3A_656, %get3A_653, %select_n3A_636 : vector<16xi1>, vector<16xf32>
      %select_n3A_661 = arith.select %gt3A_655, %select_n3A_634, %select_n3A_660 : vector<16xi1>, vector<16xf32>
      %select_n3A_662 = arith.select %gt3A_657, %get3A_653, %select_n3A_638 : vector<16xi1>, vector<16xf32>
      %select_n3A_663 = arith.select %gt3A_656, %select_n3A_636, %select_n3A_662 : vector<16xi1>, vector<16xf32>
      %select_n3A_664 = arith.select %gt3A_658, %get3A_653, %select_n3A_640 : vector<16xi1>, vector<16xf32>
      %select_n3A_665 = arith.select %gt3A_657, %select_n3A_638, %select_n3A_664 : vector<16xi1>, vector<16xf32>
      %select_n3A_666 = arith.select %gt3A_655, %broadcast_in_dim3A_654, %select_n3A_641 : vector<16xi1>, vector<16xi32>
      %select_n3A_667 = arith.select %gt3A_656, %broadcast_in_dim3A_654, %select_n3A_643 : vector<16xi1>, vector<16xi32>
      %select_n3A_668 = arith.select %gt3A_655, %select_n3A_641, %select_n3A_667 : vector<16xi1>, vector<16xi32>
      %select_n3A_669 = arith.select %gt3A_657, %broadcast_in_dim3A_654, %select_n3A_645 : vector<16xi1>, vector<16xi32>
      %select_n3A_670 = arith.select %gt3A_656, %select_n3A_643, %select_n3A_669 : vector<16xi1>, vector<16xi32>
      %select_n3A_671 = arith.select %gt3A_658, %broadcast_in_dim3A_654, %select_n3A_647 : vector<16xi1>, vector<16xi32>
      %select_n3A_672 = arith.select %gt3A_657, %select_n3A_645, %select_n3A_671 : vector<16xi1>, vector<16xi32>
      scf.yield %select_n3A_659, %select_n3A_661, %select_n3A_663, %select_n3A_665, %select_n3A_666, %select_n3A_668, %select_n3A_670, %select_n3A_672 : vector<16xf32>, vector<16xf32>, vector<16xf32>, vector<16xf32>, vector<16xi32>, vector<16xi32>, vector<16xi32>, vector<16xi32>
    }
    %scan3A_432 = arith.constant 200 : i32
    %sub3A_433 = arith.subf %scan3A_431#1, %scan3A_431#0 : vector<16xf32>
    %exp3A_434 = math.exp %sub3A_433 : vector<16xf32>
    %sub3A_435 = arith.subf %scan3A_431#2, %scan3A_431#0 : vector<16xf32>
    %exp3A_436 = math.exp %sub3A_435 : vector<16xf32>
    %sub3A_437 = arith.subf %scan3A_431#3, %scan3A_431#0 : vector<16xf32>
    %exp3A_438 = math.exp %sub3A_437 : vector<16xf32>
    %add3A_439 = arith.constant 1.000000e+00 : f32
    %add3A_440 = vector.broadcast %add3A_439 : f32 to vector<16xf32>
    %add3A_441 = arith.addf %add3A_440, %exp3A_434 : vector<16xf32>
    %add3A_442 = arith.addf %add3A_441, %exp3A_436 : vector<16xf32>
    %add3A_443 = arith.addf %add3A_442, %exp3A_438 : vector<16xf32>
    %div3A_444 = arith.constant 1.000000e+00 : f32
    %div3A_445 = vector.broadcast %div3A_444 : f32 to vector<16xf32>
    %div3A_446 = arith.divf %div3A_445, %add3A_443 : vector<16xf32>
    %mul3A_447 = arith.mulf %exp3A_434, %div3A_446 : vector<16xf32>
    %mul3A_448 = arith.mulf %exp3A_436, %div3A_446 : vector<16xf32>
    %mul3A_449 = arith.mulf %exp3A_438, %div3A_446 : vector<16xf32>
    %swap3A_450 = arith.constant 0 : i32
    %swap3A_451 = arith.index_cast %swap3A_450 : i32 to index
    %swap3A_452 = arith.constant 96 : index
    %swap3A_453 = tpu.vector_load %arg6[%swap3A_451, %swap3A_452] {strides = array<i32>} : memref<4x128xf32, #tpu.memory_space<vmem>>, vector<1x16xf32>,
    %swap3A_454 = vector.shape_cast %swap3A_453 : vector<1x16xf32> to vector<16xf32>
    %swap3A_455 = vector.shape_cast %div3A_446 : vector<16xf32> to vector<1x16xf32>
    tpu.vector_store %arg6[%swap3A_451, %swap3A_452], %swap3A_455 {strides = array<i32>} : memref<4x128xf32, #tpu.memory_space<vmem>>, vector<1x16xf32>,
    %swap3A_456 = arith.constant 0 : i32
    %swap3A_457 = arith.index_cast %swap3A_456 : i32 to index
    %swap3A_458 = arith.constant 96 : index
    %swap3A_459 = tpu.vector_load %arg7[%swap3A_457, %swap3A_458] {strides = array<i32>} : memref<4x128xi32, #tpu.memory_space<vmem>>, vector<1x16xi32>,
    %swap3A_460 = vector.shape_cast %swap3A_459 : vector<1x16xi32> to vector<16xi32>
    %swap3A_461 = vector.shape_cast %scan3A_431#4 : vector<16xi32> to vector<1x16xi32>
    tpu.vector_store %arg7[%swap3A_457, %swap3A_458], %swap3A_461 {strides = array<i32>} : memref<4x128xi32, #tpu.memory_space<vmem>>, vector<1x16xi32>,
    %swap3A_462 = arith.constant 1 : i32
    %swap3A_463 = arith.index_cast %swap3A_462 : i32 to index
    %swap3A_464 = arith.constant 96 : index
    %swap3A_465 = tpu.vector_load %arg6[%swap3A_463, %swap3A_464] {strides = array<i32>} : memref<4x128xf32, #tpu.memory_space<vmem>>, vector<1x16xf32>,
    %swap3A_466 = vector.shape_cast %swap3A_465 : vector<1x16xf32> to vector<16xf32>
    %swap3A_467 = vector.shape_cast %mul3A_447 : vector<16xf32> to vector<1x16xf32>
    tpu.vector_store %arg6[%swap3A_463, %swap3A_464], %swap3A_467 {strides = array<i32>} : memref<4x128xf32, #tpu.memory_space<vmem>>, vector<1x16xf32>,
    %swap3A_468 = arith.constant 1 : i32
    %swap3A_469 = arith.index_cast %swap3A_468 : i32 to index
    %swap3A_470 = arith.constant 96 : index
    %swap3A_471 = tpu.vector_load %arg7[%swap3A_469, %swap3A_470] {strides = array<i32>} : memref<4x128xi32, #tpu.memory_space<vmem>>, vector<1x16xi32>,
    %swap3A_472 = vector.shape_cast %swap3A_471 : vector<1x16xi32> to vector<16xi32>
    %swap3A_473 = vector.shape_cast %scan3A_431#5 : vector<16xi32> to vector<1x16xi32>
    tpu.vector_store %arg7[%swap3A_469, %swap3A_470], %swap3A_473 {strides = array<i32>} : memref<4x128xi32, #tpu.memory_space<vmem>>, vector<1x16xi32>,
    %swap3A_474 = arith.constant 2 : i32
    %swap3A_475 = arith.index_cast %swap3A_474 : i32 to index
    %swap3A_476 = arith.constant 96 : index
    %swap3A_477 = tpu.vector_load %arg6[%swap3A_475, %swap3A_476] {strides = array<i32>} : memref<4x128xf32, #tpu.memory_space<vmem>>, vector<1x16xf32>,
    %swap3A_478 = vector.shape_cast %swap3A_477 : vector<1x16xf32> to vector<16xf32>
    %swap3A_479 = vector.shape_cast %mul3A_448 : vector<16xf32> to vector<1x16xf32>
    tpu.vector_store %arg6[%swap3A_475, %swap3A_476], %swap3A_479 {strides = array<i32>} : memref<4x128xf32, #tpu.memory_space<vmem>>, vector<1x16xf32>,
    %swap3A_480 = arith.constant 2 : i32
    %swap3A_481 = arith.index_cast %swap3A_480 : i32 to index
    %swap3A_482 = arith.constant 96 : index
    %swap3A_483 = tpu.vector_load %arg7[%swap3A_481, %swap3A_482] {strides = array<i32>} : memref<4x128xi32, #tpu.memory_space<vmem>>, vector<1x16xi32>,
    %swap3A_484 = vector.shape_cast %swap3A_483 : vector<1x16xi32> to vector<16xi32>
    %swap3A_485 = vector.shape_cast %scan3A_431#6 : vector<16xi32> to vector<1x16xi32>
    tpu.vector_store %arg7[%swap3A_481, %swap3A_482], %swap3A_485 {strides = array<i32>} : memref<4x128xi32, #tpu.memory_space<vmem>>, vector<1x16xi32>,
    %swap3A_486 = arith.constant 3 : i32
    %swap3A_487 = arith.index_cast %swap3A_486 : i32 to index
    %swap3A_488 = arith.constant 96 : index
    %swap3A_489 = tpu.vector_load %arg6[%swap3A_487, %swap3A_488] {strides = array<i32>} : memref<4x128xf32, #tpu.memory_space<vmem>>, vector<1x16xf32>,
    %swap3A_490 = vector.shape_cast %swap3A_489 : vector<1x16xf32> to vector<16xf32>
    %swap3A_491 = vector.shape_cast %mul3A_449 : vector<16xf32> to vector<1x16xf32>
    tpu.vector_store %arg6[%swap3A_487, %swap3A_488], %swap3A_491 {strides = array<i32>} : memref<4x128xf32, #tpu.memory_space<vmem>>, vector<1x16xf32>,
    %swap3A_492 = arith.constant 3 : i32
    %swap3A_493 = arith.index_cast %swap3A_492 : i32 to index
    %swap3A_494 = arith.constant 96 : index
    %swap3A_495 = tpu.vector_load %arg7[%swap3A_493, %swap3A_494] {strides = array<i32>} : memref<4x128xi32, #tpu.memory_space<vmem>>, vector<1x16xi32>,
    %swap3A_496 = vector.shape_cast %swap3A_495 : vector<1x16xi32> to vector<16xi32>
    %swap3A_497 = vector.shape_cast %scan3A_431#7 : vector<16xi32> to vector<1x16xi32>
    tpu.vector_store %arg7[%swap3A_493, %swap3A_494], %swap3A_497 {strides = array<i32>} : memref<4x128xi32, #tpu.memory_space<vmem>>, vector<1x16xi32>,
    %scan3A_498 = arith.constant 0 : i32
    %scan3A_499 = arith.constant 200 : i32
    %scan3A_500 = arith.addi %scan3A_498, %scan3A_499 : i32
    %scan3A_501 = arith.constant 4 : i32
    %scan3A_502:8 = scf.for %scan3A_569 = %scan3A_498 to %scan3A_500 step %scan3A_501 iter_args(%scan3A_570 = %broadcast_in_dim3A_3, %scan3A_571 = %broadcast_in_dim3A_3, %scan3A_572 = %broadcast_in_dim3A_3, %scan3A_573 = %broadcast_in_dim3A_3, %scan3A_574 = %broadcast_in_dim3A_5, %scan3A_575 = %broadcast_in_dim3A_5, %scan3A_576 = %broadcast_in_dim3A_5, %scan3A_577 = %broadcast_in_dim3A_5) -> (vector<16xf32>, vector<16xf32>, vector<16xf32>, vector<16xf32>, vector<16xi32>, vector<16xi32>, vector<16xi32>, vector<16xi32>)  : i32 {
      %get3A = arith.index_cast %scan3A_569 : i32 to index
      %get3A_578 = arith.constant 112 : index
      %get3A_579 = tpu.vector_load %arg5[%get3A, %get3A_578] {strides = array<i32>} : memref<200x128xf32, #tpu.memory_space<vmem>>, vector<1x16xf32>,
      %get3A_580 = vector.shape_cast %get3A_579 : vector<1x16xf32> to vector<16xf32>
      %broadcast_in_dim3A_581 = vector.broadcast %scan3A_569 : i32 to vector<16xi32>
      %gt3A = arith.cmpf ogt, %get3A_580, %scan3A_570 : vector<16xf32>
      %gt3A_582 = arith.cmpf ogt, %get3A_580, %scan3A_571 : vector<16xf32>
      %gt3A_583 = arith.cmpf ogt, %get3A_580, %scan3A_572 : vector<16xf32>
      %gt3A_584 = arith.cmpf ogt, %get3A_580, %scan3A_573 : vector<16xf32>
      %select_n3A = arith.select %gt3A, %get3A_580, %scan3A_570 : vector<16xi1>, vector<16xf32>
      %select_n3A_585 = arith.select %gt3A_582, %get3A_580, %scan3A_571 : vector<16xi1>, vector<16xf32>
      %select_n3A_586 = arith.select %gt3A, %scan3A_570, %select_n3A_585 : vector<16xi1>, vector<16xf32>
      %select_n3A_587 = arith.select %gt3A_583, %get3A_580, %scan3A_572 : vector<16xi1>, vector<16xf32>
      %select_n3A_588 = arith.select %gt3A_582, %scan3A_571, %select_n3A_587 : vector<16xi1>, vector<16xf32>
      %select_n3A_589 = arith.select %gt3A_584, %get3A_580, %scan3A_573 : vector<16xi1>, vector<16xf32>
      %select_n3A_590 = arith.select %gt3A_583, %scan3A_572, %select_n3A_589 : vector<16xi1>, vector<16xf32>
      %select_n3A_591 = arith.select %gt3A, %broadcast_in_dim3A_581, %scan3A_574 : vector<16xi1>, vector<16xi32>
      %select_n3A_592 = arith.select %gt3A_582, %broadcast_in_dim3A_581, %scan3A_575 : vector<16xi1>, vector<16xi32>
      %select_n3A_593 = arith.select %gt3A, %scan3A_574, %select_n3A_592 : vector<16xi1>, vector<16xi32>
      %select_n3A_594 = arith.select %gt3A_583, %broadcast_in_dim3A_581, %scan3A_576 : vector<16xi1>, vector<16xi32>
      %select_n3A_595 = arith.select %gt3A_582, %scan3A_575, %select_n3A_594 : vector<16xi1>, vector<16xi32>
      %select_n3A_596 = arith.select %gt3A_584, %broadcast_in_dim3A_581, %scan3A_577 : vector<16xi1>, vector<16xi32>
      %select_n3A_597 = arith.select %gt3A_583, %scan3A_576, %select_n3A_596 : vector<16xi1>, vector<16xi32>
      %scan3A_598 = arith.constant 1 : i32
      %scan3A_599 = arith.addi %scan3A_569, %scan3A_598 : i32
      %get3A_600 = arith.index_cast %scan3A_599 : i32 to index
      %get3A_601 = arith.constant 112 : index
      %get3A_602 = tpu.vector_load %arg5[%get3A_600, %get3A_601] {strides = array<i32>} : memref<200x128xf32, #tpu.memory_space<vmem>>, vector<1x16xf32>,
      %get3A_603 = vector.shape_cast %get3A_602 : vector<1x16xf32> to vector<16xf32>
      %broadcast_in_dim3A_604 = vector.broadcast %scan3A_599 : i32 to vector<16xi32>
      %gt3A_605 = arith.cmpf ogt, %get3A_603, %select_n3A : vector<16xf32>
      %gt3A_606 = arith.cmpf ogt, %get3A_603, %select_n3A_586 : vector<16xf32>
      %gt3A_607 = arith.cmpf ogt, %get3A_603, %select_n3A_588 : vector<16xf32>
      %gt3A_608 = arith.cmpf ogt, %get3A_603, %select_n3A_590 : vector<16xf32>
      %select_n3A_609 = arith.select %gt3A_605, %get3A_603, %select_n3A : vector<16xi1>, vector<16xf32>
      %select_n3A_610 = arith.select %gt3A_606, %get3A_603, %select_n3A_586 : vector<16xi1>, vector<16xf32>
      %select_n3A_611 = arith.select %gt3A_605, %select_n3A, %select_n3A_610 : vector<16xi1>, vector<16xf32>
      %select_n3A_612 = arith.select %gt3A_607, %get3A_603, %select_n3A_588 : vector<16xi1>, vector<16xf32>
      %select_n3A_613 = arith.select %gt3A_606, %select_n3A_586, %select_n3A_612 : vector<16xi1>, vector<16xf32>
      %select_n3A_614 = arith.select %gt3A_608, %get3A_603, %select_n3A_590 : vector<16xi1>, vector<16xf32>
      %select_n3A_615 = arith.select %gt3A_607, %select_n3A_588, %select_n3A_614 : vector<16xi1>, vector<16xf32>
      %select_n3A_616 = arith.select %gt3A_605, %broadcast_in_dim3A_604, %select_n3A_591 : vector<16xi1>, vector<16xi32>
      %select_n3A_617 = arith.select %gt3A_606, %broadcast_in_dim3A_604, %select_n3A_593 : vector<16xi1>, vector<16xi32>
      %select_n3A_618 = arith.select %gt3A_605, %select_n3A_591, %select_n3A_617 : vector<16xi1>, vector<16xi32>
      %select_n3A_619 = arith.select %gt3A_607, %broadcast_in_dim3A_604, %select_n3A_595 : vector<16xi1>, vector<16xi32>
      %select_n3A_620 = arith.select %gt3A_606, %select_n3A_593, %select_n3A_619 : vector<16xi1>, vector<16xi32>
      %select_n3A_621 = arith.select %gt3A_608, %broadcast_in_dim3A_604, %select_n3A_597 : vector<16xi1>, vector<16xi32>
      %select_n3A_622 = arith.select %gt3A_607, %select_n3A_595, %select_n3A_621 : vector<16xi1>, vector<16xi32>
      %scan3A_623 = arith.constant 2 : i32
      %scan3A_624 = arith.addi %scan3A_569, %scan3A_623 : i32
      %get3A_625 = arith.index_cast %scan3A_624 : i32 to index
      %get3A_626 = arith.constant 112 : index
      %get3A_627 = tpu.vector_load %arg5[%get3A_625, %get3A_626] {strides = array<i32>} : memref<200x128xf32, #tpu.memory_space<vmem>>, vector<1x16xf32>,
      %get3A_628 = vector.shape_cast %get3A_627 : vector<1x16xf32> to vector<16xf32>
      %broadcast_in_dim3A_629 = vector.broadcast %scan3A_624 : i32 to vector<16xi32>
      %gt3A_630 = arith.cmpf ogt, %get3A_628, %select_n3A_609 : vector<16xf32>
      %gt3A_631 = arith.cmpf ogt, %get3A_628, %select_n3A_611 : vector<16xf32>
      %gt3A_632 = arith.cmpf ogt, %get3A_628, %select_n3A_613 : vector<16xf32>
      %gt3A_633 = arith.cmpf ogt, %get3A_628, %select_n3A_615 : vector<16xf32>
      %select_n3A_634 = arith.select %gt3A_630, %get3A_628, %select_n3A_609 : vector<16xi1>, vector<16xf32>
      %select_n3A_635 = arith.select %gt3A_631, %get3A_628, %select_n3A_611 : vector<16xi1>, vector<16xf32>
      %select_n3A_636 = arith.select %gt3A_630, %select_n3A_609, %select_n3A_635 : vector<16xi1>, vector<16xf32>
      %select_n3A_637 = arith.select %gt3A_632, %get3A_628, %select_n3A_613 : vector<16xi1>, vector<16xf32>
      %select_n3A_638 = arith.select %gt3A_631, %select_n3A_611, %select_n3A_637 : vector<16xi1>, vector<16xf32>
      %select_n3A_639 = arith.select %gt3A_633, %get3A_628, %select_n3A_615 : vector<16xi1>, vector<16xf32>
      %select_n3A_640 = arith.select %gt3A_632, %select_n3A_613, %select_n3A_639 : vector<16xi1>, vector<16xf32>
      %select_n3A_641 = arith.select %gt3A_630, %broadcast_in_dim3A_629, %select_n3A_616 : vector<16xi1>, vector<16xi32>
      %select_n3A_642 = arith.select %gt3A_631, %broadcast_in_dim3A_629, %select_n3A_618 : vector<16xi1>, vector<16xi32>
      %select_n3A_643 = arith.select %gt3A_630, %select_n3A_616, %select_n3A_642 : vector<16xi1>, vector<16xi32>
      %select_n3A_644 = arith.select %gt3A_632, %broadcast_in_dim3A_629, %select_n3A_620 : vector<16xi1>, vector<16xi32>
      %select_n3A_645 = arith.select %gt3A_631, %select_n3A_618, %select_n3A_644 : vector<16xi1>, vector<16xi32>
      %select_n3A_646 = arith.select %gt3A_633, %broadcast_in_dim3A_629, %select_n3A_622 : vector<16xi1>, vector<16xi32>
      %select_n3A_647 = arith.select %gt3A_632, %select_n3A_620, %select_n3A_646 : vector<16xi1>, vector<16xi32>
      %scan3A_648 = arith.constant 3 : i32
      %scan3A_649 = arith.addi %scan3A_569, %scan3A_648 : i32
      %get3A_650 = arith.index_cast %scan3A_649 : i32 to index
      %get3A_651 = arith.constant 112 : index
      %get3A_652 = tpu.vector_load %arg5[%get3A_650, %get3A_651] {strides = array<i32>} : memref<200x128xf32, #tpu.memory_space<vmem>>, vector<1x16xf32>,
      %get3A_653 = vector.shape_cast %get3A_652 : vector<1x16xf32> to vector<16xf32>
      %broadcast_in_dim3A_654 = vector.broadcast %scan3A_649 : i32 to vector<16xi32>
      %gt3A_655 = arith.cmpf ogt, %get3A_653, %select_n3A_634 : vector<16xf32>
      %gt3A_656 = arith.cmpf ogt, %get3A_653, %select_n3A_636 : vector<16xf32>
      %gt3A_657 = arith.cmpf ogt, %get3A_653, %select_n3A_638 : vector<16xf32>
      %gt3A_658 = arith.cmpf ogt, %get3A_653, %select_n3A_640 : vector<16xf32>
      %select_n3A_659 = arith.select %gt3A_655, %get3A_653, %select_n3A_634 : vector<16xi1>, vector<16xf32>
      %select_n3A_660 = arith.select %gt3A_656, %get3A_653, %select_n3A_636 : vector<16xi1>, vector<16xf32>
      %select_n3A_661 = arith.select %gt3A_655, %select_n3A_634, %select_n3A_660 : vector<16xi1>, vector<16xf32>
      %select_n3A_662 = arith.select %gt3A_657, %get3A_653, %select_n3A_638 : vector<16xi1>, vector<16xf32>
      %select_n3A_663 = arith.select %gt3A_656, %select_n3A_636, %select_n3A_662 : vector<16xi1>, vector<16xf32>
      %select_n3A_664 = arith.select %gt3A_658, %get3A_653, %select_n3A_640 : vector<16xi1>, vector<16xf32>
      %select_n3A_665 = arith.select %gt3A_657, %select_n3A_638, %select_n3A_664 : vector<16xi1>, vector<16xf32>
      %select_n3A_666 = arith.select %gt3A_655, %broadcast_in_dim3A_654, %select_n3A_641 : vector<16xi1>, vector<16xi32>
      %select_n3A_667 = arith.select %gt3A_656, %broadcast_in_dim3A_654, %select_n3A_643 : vector<16xi1>, vector<16xi32>
      %select_n3A_668 = arith.select %gt3A_655, %select_n3A_641, %select_n3A_667 : vector<16xi1>, vector<16xi32>
      %select_n3A_669 = arith.select %gt3A_657, %broadcast_in_dim3A_654, %select_n3A_645 : vector<16xi1>, vector<16xi32>
      %select_n3A_670 = arith.select %gt3A_656, %select_n3A_643, %select_n3A_669 : vector<16xi1>, vector<16xi32>
      %select_n3A_671 = arith.select %gt3A_658, %broadcast_in_dim3A_654, %select_n3A_647 : vector<16xi1>, vector<16xi32>
      %select_n3A_672 = arith.select %gt3A_657, %select_n3A_645, %select_n3A_671 : vector<16xi1>, vector<16xi32>
      scf.yield %select_n3A_659, %select_n3A_661, %select_n3A_663, %select_n3A_665, %select_n3A_666, %select_n3A_668, %select_n3A_670, %select_n3A_672 : vector<16xf32>, vector<16xf32>, vector<16xf32>, vector<16xf32>, vector<16xi32>, vector<16xi32>, vector<16xi32>, vector<16xi32>
    }
    %scan3A_503 = arith.constant 200 : i32
    %sub3A_504 = arith.subf %scan3A_502#1, %scan3A_502#0 : vector<16xf32>
    %exp3A_505 = math.exp %sub3A_504 : vector<16xf32>
    %sub3A_506 = arith.subf %scan3A_502#2, %scan3A_502#0 : vector<16xf32>
    %exp3A_507 = math.exp %sub3A_506 : vector<16xf32>
    %sub3A_508 = arith.subf %scan3A_502#3, %scan3A_502#0 : vector<16xf32>
    %exp3A_509 = math.exp %sub3A_508 : vector<16xf32>
    %add3A_510 = arith.constant 1.000000e+00 : f32
    %add3A_511 = vector.broadcast %add3A_510 : f32 to vector<16xf32>
    %add3A_512 = arith.addf %add3A_511, %exp3A_505 : vector<16xf32>
    %add3A_513 = arith.addf %add3A_512, %exp3A_507 : vector<16xf32>
    %add3A_514 = arith.addf %add3A_513, %exp3A_509 : vector<16xf32>
    %div3A_515 = arith.constant 1.000000e+00 : f32
    %div3A_516 = vector.broadcast %div3A_515 : f32 to vector<16xf32>
    %div3A_517 = arith.divf %div3A_516, %add3A_514 : vector<16xf32>
    %mul3A_518 = arith.mulf %exp3A_505, %div3A_517 : vector<16xf32>
    %mul3A_519 = arith.mulf %exp3A_507, %div3A_517 : vector<16xf32>
    %mul3A_520 = arith.mulf %exp3A_509, %div3A_517 : vector<16xf32>
    %swap3A_521 = arith.constant 0 : i32
    %swap3A_522 = arith.index_cast %swap3A_521 : i32 to index
    %swap3A_523 = arith.constant 112 : index
    %swap3A_524 = tpu.vector_load %arg6[%swap3A_522, %swap3A_523] {strides = array<i32>} : memref<4x128xf32, #tpu.memory_space<vmem>>, vector<1x16xf32>,
    %swap3A_525 = vector.shape_cast %swap3A_524 : vector<1x16xf32> to vector<16xf32>
    %swap3A_526 = vector.shape_cast %div3A_517 : vector<16xf32> to vector<1x16xf32>
    tpu.vector_store %arg6[%swap3A_522, %swap3A_523], %swap3A_526 {strides = array<i32>} : memref<4x128xf32, #tpu.memory_space<vmem>>, vector<1x16xf32>,
    %swap3A_527 = arith.constant 0 : i32
    %swap3A_528 = arith.index_cast %swap3A_527 : i32 to index
    %swap3A_529 = arith.constant 112 : index
    %swap3A_530 = tpu.vector_load %arg7[%swap3A_528, %swap3A_529] {strides = array<i32>} : memref<4x128xi32, #tpu.memory_space<vmem>>, vector<1x16xi32>,
    %swap3A_531 = vector.shape_cast %swap3A_530 : vector<1x16xi32> to vector<16xi32>
    %swap3A_532 = vector.shape_cast %scan3A_502#4 : vector<16xi32> to vector<1x16xi32>
    tpu.vector_store %arg7[%swap3A_528, %swap3A_529], %swap3A_532 {strides = array<i32>} : memref<4x128xi32, #tpu.memory_space<vmem>>, vector<1x16xi32>,
    %swap3A_533 = arith.constant 1 : i32
    %swap3A_534 = arith.index_cast %swap3A_533 : i32 to index
    %swap3A_535 = arith.constant 112 : index
    %swap3A_536 = tpu.vector_load %arg6[%swap3A_534, %swap3A_535] {strides = array<i32>} : memref<4x128xf32, #tpu.memory_space<vmem>>, vector<1x16xf32>,
    %swap3A_537 = vector.shape_cast %swap3A_536 : vector<1x16xf32> to vector<16xf32>
    %swap3A_538 = vector.shape_cast %mul3A_518 : vector<16xf32> to vector<1x16xf32>
    tpu.vector_store %arg6[%swap3A_534, %swap3A_535], %swap3A_538 {strides = array<i32>} : memref<4x128xf32, #tpu.memory_space<vmem>>, vector<1x16xf32>,
    %swap3A_539 = arith.constant 1 : i32
    %swap3A_540 = arith.index_cast %swap3A_539 : i32 to index
    %swap3A_541 = arith.constant 112 : index
    %swap3A_542 = tpu.vector_load %arg7[%swap3A_540, %swap3A_541] {strides = array<i32>} : memref<4x128xi32, #tpu.memory_space<vmem>>, vector<1x16xi32>,
    %swap3A_543 = vector.shape_cast %swap3A_542 : vector<1x16xi32> to vector<16xi32>
    %swap3A_544 = vector.shape_cast %scan3A_502#5 : vector<16xi32> to vector<1x16xi32>
    tpu.vector_store %arg7[%swap3A_540, %swap3A_541], %swap3A_544 {strides = array<i32>} : memref<4x128xi32, #tpu.memory_space<vmem>>, vector<1x16xi32>,
    %swap3A_545 = arith.constant 2 : i32
    %swap3A_546 = arith.index_cast %swap3A_545 : i32 to index
    %swap3A_547 = arith.constant 112 : index
    %swap3A_548 = tpu.vector_load %arg6[%swap3A_546, %swap3A_547] {strides = array<i32>} : memref<4x128xf32, #tpu.memory_space<vmem>>, vector<1x16xf32>,
    %swap3A_549 = vector.shape_cast %swap3A_548 : vector<1x16xf32> to vector<16xf32>
    %swap3A_550 = vector.shape_cast %mul3A_519 : vector<16xf32> to vector<1x16xf32>
    tpu.vector_store %arg6[%swap3A_546, %swap3A_547], %swap3A_550 {strides = array<i32>} : memref<4x128xf32, #tpu.memory_space<vmem>>, vector<1x16xf32>,
    %swap3A_551 = arith.constant 2 : i32
    %swap3A_552 = arith.index_cast %swap3A_551 : i32 to index
    %swap3A_553 = arith.constant 112 : index
    %swap3A_554 = tpu.vector_load %arg7[%swap3A_552, %swap3A_553] {strides = array<i32>} : memref<4x128xi32, #tpu.memory_space<vmem>>, vector<1x16xi32>,
    %swap3A_555 = vector.shape_cast %swap3A_554 : vector<1x16xi32> to vector<16xi32>
    %swap3A_556 = vector.shape_cast %scan3A_502#6 : vector<16xi32> to vector<1x16xi32>
    tpu.vector_store %arg7[%swap3A_552, %swap3A_553], %swap3A_556 {strides = array<i32>} : memref<4x128xi32, #tpu.memory_space<vmem>>, vector<1x16xi32>,
    %swap3A_557 = arith.constant 3 : i32
    %swap3A_558 = arith.index_cast %swap3A_557 : i32 to index
    %swap3A_559 = arith.constant 112 : index
    %swap3A_560 = tpu.vector_load %arg6[%swap3A_558, %swap3A_559] {strides = array<i32>} : memref<4x128xf32, #tpu.memory_space<vmem>>, vector<1x16xf32>,
    %swap3A_561 = vector.shape_cast %swap3A_560 : vector<1x16xf32> to vector<16xf32>
    %swap3A_562 = vector.shape_cast %mul3A_520 : vector<16xf32> to vector<1x16xf32>
    tpu.vector_store %arg6[%swap3A_558, %swap3A_559], %swap3A_562 {strides = array<i32>} : memref<4x128xf32, #tpu.memory_space<vmem>>, vector<1x16xf32>,
    %swap3A_563 = arith.constant 3 : i32
    %swap3A_564 = arith.index_cast %swap3A_563 : i32 to index
    %swap3A_565 = arith.constant 112 : index
    %swap3A_566 = tpu.vector_load %arg7[%swap3A_564, %swap3A_565] {strides = array<i32>} : memref<4x128xi32, #tpu.memory_space<vmem>>, vector<1x16xi32>,
    %swap3A_567 = vector.shape_cast %swap3A_566 : vector<1x16xi32> to vector<16xi32>
    %swap3A_568 = vector.shape_cast %scan3A_502#7 : vector<16xi32> to vector<1x16xi32>
    tpu.vector_store %arg7[%swap3A_564, %swap3A_565], %swap3A_568 {strides = array<i32>} : memref<4x128xi32, #tpu.memory_space<vmem>>, vector<1x16xi32>,
    "tpu.region"() ({
      %run_scoped3A = tpu.sem_alloc : memref<!tpu.dma_semaphore, #tpu.memory_space<semaphore_mem>>
      %dma_start3A = arith.constant 0 : i32
      %dma_start3A_569 = tpu.memref_slice %arg3[%dma_start3A, %mul3A_2] : memref<4x4096xf32, #tpu.memory_space<hbm>> -> memref<4x128xf32, #tpu.memory_space<hbm>>
      %dma_start3A_570 = arith.constant 0 : i32
      %dma_start3A_571 = tpu.memref_slice %arg3[%dma_start3A_570, %mul3A_2] : memref<4x4096xf32, #tpu.memory_space<hbm>> -> memref<4x128xf32, #tpu.memory_space<hbm>>
      tpu.enqueue_dma source(%arg6 : memref<4x128xf32, #tpu.memory_space<vmem>>) target(%dma_start3A_571 : memref<4x128xf32, #tpu.memory_space<hbm>>) target_semaphore(%run_scoped3A : memref<!tpu.dma_semaphore, #tpu.memory_space<semaphore_mem>>)
      %dma_wait3A = arith.constant 0 : i32
      %dma_wait3A_572 = tpu.memref_slice %arg3[%dma_wait3A, %mul3A_2] : memref<4x4096xf32, #tpu.memory_space<hbm>> -> memref<4x128xf32, #tpu.memory_space<hbm>>
      %dma_wait3A_573 = arith.constant 0 : i32
      %dma_wait3A_574 = tpu.memref_slice %arg3[%dma_wait3A_573, %mul3A_2] : memref<4x4096xf32, #tpu.memory_space<hbm>> -> memref<4x128xf32, #tpu.memory_space<hbm>>
      tpu.wait_dma2 semaphore(%run_scoped3A : memref<!tpu.dma_semaphore, #tpu.memory_space<semaphore_mem>>) src(%arg6 : memref<4x128xf32, #tpu.memory_space<vmem>>) dst(%dma_wait3A_574 : memref<4x128xf32, #tpu.memory_space<hbm>>)
      tpu.yield
    }) : () -> ()
    "tpu.region"() ({
      %run_scoped3A = tpu.sem_alloc : memref<!tpu.dma_semaphore, #tpu.memory_space<semaphore_mem>>
      %dma_start3A = arith.constant 0 : i32
      %dma_start3A_569 = tpu.memref_slice %arg4[%dma_start3A, %mul3A_2] : memref<4x4096xi32, #tpu.memory_space<hbm>> -> memref<4x128xi32, #tpu.memory_space<hbm>>
      %dma_start3A_570 = arith.constant 0 : i32
      %dma_start3A_571 = tpu.memref_slice %arg4[%dma_start3A_570, %mul3A_2] : memref<4x4096xi32, #tpu.memory_space<hbm>> -> memref<4x128xi32, #tpu.memory_space<hbm>>
      tpu.enqueue_dma source(%arg7 : memref<4x128xi32, #tpu.memory_space<vmem>>) target(%dma_start3A_571 : memref<4x128xi32, #tpu.memory_space<hbm>>) target_semaphore(%run_scoped3A : memref<!tpu.dma_semaphore, #tpu.memory_space<semaphore_mem>>)
      %dma_wait3A = arith.constant 0 : i32
      %dma_wait3A_572 = tpu.memref_slice %arg4[%dma_wait3A, %mul3A_2] : memref<4x4096xi32, #tpu.memory_space<hbm>> -> memref<4x128xi32, #tpu.memory_space<hbm>>
      %dma_wait3A_573 = arith.constant 0 : i32
      %dma_wait3A_574 = tpu.memref_slice %arg4[%dma_wait3A_573, %mul3A_2] : memref<4x4096xi32, #tpu.memory_space<hbm>> -> memref<4x128xi32, #tpu.memory_space<hbm>>
      tpu.wait_dma2 semaphore(%run_scoped3A : memref<!tpu.dma_semaphore, #tpu.memory_space<semaphore_mem>>) src(%arg7 : memref<4x128xi32, #tpu.memory_space<vmem>>) dst(%dma_wait3A_574 : memref<4x128xi32, #tpu.memory_space<hbm>>)
      tpu.yield
    }) : () -> ()
    return
  }
}

module attributes {stable_mosaic.version = 14 : i64} {
  func.func @_fuse_body(%arg0: i32, %arg1: memref<64x256xf32, #tpu.memory_space<vmem>>, %arg2: memref<4x256xf32, #tpu.memory_space<vmem>>, %arg3: memref<4x256xi32, #tpu.memory_space<vmem>>, %arg4: memref<200x64x256xf32, #tpu.memory_space<vmem>>, %arg5: memref<64x64xf32, #tpu.memory_space<vmem>>, %arg6: memref<64x64xf32, #tpu.memory_space<vmem>>, %arg7: memref<64x64xf32, #tpu.memory_space<vmem>>, %arg8: memref<64x1xf32, #tpu.memory_space<vmem>>, %arg9: memref<64x64xf32, #tpu.memory_space<vmem>>, %arg10: memref<64x1xf32, #tpu.memory_space<vmem>>, %arg11: memref<64x64xf32, #tpu.memory_space<vmem>>, %arg12: memref<64x1xf32, #tpu.memory_space<vmem>>, %arg13: memref<64x256xf32, #tpu.memory_space<vmem>>, %arg14: memref<64x256xf32, #tpu.memory_space<vmem>>) attributes {dimension_semantics = [#tpu.dimension_semantics<arbitrary>], iteration_bounds = array<i64: 16>, scalar_prefetch = 0 : i64, scratch_operands = 0 : i64, tpu.core_type = #tpu.core_type<tc>, window_params = [{transform_indices = @transform_0, window_bounds = array<i64: 64, 256>}, {transform_indices = @transform_1, window_bounds = array<i64: 4, 256>}, {transform_indices = @transform_2, window_bounds = array<i64: 4, 256>}, {transform_indices = @transform_3, window_bounds = array<i64: 200, 64, 256>}, {pipeline_mode = #tpu.pipeline_mode<synchronous>, transform_indices = @transform_4, window_bounds = array<i64: 64, 64>}, {pipeline_mode = #tpu.pipeline_mode<synchronous>, transform_indices = @transform_5, window_bounds = array<i64: 64, 64>}, {pipeline_mode = #tpu.pipeline_mode<synchronous>, transform_indices = @transform_6, window_bounds = array<i64: 64, 64>}, {pipeline_mode = #tpu.pipeline_mode<synchronous>, transform_indices = @transform_7, window_bounds = array<i64: 64, 1>}, {pipeline_mode = #tpu.pipeline_mode<synchronous>, transform_indices = @transform_8, window_bounds = array<i64: 64, 64>}, {pipeline_mode = #tpu.pipeline_mode<synchronous>, transform_indices = @transform_9, window_bounds = array<i64: 64, 1>}, {pipeline_mode = #tpu.pipeline_mode<synchronous>, transform_indices = @transform_10, window_bounds = array<i64: 64, 64>}, {pipeline_mode = #tpu.pipeline_mode<synchronous>, transform_indices = @transform_11, window_bounds = array<i64: 64, 1>}, {transform_indices = @transform_12, window_bounds = array<i64: 64, 256>}, {transform_indices = @transform_13, window_bounds = array<i64: 64, 256>}]} {
    %get3A = arith.constant 0 : index
    %get3A_0 = arith.constant 0 : index
    %get3A_1 = vector.load %arg1[%get3A, %get3A_0] : memref<64x256xf32, #tpu.memory_space<vmem>>, vector<64x256xf32>
    %get3A_2 = arith.constant 0 : index
    %get3A_3 = arith.constant 0 : index
    %get3A_4 = vector.load %arg2[%get3A_2, %get3A_3] : memref<4x256xf32, #tpu.memory_space<vmem>>, vector<4x256xf32>
    %get3A_5 = arith.constant 0 : index
    %get3A_6 = arith.constant 0 : index
    %get3A_7 = vector.load %arg3[%get3A_5, %get3A_6] : memref<4x256xi32, #tpu.memory_space<vmem>>, vector<4x256xi32>
    %get3A_8 = arith.constant 0 : index
    %get3A_9 = arith.constant 0 : index
    %get3A_10 = arith.constant 0 : index
    %get3A_11 = vector.load %arg4[%get3A_8, %get3A_9, %get3A_10] : memref<200x64x256xf32, #tpu.memory_space<vmem>>, vector<200x64x256xf32>
    %iota3A = tpu.iota {dimensions = array<i32: 0>} : vector<200x256xi32>
    %broadcast_in_dim3A = arith.constant 0.000000e+00 : f32
    %broadcast_in_dim3A_12 = vector.broadcast %broadcast_in_dim3A : f32 to vector<200x256xf32>
    %slice3A = vector.extract_strided_slice %get3A_7 {offsets = [0, 0], sizes = [1, 256], strides = [1, 1]} : vector<4x256xi32> to vector<1x256xi32>
    %eq3A = vector.broadcast %slice3A : vector<1x256xi32> to vector<200x256xi32>
    %eq3A_13 = arith.cmpi eq, %iota3A, %eq3A : vector<200x256xi32>
    %slice3A_14 = vector.extract_strided_slice %get3A_4 {offsets = [0, 0], sizes = [1, 256], strides = [1, 1]} : vector<4x256xf32> to vector<1x256xf32>
    %jit3A = arith.constant 0.000000e+00 : f32
    %broadcast_in_dim3A_15 = vector.shape_cast %slice3A_14 : vector<1x256xf32> to vector<1x256xf32>
    %broadcast_in_dim3A_16 = vector.broadcast %broadcast_in_dim3A_15 : vector<1x256xf32> to vector<200x256xf32>
    %broadcast_in_dim3A_17 = vector.broadcast %jit3A : f32 to vector<200x256xf32>
    %select_n3A = arith.select %eq3A_13, %broadcast_in_dim3A_16, %broadcast_in_dim3A_17 : vector<200x256xi1>, vector<200x256xf32>
    %add3A = arith.addf %broadcast_in_dim3A_12, %select_n3A : vector<200x256xf32>
    %slice3A_18 = vector.extract_strided_slice %get3A_7 {offsets = [1, 0], sizes = [1, 256], strides = [1, 1]} : vector<4x256xi32> to vector<1x256xi32>
    %eq3A_19 = vector.broadcast %slice3A_18 : vector<1x256xi32> to vector<200x256xi32>
    %eq3A_20 = arith.cmpi eq, %iota3A, %eq3A_19 : vector<200x256xi32>
    %slice3A_21 = vector.extract_strided_slice %get3A_4 {offsets = [1, 0], sizes = [1, 256], strides = [1, 1]} : vector<4x256xf32> to vector<1x256xf32>
    %jit3A_22 = arith.constant 0.000000e+00 : f32
    %broadcast_in_dim3A_23 = vector.shape_cast %slice3A_21 : vector<1x256xf32> to vector<1x256xf32>
    %broadcast_in_dim3A_24 = vector.broadcast %broadcast_in_dim3A_23 : vector<1x256xf32> to vector<200x256xf32>
    %broadcast_in_dim3A_25 = vector.broadcast %jit3A_22 : f32 to vector<200x256xf32>
    %select_n3A_26 = arith.select %eq3A_20, %broadcast_in_dim3A_24, %broadcast_in_dim3A_25 : vector<200x256xi1>, vector<200x256xf32>
    %add3A_27 = arith.addf %add3A, %select_n3A_26 : vector<200x256xf32>
    %slice3A_28 = vector.extract_strided_slice %get3A_7 {offsets = [2, 0], sizes = [1, 256], strides = [1, 1]} : vector<4x256xi32> to vector<1x256xi32>
    %eq3A_29 = vector.broadcast %slice3A_28 : vector<1x256xi32> to vector<200x256xi32>
    %eq3A_30 = arith.cmpi eq, %iota3A, %eq3A_29 : vector<200x256xi32>
    %slice3A_31 = vector.extract_strided_slice %get3A_4 {offsets = [2, 0], sizes = [1, 256], strides = [1, 1]} : vector<4x256xf32> to vector<1x256xf32>
    %jit3A_32 = arith.constant 0.000000e+00 : f32
    %broadcast_in_dim3A_33 = vector.shape_cast %slice3A_31 : vector<1x256xf32> to vector<1x256xf32>
    %broadcast_in_dim3A_34 = vector.broadcast %broadcast_in_dim3A_33 : vector<1x256xf32> to vector<200x256xf32>
    %broadcast_in_dim3A_35 = vector.broadcast %jit3A_32 : f32 to vector<200x256xf32>
    %select_n3A_36 = arith.select %eq3A_30, %broadcast_in_dim3A_34, %broadcast_in_dim3A_35 : vector<200x256xi1>, vector<200x256xf32>
    %add3A_37 = arith.addf %add3A_27, %select_n3A_36 : vector<200x256xf32>
    %slice3A_38 = vector.extract_strided_slice %get3A_7 {offsets = [3, 0], sizes = [1, 256], strides = [1, 1]} : vector<4x256xi32> to vector<1x256xi32>
    %eq3A_39 = vector.broadcast %slice3A_38 : vector<1x256xi32> to vector<200x256xi32>
    %eq3A_40 = arith.cmpi eq, %iota3A, %eq3A_39 : vector<200x256xi32>
    %slice3A_41 = vector.extract_strided_slice %get3A_4 {offsets = [3, 0], sizes = [1, 256], strides = [1, 1]} : vector<4x256xf32> to vector<1x256xf32>
    %jit3A_42 = arith.constant 0.000000e+00 : f32
    %broadcast_in_dim3A_43 = vector.shape_cast %slice3A_41 : vector<1x256xf32> to vector<1x256xf32>
    %broadcast_in_dim3A_44 = vector.broadcast %broadcast_in_dim3A_43 : vector<1x256xf32> to vector<200x256xf32>
    %broadcast_in_dim3A_45 = vector.broadcast %jit3A_42 : f32 to vector<200x256xf32>
    %select_n3A_46 = arith.select %eq3A_40, %broadcast_in_dim3A_44, %broadcast_in_dim3A_45 : vector<200x256xi1>, vector<200x256xf32>
    %add3A_47 = arith.addf %add3A_37, %select_n3A_46 : vector<200x256xf32>
    %broadcast_in_dim3A_48 = vector.shape_cast %add3A_47 : vector<200x256xf32> to vector<200x1x256xf32>
    %mul3A = vector.broadcast %broadcast_in_dim3A_48 : vector<200x1x256xf32> to vector<200x64x256xf32>
    %mul3A_49 = arith.mulf %mul3A, %get3A_11 : vector<200x64x256xf32>
    %reduce_sum3A = arith.constant dense<0.000000e+00> : vector<64x256xf32>
    %reduce_sum3A_50 = vector.multi_reduction <add>, %mul3A_49, %reduce_sum3A [0] : vector<200x64x256xf32> to vector<64x256xf32>
    %get3A_51 = arith.constant 0 : index
    %get3A_52 = arith.constant 0 : index
    %get3A_53 = vector.load %arg5[%get3A_51, %get3A_52] : memref<64x64xf32, #tpu.memory_space<vmem>>, vector<64x64xf32>
    %dot_general3A = arith.constant dense<0.000000e+00> : vector<64x256xf32>
    %dot_general3A_54 = tpu.matmul %get3A_53, %reduce_sum3A_50, %dot_general3A {dimension_numbers = #tpu.dot_dimension_numbers<[1], [0], [0], [1], [0, 0, 1, 1], [], []>, transpose_lhs_hint = false} : vector<64x64xf32>, vector<64x256xf32>, vector<64x256xf32> -> vector<64x256xf32>
    %get3A_55 = arith.constant 0 : index
    %get3A_56 = arith.constant 0 : index
    %get3A_57 = vector.load %arg6[%get3A_55, %get3A_56] : memref<64x64xf32, #tpu.memory_space<vmem>>, vector<64x64xf32>
    %dot_general3A_58 = arith.constant dense<0.000000e+00> : vector<64x256xf32>
    %dot_general3A_59 = tpu.matmul %get3A_57, %get3A_1, %dot_general3A_58 {dimension_numbers = #tpu.dot_dimension_numbers<[1], [0], [0], [1], [0, 0, 1, 1], [], []>, transpose_lhs_hint = false} : vector<64x64xf32>, vector<64x256xf32>, vector<64x256xf32> -> vector<64x256xf32>
    %get3A_60 = arith.constant 0 : index
    %get3A_61 = arith.constant 0 : index
    %get3A_62 = vector.load %arg7[%get3A_60, %get3A_61] : memref<64x64xf32, #tpu.memory_space<vmem>>, vector<64x64xf32>
    %dot_general3A_63 = arith.constant dense<0.000000e+00> : vector<64x256xf32>
    %dot_general3A_64 = tpu.matmul %get3A_62, %dot_general3A_54, %dot_general3A_63 {dimension_numbers = #tpu.dot_dimension_numbers<[1], [0], [0], [1], [0, 0, 1, 1], [], []>, transpose_lhs_hint = false} : vector<64x64xf32>, vector<64x256xf32>, vector<64x256xf32> -> vector<64x256xf32>
    %add3A_65 = arith.addf %dot_general3A_59, %dot_general3A_64 : vector<64x256xf32>
    %get3A_66 = arith.constant 0 : index
    %get3A_67 = arith.constant 0 : index
    %get3A_68 = vector.load %arg8[%get3A_66, %get3A_67] : memref<64x1xf32, #tpu.memory_space<vmem>>, vector<64x1xf32>
    %add3A_69 = vector.broadcast %get3A_68 : vector<64x1xf32> to vector<64x256xf32>
    %add3A_70 = arith.addf %add3A_65, %add3A_69 : vector<64x256xf32>
    %max3A = arith.constant 0.000000e+00 : f32
    %max3A_71 = vector.broadcast %max3A : f32 to vector<64x256xf32>
    %max3A_72 = arith.maximumf %add3A_70, %max3A_71 : vector<64x256xf32>
    %get3A_73 = arith.constant 0 : index
    %get3A_74 = arith.constant 0 : index
    %get3A_75 = vector.load %arg9[%get3A_73, %get3A_74] : memref<64x64xf32, #tpu.memory_space<vmem>>, vector<64x64xf32>
    %dot_general3A_76 = arith.constant dense<0.000000e+00> : vector<64x256xf32>
    %dot_general3A_77 = tpu.matmul %get3A_75, %max3A_72, %dot_general3A_76 {dimension_numbers = #tpu.dot_dimension_numbers<[1], [0], [0], [1], [0, 0, 1, 1], [], []>, transpose_lhs_hint = false} : vector<64x64xf32>, vector<64x256xf32>, vector<64x256xf32> -> vector<64x256xf32>
    %get3A_78 = arith.constant 0 : index
    %get3A_79 = arith.constant 0 : index
    %get3A_80 = vector.load %arg10[%get3A_78, %get3A_79] : memref<64x1xf32, #tpu.memory_space<vmem>>, vector<64x1xf32>
    %add3A_81 = vector.broadcast %get3A_80 : vector<64x1xf32> to vector<64x256xf32>
    %add3A_82 = arith.addf %dot_general3A_77, %add3A_81 : vector<64x256xf32>
    %logistic3A = arith.negf %add3A_82 : vector<64x256xf32>
    %logistic3A_83 = math.exp %logistic3A : vector<64x256xf32>
    %logistic3A_84 = arith.constant 1.000000e+00 : f32
    %logistic3A_85 = vector.broadcast %logistic3A_84 : f32 to vector<64x256xf32>
    %logistic3A_86 = arith.addf %logistic3A_85, %logistic3A_83 : vector<64x256xf32>
    %logistic3A_87 = arith.divf %logistic3A_85, %logistic3A_86 : vector<64x256xf32>
    %mul3A_88 = arith.mulf %logistic3A_87, %get3A_1 : vector<64x256xf32>
    %sub3A = arith.constant 1.000000e+00 : f32
    %sub3A_89 = vector.broadcast %sub3A : f32 to vector<64x256xf32>
    %sub3A_90 = arith.subf %sub3A_89, %logistic3A_87 : vector<64x256xf32>
    %mul3A_91 = arith.mulf %sub3A_90, %dot_general3A_54 : vector<64x256xf32>
    %add3A_92 = arith.addf %mul3A_88, %mul3A_91 : vector<64x256xf32>
    %get3A_93 = arith.constant 0 : index
    %get3A_94 = arith.constant 0 : index
    %get3A_95 = vector.load %arg11[%get3A_93, %get3A_94] : memref<64x64xf32, #tpu.memory_space<vmem>>, vector<64x64xf32>
    %dot_general3A_96 = arith.constant dense<0.000000e+00> : vector<64x256xf32>
    %dot_general3A_97 = tpu.matmul %get3A_95, %add3A_92, %dot_general3A_96 {dimension_numbers = #tpu.dot_dimension_numbers<[1], [0], [0], [1], [0, 0, 1, 1], [], []>, transpose_lhs_hint = false} : vector<64x64xf32>, vector<64x256xf32>, vector<64x256xf32> -> vector<64x256xf32>
    %get3A_98 = arith.constant 0 : index
    %get3A_99 = arith.constant 0 : index
    %get3A_100 = vector.load %arg12[%get3A_98, %get3A_99] : memref<64x1xf32, #tpu.memory_space<vmem>>, vector<64x1xf32>
    %add3A_101 = vector.broadcast %get3A_100 : vector<64x1xf32> to vector<64x256xf32>
    %add3A_102 = arith.addf %dot_general3A_97, %add3A_101 : vector<64x256xf32>
    %swap3A = arith.constant 0 : index
    %swap3A_103 = arith.constant 0 : index
    %swap3A_104 = vector.load %arg13[%swap3A, %swap3A_103] : memref<64x256xf32, #tpu.memory_space<vmem>>, vector<64x256xf32>
    tpu.vector_store %arg13[%swap3A, %swap3A_103], %add3A_102 {strides = array<i32>} : memref<64x256xf32, #tpu.memory_space<vmem>>, vector<64x256xf32>,
    %swap3A_105 = arith.constant 0 : index
    %swap3A_106 = arith.constant 0 : index
    %swap3A_107 = vector.load %arg14[%swap3A_105, %swap3A_106] : memref<64x256xf32, #tpu.memory_space<vmem>>, vector<64x256xf32>
    tpu.vector_store %arg14[%swap3A_105, %swap3A_106], %logistic3A_87 {strides = array<i32>} : memref<64x256xf32, #tpu.memory_space<vmem>>, vector<64x256xf32>,
    return
  }
  func.func @transform_0(%arg0: i32) -> (i32, i32) {
    %c0_i32 = arith.constant 0 : i32
    %c0_i32_0 = arith.constant 0 : i32
    return %c0_i32, %arg0 : i32, i32
  }
  func.func @transform_1(%arg0: i32) -> (i32, i32) {
    %c0_i32 = arith.constant 0 : i32
    %c0_i32_0 = arith.constant 0 : i32
    return %c0_i32, %arg0 : i32, i32
  }
  func.func @transform_2(%arg0: i32) -> (i32, i32) {
    %c0_i32 = arith.constant 0 : i32
    %c0_i32_0 = arith.constant 0 : i32
    return %c0_i32, %arg0 : i32, i32
  }
  func.func @transform_3(%arg0: i32) -> (i32, i32, i32) {
    %c0_i32 = arith.constant 0 : i32
    %c0_i32_0 = arith.constant 0 : i32
    %c0_i32_1 = arith.constant 0 : i32
    return %c0_i32, %c0_i32_0, %arg0 : i32, i32, i32
  }
  func.func @transform_4(%arg0: i32) -> (i32, i32) {
    %c0_i32 = arith.constant 0 : i32
    %c0_i32_0 = arith.constant 0 : i32
    %c0_i32_1 = arith.constant 0 : i32
    return %c0_i32, %c0_i32_0 : i32, i32
  }
  func.func @transform_5(%arg0: i32) -> (i32, i32) {
    %c0_i32 = arith.constant 0 : i32
    %c0_i32_0 = arith.constant 0 : i32
    %c0_i32_1 = arith.constant 0 : i32
    return %c0_i32, %c0_i32_0 : i32, i32
  }
  func.func @transform_6(%arg0: i32) -> (i32, i32) {
    %c0_i32 = arith.constant 0 : i32
    %c0_i32_0 = arith.constant 0 : i32
    %c0_i32_1 = arith.constant 0 : i32
    return %c0_i32, %c0_i32_0 : i32, i32
  }
  func.func @transform_7(%arg0: i32) -> (i32, i32) {
    %c0_i32 = arith.constant 0 : i32
    %c0_i32_0 = arith.constant 0 : i32
    %c0_i32_1 = arith.constant 0 : i32
    return %c0_i32, %c0_i32_0 : i32, i32
  }
  func.func @transform_8(%arg0: i32) -> (i32, i32) {
    %c0_i32 = arith.constant 0 : i32
    %c0_i32_0 = arith.constant 0 : i32
    %c0_i32_1 = arith.constant 0 : i32
    return %c0_i32, %c0_i32_0 : i32, i32
  }
  func.func @transform_9(%arg0: i32) -> (i32, i32) {
    %c0_i32 = arith.constant 0 : i32
    %c0_i32_0 = arith.constant 0 : i32
    %c0_i32_1 = arith.constant 0 : i32
    return %c0_i32, %c0_i32_0 : i32, i32
  }
  func.func @transform_10(%arg0: i32) -> (i32, i32) {
    %c0_i32 = arith.constant 0 : i32
    %c0_i32_0 = arith.constant 0 : i32
    %c0_i32_1 = arith.constant 0 : i32
    return %c0_i32, %c0_i32_0 : i32, i32
  }
  func.func @transform_11(%arg0: i32) -> (i32, i32) {
    %c0_i32 = arith.constant 0 : i32
    %c0_i32_0 = arith.constant 0 : i32
    %c0_i32_1 = arith.constant 0 : i32
    return %c0_i32, %c0_i32_0 : i32, i32
  }
  func.func @transform_12(%arg0: i32) -> (i32, i32) {
    %c0_i32 = arith.constant 0 : i32
    %c0_i32_0 = arith.constant 0 : i32
    return %c0_i32, %arg0 : i32, i32
  }
  func.func @transform_13(%arg0: i32) -> (i32, i32) {
    %c0_i32 = arith.constant 0 : i32
    %c0_i32_0 = arith.constant 0 : i32
    return %c0_i32, %arg0 : i32, i32
  }
}

module attributes {stable_mosaic.version = 14 : i64} {
  func.func @_scores_body(%arg0: i32, %arg1: memref<64x256xf32, #tpu.memory_space<vmem>>, %arg2: memref<64x64xf32, #tpu.memory_space<vmem>>, %arg3: memref<64x64xf32, #tpu.memory_space<vmem>>, %arg4: memref<200x64x256xf32, #tpu.memory_space<vmem>>, %arg5: memref<200x256xf32, #tpu.memory_space<vmem>>) attributes {dimension_semantics = [#tpu.dimension_semantics<arbitrary>], iteration_bounds = array<i64: 16>, scalar_prefetch = 0 : i64, scratch_operands = 0 : i64, tpu.core_type = #tpu.core_type<tc>, window_params = [{transform_indices = @transform_0, window_bounds = array<i64: 64, 256>}, {pipeline_mode = #tpu.pipeline_mode<synchronous>, transform_indices = @transform_1, window_bounds = array<i64: 64, 64>}, {pipeline_mode = #tpu.pipeline_mode<synchronous>, transform_indices = @transform_2, window_bounds = array<i64: 64, 64>}, {transform_indices = @transform_3, window_bounds = array<i64: 200, 64, 256>}, {transform_indices = @transform_4, window_bounds = array<i64: 200, 256>}]} {
    %get3A = arith.constant 0 : index
    %get3A_0 = arith.constant 0 : index
    %get3A_1 = vector.load %arg2[%get3A, %get3A_0] : memref<64x64xf32, #tpu.memory_space<vmem>>, vector<64x64xf32>
    %get3A_2 = arith.constant 0 : index
    %get3A_3 = arith.constant 0 : index
    %get3A_4 = vector.load %arg1[%get3A_2, %get3A_3] : memref<64x256xf32, #tpu.memory_space<vmem>>, vector<64x256xf32>
    %dot_general3A = arith.constant dense<0.000000e+00> : vector<64x256xf32>
    %dot_general3A_5 = tpu.matmul %get3A_1, %get3A_4, %dot_general3A {dimension_numbers = #tpu.dot_dimension_numbers<[1], [0], [0], [1], [0, 0, 1, 1], [], []>, transpose_lhs_hint = false} : vector<64x64xf32>, vector<64x256xf32>, vector<64x256xf32> -> vector<64x256xf32>
    %get3A_6 = arith.constant 0 : index
    %get3A_7 = arith.constant 0 : index
    %get3A_8 = arith.constant 0 : index
    %get3A_9 = vector.load %arg4[%get3A_6, %get3A_7, %get3A_8] : memref<200x64x256xf32, #tpu.memory_space<vmem>>, vector<200x64x256xf32>
    %get3A_10 = arith.constant 0 : index
    %get3A_11 = arith.constant 0 : index
    %get3A_12 = vector.load %arg3[%get3A_10, %get3A_11] : memref<64x64xf32, #tpu.memory_space<vmem>>, vector<64x64xf32>
    %broadcast_in_dim3A = vector.shape_cast %get3A_12 : vector<64x64xf32> to vector<1x64x64xf32>
    %broadcast_in_dim3A_13 = vector.shape_cast %broadcast_in_dim3A : vector<1x64x64xf32> to vector<1x64x64xf32>
    %broadcast_in_dim3A_14 = vector.broadcast %broadcast_in_dim3A_13 : vector<1x64x64xf32> to vector<200x64x64xf32>
    %dot_general3A_15 = arith.constant dense<0.000000e+00> : vector<200x64x256xf32>
    %dot_general3A_16 = tpu.matmul %broadcast_in_dim3A_14, %get3A_9, %dot_general3A_15 {dimension_numbers = #tpu.dot_dimension_numbers<[2], [1], [1], [2], [0, 0, 0, 1, 1, 2], [0], [0]>, transpose_lhs_hint = false} : vector<200x64x64xf32>, vector<200x64x256xf32>, vector<200x64x256xf32> -> vector<200x64x256xf32>
    %broadcast_in_dim3A_17 = vector.shape_cast %dot_general3A_5 : vector<64x256xf32> to vector<1x64x256xf32>
    %mul3A = vector.broadcast %broadcast_in_dim3A_17 : vector<1x64x256xf32> to vector<200x64x256xf32>
    %mul3A_18 = arith.mulf %dot_general3A_16, %mul3A : vector<200x64x256xf32>
    %reduce_sum3A = arith.constant dense<0.000000e+00> : vector<200x256xf32>
    %reduce_sum3A_19 = vector.multi_reduction <add>, %mul3A_18, %reduce_sum3A [1] : vector<200x64x256xf32> to vector<200x256xf32>
    %mul3A_20 = arith.constant 1.250000e-01 : f32
    %mul3A_21 = vector.broadcast %mul3A_20 : f32 to vector<200x256xf32>
    %mul3A_22 = arith.mulf %reduce_sum3A_19, %mul3A_21 : vector<200x256xf32>
    %swap3A = arith.constant 0 : index
    %swap3A_23 = arith.constant 0 : index
    %swap3A_24 = vector.load %arg5[%swap3A, %swap3A_23] : memref<200x256xf32, #tpu.memory_space<vmem>>, vector<200x256xf32>
    tpu.vector_store %arg5[%swap3A, %swap3A_23], %mul3A_22 {strides = array<i32>} : memref<200x256xf32, #tpu.memory_space<vmem>>, vector<200x256xf32>,
    return
  }
  func.func @transform_0(%arg0: i32) -> (i32, i32) {
    %c0_i32 = arith.constant 0 : i32
    %c0_i32_0 = arith.constant 0 : i32
    return %c0_i32, %arg0 : i32, i32
  }
  func.func @transform_1(%arg0: i32) -> (i32, i32) {
    %c0_i32 = arith.constant 0 : i32
    %c0_i32_0 = arith.constant 0 : i32
    %c0_i32_1 = arith.constant 0 : i32
    return %c0_i32, %c0_i32_0 : i32, i32
  }
  func.func @transform_2(%arg0: i32) -> (i32, i32) {
    %c0_i32 = arith.constant 0 : i32
    %c0_i32_0 = arith.constant 0 : i32
    %c0_i32_1 = arith.constant 0 : i32
    return %c0_i32, %c0_i32_0 : i32, i32
  }
  func.func @transform_3(%arg0: i32) -> (i32, i32, i32) {
    %c0_i32 = arith.constant 0 : i32
    %c0_i32_0 = arith.constant 0 : i32
    %c0_i32_1 = arith.constant 0 : i32
    return %c0_i32, %c0_i32_0, %arg0 : i32, i32, i32
  }
  func.func @transform_4(%arg0: i32) -> (i32, i32) {
    %c0_i32 = arith.constant 0 : i32
    %c0_i32_0 = arith.constant 0 : i32
    return %c0_i32, %arg0 : i32, i32
  }
}

</mosaic_0001>

<sc_bundles>
// kernel: kernel.5.cloned.1.call-start
scs
__scs_entry_jumppad:
0x0: {  	(pc) =	sbr.rel $0x88, $3  }
0x1: {  	(tag) =	ssettag $0x0;
	lr =	simm.s32 $0x1  }
0x2: {  	[smem:$0x3F96] =	sst lr;
	_ =	strace $0xD0000000  }
0x3: {  	_ = 	snop  }
0x4: {  	_ = 	snop  }
0x5: {  	_ = 	snop  }
0x6: {  	_ = 	snop  }
0x7: {  	_ = 	snop  }
__scs_overlays_trampoline_lowered:
0x8: {  	[smem:$0x3FA5] =	sst s0  }
0x9: {  	[smem:$0x3FA6] =	sst s1  }
0xa: {  	[smem:$0x3FA7] =	sst s2  }
0xb: {  	[smem:$0x3FA8] =	sst s3  }
0xc: {  	[smem:$0x3FA9] =	sst s4  }
0xd: {  	[smem:$0x3FAA] =	sst s5  }
0xe: {  	[smem:$0x3FAB] =	sst s6  }
0xf: {  	[smem:$0x3FAC] =	sst s7  }
0x10: {  	[smem:$0x3FAD] =	sst s8  }
0x11: {  	[smem:$0x3FAE] =	sst s9;
	s0 =	simm.s32 @!p0 $0x0  }
0x12: {  	s1 =	sld [smem:$0x3F94];
	s0 =	simm.s32 @p0 $0x1  }
0x13: {  	[smem:$0x3FAF] =	sst s0;
	s0 =	simm.s32 @!p1 $0x0  }
0x14: {  	s2 =	sld [smem:$0x3F93];
	s0 =	simm.s32 @p1 $0x1  }
0x15: {  	[smem:$0x3FB0] =	sst s0;
	s0 =	simm.s32 @!p2 $0x0  }
0x16: {  	s3 =	sld [smem:$0x3FDB];
	s0 =	simm.s32 @p2 $0x1  }
0x17: {  	s4 =	simm.s32 $0x1BF5;
	[smem:$0x3FB2] =	sst s0  }
0x18: {  	s0 =	sld [smem:$0x3F95];
	_ =	swait.ge [sflag:s4], $0x0  }
0x19: {  	s7 =	sld [smem:$0x3F96]  }
0x1a: {  	s8 =	sadd.s32 $0xFFFFE003, lr  }
0x1b: {  	s9 =	sadd.s32 $0xFFFFFEF7, lr;
	s5 =	simm.s32 $0xFFFFFFFF;
	p2 =	slt.u32 s8, $0xFFFFF086  }
0x1c: {  	p1 =	slt.u32 s9, $0xF7A;
	s5 =	simm.s32 @!p2 $0x0  }
0x1d: {  	s5 =	simm.s32 @p1 $0x1;
	p0 =	seq.s32 s7, s2  }
0x1e: {  	s7 =	smul.u32 @!p0 $0xF7A, s2;
	p2 =	seq.s32 @!p0 s5, $0x0  }
0x1f: {  	s9 =	smul.u32 $0xF7A, s1;
	s8 =	simm.s32 @!p0 $0x1BF5;
	p2 =	por !p2, p0  }
0x20: {  	[sflag:s8] =	ssyncset.s32 @!p0 $0xFFFFF086;
	s6 =	sadd.s32 @!p0 s3, s7;
	s7 =	simm.s32 @!p0 $0x108  }
0x21: {  	s3 =	sadd.s32 s3, s9;
	s6 =	sadd.s32 @!p0 $0x88, s6;
	s7 =	simm.s32 @p2 $0x1082  }
0x22: {  	[simem:s7], [sflag:s8] =	dma.local @!p0 [hbm:s6], $0xF7A  }
0x23: {  	s9 =	sor.u32 $0xD0000000, s2;
	s6 =	simm.s32 $0x108;
	_ =	swait.ge @!p0 [sflag:s8], $0x0  }
0x24: {  	s3 =	sadd.s32 $0x88, s3;
	s6 =	simm.s32 @!p1 $0x1082;
	[sflag:s4] =	ssyncset.s32 $0xFFFFF086  }
0x25: {  	[simem:s6], [sflag:s4] =	dma.local [hbm:s3], $0xF7A  }
0x26: {  	[smem:$0x3F96] =	sst s1;
	(tag) =	ssettag s2;
	_ =	strace s9  }
0x27: {  	s1 =	sld [smem:$0x3FA6]  }
0x28: {  	s2 =	sld [smem:$0x3FA7]  }
0x29: {  	s4 =	sld [smem:$0x3FA9]  }
0x2a: {  	p0 =	seq.s32 s5, $0x0;
	s5 =	sld [smem:$0x3FAA]  }
0x2b: {  	s6 =	sld [smem:$0x3FAB]  }
0x2c: {  	s7 =	sld [smem:$0x3FAC]  }
0x2d: {  	s3 =	simm.s32 $0x108;
	s8 =	sld [smem:$0x3FAD]  }
0x2e: {  	s3 =	simm.s32 @!p0 $0x1082;
	s9 =	sld [smem:$0x3FAE]  }
0x2f: {  	lr =	sadd.s32 s0, s3;
	s0 =	sld [smem:$0x3FA5]  }
0x30: {  	s3 =	sld [smem:$0x3FA8]  }
0x31: {  	[smem:$0x3FB1] =	sst s10  }
0x32: {  	s10 =	sld [smem:$0x3FAF];
	_ =	sdelay $0x3  }
0x33: {  	p0 =	seq.s32 s10, $0x1;
	s10 =	sld [smem:$0x3FB1];
	_ =	sdelay $0x3  }
0x34: {  	[smem:$0x3FB1] =	sst s10  }
0x35: {  	s10 =	sld [smem:$0x3FB0];
	_ =	sdelay $0x3  }
0x36: {  	p1 =	seq.s32 s10, $0x1;
	s10 =	sld [smem:$0x3FB1];
	_ =	sdelay $0x3  }
0x37: {  	[smem:$0x3FB1] =	sst s10  }
0x38: {  	s10 =	sld [smem:$0x3FB2]  }
0x39: {  	_ = 	snop;
	(pc) =	sbr.ind lr, $3  }
0x3a: {  	_ = 	snop  }
0x3b: {  	_ = 	snop  }
0x3c: {  	p2 =	seq.s32 s10, $0x1;
	s10 =	sld [smem:$0x3FB1]  }
0x3d: {  	_ =	shalt  }
0x3e: {  	_ =	shalt  }
0x3f: {  	_ =	shalt  }
0x40: {  	_ =	shalt  }
0x41: {  	_ =	shalt  }
0x42: {  	_ =	shalt  }
0x43: {  	_ =	shalt  }
0x44: {  	_ =	shalt  }
0x45: {  	_ =	shalt  }
0x46: {  	_ =	shalt  }
0x47: {  	_ =	shalt  }
0x48: {  	_ =	shalt  }
0x49: {  	_ =	shalt  }
0x4a: {  	_ =	shalt  }
0x4b: {  	_ =	shalt  }
0x4c: {  	_ =	shalt  }
0x4d: {  	_ =	shalt  }
0x4e: {  	_ =	shalt  }
0x4f: {  	_ =	shalt  }
0x50: {  	_ =	shalt  }
0x51: {  	_ =	shalt  }
0x52: {  	_ =	shalt  }
0x53: {  	_ =	shalt  }
0x54: {  	_ =	shalt  }
0x55: {  	_ =	shalt  }
0x56: {  	_ =	shalt  }
0x57: {  	_ =	shalt  }
0x58: {  	_ =	shalt  }
0x59: {  	_ =	shalt  }
0x5a: {  	_ =	shalt  }
0x5b: {  	_ =	shalt  }
0x5c: {  	_ =	shalt  }
0x5d: {  	_ =	shalt  }
0x5e: {  	_ =	shalt  }
0x5f: {  	_ =	shalt  }
0x60: {  	_ =	shalt  }
0x61: {  	_ =	shalt  }
0x62: {  	_ =	shalt  }
0x63: {  	_ =	shalt  }
0x64: {  	_ =	shalt  }
0x65: {  	_ =	shalt  }
0x66: {  	_ =	shalt  }
0x67: {  	_ =	shalt  }
0x68: {  	_ =	shalt  }
0x69: {  	_ =	shalt  }
0x6a: {  	_ =	shalt  }
0x6b: {  	_ =	shalt  }
0x6c: {  	_ =	shalt  }
0x6d: {  	_ =	shalt  }
0x6e: {  	_ =	shalt  }
0x6f: {  	_ =	shalt  }
0x70: {  	_ =	shalt  }
0x71: {  	_ =	shalt  }
0x72: {  	_ =	shalt  }
0x73: {  	_ =	shalt  }
0x74: {  	_ =	shalt  }
0x75: {  	_ =	shalt  }
0x76: {  	_ =	shalt  }
0x77: {  	_ =	shalt  }
0x78: {  	_ =	shalt  }
0x79: {  	_ =	shalt  }
0x7a: {  	_ =	shalt  }
0x7b: {  	_ =	shalt  }
0x7c: {  	_ =	shalt  }
0x7d: {  	_ =	shalt  }
0x7e: {  	_ =	shalt  }
0x7f: {  	_ =	shalt  }
0x80: {  	_ =	shalt  }
0x81: {  	_ =	shalt  }
0x82: {  	_ =	shalt  }
0x83: {  	_ =	shalt  }
0x84: {  	_ =	shalt  }
0x85: {  	_ =	shalt  }
0x86: {  	_ =	shalt  }
0x87: {  	_ =	shalt  }
.Lfunc_end0:
.L_simem_size_0:
called_computation_lowered:
.L_overlay_start_0:
0x88: {  	s2 =	sld [smem:$0x3FD9]  }
0x89: {  	s3 =	sld [smem:$0x3FFE];
	_ =	sdelay $0x1  }
0x8a: {  	s1 =	srdreg.scid  }
0x8b: {  	s0 =	sand.u32 $0x1, s1  }
0x8c: {  	s15 =	sshll.u32 s0, $0xA;
	s2 =	sadd.s32 s3, s2  }
0x8d: {  	s2 =	sadd.s32 s2, s15  }
0x8e: {  	[smem:$0x3FBD] =	sst s2  }
0x8f: {  	_ = 	snop  }
0x90: {  	s2 =	sld [smem:$0x3FD0];
	_ =	sdelay $0x2  }
0x91: {  	s16 =	simm.s32 $0xA;
	s4 =	simm.s32 $0x10  }
0x92: {  	[smem:s4], [sflag:s16] =	dma.local [hbm:s2], $0x1  }
0x93: {  	_ =	swait.eq [sflag:s16], $0x1  }
0x94: {  	s17 =	sld [smem:$0x11];
	[sflag:s16] =	ssyncset.done $0x0  }
0x95: {  	s18 =	sld [smem:$0x12];
	[sflag:s16] =	ssyncadd.s32 $0xFFFFFFFF  }
0x96: {  	s19 =	sld [smem:$0x13];
	(tm) =	ssettm $0x1  }
0x97: {  	s5 =	sld [smem:$0x3FFB];
	_ =	sdelay $0x3  }
0x98: {  	_ =	strace s5  }
0x99: {  	s5 =	sld [smem:$0x3FFC];
	_ =	sdelay $0x3  }
0x9a: {  	_ =	strace s5  }
0x9b: {  	s5 =	sld [smem:$0x3FFD];
	_ =	sdelay $0x3  }
0x9c: {  	_ =	strace s5  }
0x9d: {  	_ =	strace $0x8FFFFFFF  }
0x9e: {  	s20 =	sld [smem:$0x3FDB];
	_ =	sdelay $0x1  }
0x9f: {  	s6 =	simm.s32 $_scs_section_size  }
0xa0: {  	s7 =	simm.s32 $_size__tile_overlayer_lowered;
	s8 =	simm.s32 $_tile_overlayer_lowered  }
0xa1: {  	s23 =	simm.s32 $0x1BFF;
	s22 =	sshll.u32 s8, $0x1;
	s5 =	sadd.s32 s6, s20  }
0xa2: {  	s9 =	simm.s32 $0x0;
	s21 =	sshll.u32 s7, $0x1;
	s7 =	sadd.s32 s22, s5  }
0xa3: {  	[timem:s9], [sflag:s23] =	dma.local [hbm:s7], s21  }
0xa4: {  	_ =	swait.ge [sflag:s23], s21  }
0xa5: {  	s6 =	ssub.s32 $0x0, s21;
	[sflag:s23] =	ssyncset.done $0x0  }
0xa6: {  	[sflag:s23] =	ssyncadd.s32 s6;
	_ =	sdelay $0x1  }
0xa7: {  	s24 =	simm.s32 $0x1B8B  }
0xa8: {  	_ =	swait.ge [sflag:s24], $0x1  }
0xa9: {  	[sflag:s24] =	ssyncset.done $0x0  }
0xaa: {  	s25 =	simm.s32 $0x1B8E;
	[sflag:s24] =	ssyncadd.s32 $0xFFFFFFFF  }
0xab: {  	s26 =	simm.s32 $execute0_lowered;
	[smem:$0x3FD2] =	sst s25  }
0xac: {  	s6 =	sshll.u32 s26, $0x1;
	_ =	strace $0x80000046;
	[dreg:$0x1] =	wrdreg $0xFFFFFFFF  }
0xad: {  	s28 =	simm.s32 $_size_execute0_lowered;
	s5 =	sadd.s32 s5, s6;
	[dreg:$0x0] =	wrdreg $0x0  }
0xae: {  	s6 =	sshll.u32 s28, $0x1;
	[dreg:$0x2] =	wrdreg s5  }
0xaf: {  	[dreg:$0x3] =	wrdreg s6  }
0xb0: {  	[dreg:$0x4] =	wrdreg $0xC0  }
0xb1: {  	_ =	task [dreg:s9], $0x5FFFF  }
0xb2: {  	[dreg:$0x1] =	wrdreg $0xFFFFFFFF  }
0xb3: {  	[dreg:$0x0] =	wrdreg $0x60  }
0xb4: {  	[dreg:$0x2] =	wrdreg s18  }
0xb5: {  	[dreg:$0x3] =	wrdreg s17  }
0xb6: {  	[dreg:$0x4] =	wrdreg s19  }
0xb7: {  	[dreg:$0x5] =	wrdreg $0x9  }
0xb8: {  	_ =	task.clear_ibuf [dreg:s9], $0x6FFFF;
	_ =	strace $0x90000046  }
0xb9: {  	s29 =	simm.s32 $0x9;
	_ =	strace $0x80000048  }
0xba: {  	_ =	swait.ge [sflag:s29], $0x1  }
0xbb: {  	[sflag:s29] =	ssyncadd.s32 $0xFFFFFFFF  }
0xbc: {  	_ =	strace $0x90000048  }
0xbd: {  	_ =	sfence  }
0xbe: {  	s30 =	sld [smem:$0x0];
	_ =	sdelay $0x2  }
0xbf: {  	s31 =	sshll.u32 s1, $0xD;
	s1 =	sshrl.u32 s1, $0x2  }
0xc0: {  	s3 =	sand.u32 $0x4000, s31;
	s1 =	sadd.s32 s1, s30  }
0xc1: {  	s0 =	sor.u32 s3, s0;
	s1 =	sshll.u32 s1, $0x11  }
0xc2: {  	s0 =	sor.u32 s1, s0  }
0xc3: {  	s0 =	sadd.s32 $0x8F2B, s0  }
0xc4: {  	[sflag:s0] =	ssyncadd.remote.s32 $0x1  }
0xc5: {  	_ =	sfence.sel $0xFFFF  }
0xc6: {  	[dreg:$0x0] =	wrdreg $0xFFFFFFFF;
	(pc) =	sbr.abs _section_cstart, $3  }
0xc7: {  	[dreg:$0x1] =	wrdreg $0xFFFFFFFF  }
0xc8: {  	_ =	task.clear_ibuf [dreg:s9], $0x2FFFF;
	_ =	strace $0x9FFFFFFF  }
0xc9: {  	(tm) =	ssettm $0x7FFFFFFF  }
tec
execute0_lowered:
.L_overlay_start_1:
0x0: {  	(tag) =	ssettag $0x1  }
0x1: {  	s3 =	rddreg [dreg:$0x0]  }
0x2: {  	s4 =	rddreg [dreg:$0x1]  }
0x3: {  	s5 =	rddreg [dreg:$0x2]  }
0x4: {  	s0 =	rddreg [dreg:$0x3]  }
0x5: {  	s6 =	srdreg.scid;
	s1 =	stileid.u32  }
0x6: {  	s2 =	simm.s32 $0x0;
	s10 =	simm.s32 $0x6400;
	s11 =	simm.s32 $0x6600  }
0x7: {  	s12 =	simm.s32 $0x0;
	s6 =	sand.u32 $0x1, s6;
	s7 =	sshll.u32 s1, $0x1  }
0x8: {  	[smem:$0x7FF] =	sst s2;
	s8 =	ssub.s32 $0x2, s6;
	s6 =	sor.u32 s6, s7  }
0x9: {  	_ =	strace $0x80000047;
	s31 =	sshrl.u32 s8, $0x1;
	s9 =	sshll.u32 s6, $0x7  }
0xa: {  	s6 =	sshll.u32 s6, $0x6;
	s7 =	ssub.s32 s8, s31;
	s3 =	sadd.s32 s3, s9  }
0xb: {  	s4 =	sadd.s32 s4, s6;
	s5 =	sadd.s32 s5, s6;
	s8 =	simm.s32 $0x8000  }
0xc: {  	s9 =	simm.s32 $0x1;
	s6 =	smax.u32 s7, $0x1;
	s7 =	simm.s32 $0x400  }
.LBB2_1:
0xd: {  	[tilespmem:s2], [sflag:$0x1] =	stream.strided.gather [hbm4b:s3+s7], $0x6400, s8, s7, $0x38;
	[tilespmem:$0x6800] =	vst v63  }
0xe: {  	_ =	swait.ge [sflag:s9], $0x6400  }
0xf: {  	[sflag:s9] =	ssyncset.done $0x0  }
0x10: {  	s13 =	simm.s32 $0x100;
	[sflag:s9] =	ssyncadd.s32 $0xFFFF9C00  }
0x11: {  	v0 =	vld [tilespmem:s13+$0xFFFFFF00];
	_ =	sdelay $0x2  }
0x12: {  	v1 =	vld [tilespmem:s13+$0xFFFFFF80]  }
0x13: {  	v2 =	vimm.f32 $-Inf  }
0x14: {  	v5 =	vld [tilespmem:s13+$0x0];
	vm0 =	vgt.f32 v0, v2  }
0x15: {  	v3 =	vsel vm0, v0, v2;
	v0 =	vimm.s32 $0x0  }
0x16: {  	v6 =	vsel vm0, v2, v3;
	v8 =	vsel vm0, s2, v0  }
0x17: {  	s14 =	simm.s32 $0x1;
	vm6 =	vgt.f32 v1, v3;
	vm1 =	vgt.f32 v1, v6;
	v2 =	vsel vm0, v0, v8  }
0x18: {  	v0 =	vld [tilespmem:s13+$0x80];
	v10 =	vsel vm6, v1, v3;
	v7 =	vsel vm1, v1, v6;
	v9 =	vsel vm1, s14, v2  }
0x19: {  	vm2 =	vgt.f32 v5, v10;
	v1 =	vsel vm6, s14, v8;
	v4 =	vsel vm6, v3, v7  }
0x1a: {  	v2 =	vsel vm1, v2, v9;
	v6 =	vsel vm1, v6, v7;
	vm0 =	vgt.f32 v5, v4  }
0x1b: {  	v7 =	vsel vm2, v5, v10;
	vm3 =	vgt.f32 v5, v6;
	v3 =	vsel vm0, v5, v4  }
0x1c: {  	v9 =	vsel vm6, v8, v9;
	v3 =	vsel vm2, v10, v3;
	v10 =	vsel vm3, v5, v6  }
0x1d: {  	v5 =	vsel vm3, v5, v6;
	vm4 =	vgt.f32 v0, v7;
	vm1 =	vgt.f32 v0, v3  }
0x1e: {  	s17 =	simm.s32 $0x2;
	v12 =	vsel vm3, v6, v5;
	v6 =	vsel vm4, v0, v7;
	v11 =	vsel vm1, v0, v3  }
0x1f: {  	vm5 =	vgt.f32 v0, v12;
	v5 =	vsel vm4, v7, v11;
	v11 =	vsel vm3, s17, v2  }
0x20: {  	s16 =	simm.s32 $0x3;
	s13 =	simm.s32 $0x4;
	s14 =	simm.s32 $0x300;
	v7 =	vsel vm2, s17, v1;
	v8 =	vsel vm3, v2, v11;
	v11 =	vsel vm5, v0, v12  }
.LBB2_2:
0x21: {  	v12 =	vld [tilespmem:s14+$0xFFFFFF00];
	p0 =	slt.u32 s13, $0xC4;
	v13 =	vsel vm0, s17, v9;
	v2 =	vsel vm3, s17, v2;
	v14 =	vsel vm4, s16, v7;
	s15 =	smov.u32 s13;
	s13 =	sadd.s32 $0x4, s13  }
0x22: {  	v4 =	vsel vm0, v4, v10;
	v8 =	vsel vm5, s16, v8;
	v1 =	vsel vm2, v1, v13  }
0x23: {  	v2 =	vsel vm0, v9, v2;
	vm0 =	vgt.f32 v0, v4;
	v9 =	vsel vm1, s16, v1  }
0x24: {  	v10 =	vld [tilespmem:s14+$0xFFFFFF80];
	v7 =	vsel vm4, v7, v9;
	v9 =	vsel vm0, s16, v2;
	v2 =	vsel vm0, v2, v8  }
0x25: {  	v0 =	vsel vm0, v0, v4;
	v4 =	vsel vm0, v4, v11;
	v1 =	vsel vm1, v1, v9  }
0x26: {  	v0 =	vsel vm1, v3, v0;
	vm0 =	vgt.f32 v12, v5;
	vm2 =	vgt.f32 v12, v4  }
0x27: {  	vm1 =	vgt.f32 v12, v6;
	vm3 =	vgt.f32 v12, v0;
	v3 =	vsel vm0, v12, v5  }
0x28: {  	v4 =	vsel vm2, v12, v4;
	v2 =	vsel vm2, s15, v2;
	v3 =	vsel vm1, v6, v3  }
0x29: {  	v8 =	vsel vm0, s15, v7;
	v6 =	vsel vm1, v12, v6;
	v4 =	vsel vm3, v0, v4  }
0x2a: {  	s16 =	sadd.s32 $0x1, s15;
	v0 =	vsel vm3, v12, v0;
	v2 =	vsel vm3, v1, v2;
	vm2 =	vgt.f32 v10, v4  }
0x2b: {  	v1 =	vsel vm3, s15, v1;
	v4 =	vsel vm2, v10, v4;
	v2 =	vsel vm2, s16, v2  }
0x2c: {  	v5 =	vsel vm0, v5, v0;
	v0 =	vsel vm0, v7, v1;
	vm4 =	vgt.f32 v10, v3;
	v7 =	vld [tilespmem:s14+$0x0]  }
0x2d: {  	v9 =	vsel vm1, s15, v14;
	vm0 =	vgt.f32 v10, v5;
	v1 =	vsel vm4, v10, v3  }
0x2e: {  	v8 =	vsel vm1, v14, v8;
	vm6 =	vgt.f32 v10, v6;
	v11 =	vsel vm0, v0, v2  }
0x2f: {  	v2 =	vsel vm6, v10, v6;
	v12 =	vsel vm0, v5, v4;
	v13 =	vsel vm0, s16, v0;
	v0 =	vld [tilespmem:s14+$0x80]  }
0x30: {  	v14 =	vsel vm4, s16, v8;
	v4 =	vsel vm6, v6, v1;
	v1 =	vsel vm0, v10, v5  }
0x31: {  	v5 =	vsel vm4, v3, v1;
	v1 =	vsel vm6, s16, v9;
	vm0 =	vgt.f32 v7, v4  }
0x32: {  	vm2 =	vgt.f32 v7, v2;
	vm3 =	vgt.f32 v7, v5;
	v3 =	vsel vm0, v7, v4  }
0x33: {  	v15 =	vsel vm2, v7, v2;
	v10 =	vsel vm3, v7, v5;
	v3 =	vsel vm2, v2, v3  }
.Ltmp0:
0x34: {  	vm5 =	vgt.f32 v7, v12;
	v2 =	vsel vm4, v8, v13;
	vm1 =	vgt.f32 v0, v3;
	(pc) =	sbr.rel @p0 .LBB2_2-.Ltmp0, $4  }
0x35: {  	v6 =	vsel vm5, v7, v12;
	vm4 =	vgt.f32 v0, v15;
	v7 =	vsel vm1, v0, v3  }
0x36: {  	s17 =	sadd.s32 $0x2, s15;
	v12 =	vsel vm3, v5, v6;
	v6 =	vsel vm4, v0, v15;
	v5 =	vsel vm4, v15, v7  }
0x37: {  	v8 =	vsel vm5, s17, v11;
	vm5 =	vgt.f32 v0, v12;
	v7 =	vsel vm2, s17, v1  }
0x38: {  	v9 =	vsel vm6, v9, v14;
	s16 =	sadd.s32 $0x3, s15;
	s14 =	sadd.s32 $0x200, s14;
	v8 =	vsel vm3, v2, v8;
	v11 =	vsel vm5, v0, v12  }
0x39: {  	v4 =	vsel vm0, v4, v10  }
0x3a: {  	vm6 =	vgt.f32 v0, v4  }
0x3b: {  	v5 =	vsub.f32 v5, v6;
	v0 =	vsel vm6, v0, v4  }
0x3c: {  	v0 =	vsel vm1, v3, v0  }
0x3d: {  	v3 =	vmul.f32 $1.442695020e+00, v5;
	v0 =	vsub.f32 v0, v6  }
0x3e: {  	v4 =	vsel vm6, v4, v11  }
0x3f: {  	(erf) = vpow2.f32 v3;
	v3 =	vsub.f32 v4, v6;
	v0 =	vmul.f32 $1.442695020e+00, v0;
	_ =	sdelay $0x1  }
0x40: {  	(erf) = vpow2.f32 v0;
	v0 =	vmul.f32 $1.442695020e+00, v3;
	_ =	sdelay $0x1  }
0x41: {  	(erf) = vpow2.f32 v0;
	_ =	sdelay $0x4  }
0x42: {  	v0 =	vpop (erf)  }
0x43: {  	v3 =	vadd.f32 $1.000000000e+00, v0  }
0x44: {  	v4 =	vpop (erf)  }
0x45: {  	v3 =	vadd.f32 v4, v3  }
0x46: {  	v5 =	vpop (erf)  }
0x47: {  	v3 =	vadd.f32 v5, v3;
	_ =	sdelay $0x1  }
0x48: {  	(erf) = vrcp.f32 v3;
	_ =	sdelay $0x5  }
0x49: {  	v3 =	vsel vm0, s17, v9  }
0x4a: {  	v1 =	vsel vm2, v1, v3  }
0x4b: {  	v10 =	vsel vm4, s16, v7;
	v3 =	vsel vm1, s16, v1  }
0x4c: {  	[tilespmem:$0x6600] =	vst v10;
	v3 =	vsel vm4, v7, v3;
	v6 =	vpop (erf)  }
0x4d: {  	v2 =	vsel vm3, s17, v2;
	[tilespmem:$0x6680] =	vst v3;
	v0 =	vmul.f32 v6, v0  }
0x4e: {  	v2 =	vsel vm0, v9, v2;
	[tilespmem:$0x6400] =	vst v6;
	v4 =	vmul.f32 v6, v4  }
0x4f: {  	[tilespmem:$0x6480] =	vst v0;
	v0 =	vsel vm6, s16, v2  }
0x50: {  	[tilespmem:$0x6500] =	vst v4;
	v0 =	vsel vm1, v1, v0;
	v1 =	vmul.f32 v6, v5  }
0x51: {  	v3 =	vsel vm5, s16, v8;
	[tilespmem:$0x6700] =	vst v0  }
0x52: {  	v0 =	vsel vm6, v2, v3;
	[tilespmem:$0x6580] =	vst v1  }
0x53: {  	s13 =	simm.s32 $0x110;
	[tilespmem:$0x6780] =	vst v0  }
0x54: {  	v0 =	vld [tilespmem:s13+$0xFFFFFF00];
	_ =	sdelay $0x2  }
0x55: {  	v1 =	vld [tilespmem:s13+$0xFFFFFF80]  }
0x56: {  	v2 =	vimm.f32 $-Inf  }
0x57: {  	v5 =	vld [tilespmem:s13+$0x0];
	vm0 =	vgt.f32 v0, v2  }
0x58: {  	s14 =	simm.s32 $0x0;
	v3 =	vsel vm0, v0, v2;
	v0 =	vimm.s32 $0x0  }
0x59: {  	v6 =	vsel vm0, v2, v3;
	v8 =	vsel vm0, s14, v0  }
0x5a: {  	s31 =	simm.s32 $0x1;
	vm6 =	vgt.f32 v1, v3;
	vm1 =	vgt.f32 v1, v6;
	v2 =	vsel vm0, v0, v8  }
0x5b: {  	v0 =	vld [tilespmem:s13+$0x80];
	v10 =	vsel vm6, v1, v3;
	v7 =	vsel vm1, v1, v6;
	v9 =	vsel vm1, s31, v2  }
0x5c: {  	vm2 =	vgt.f32 v5, v10;
	v1 =	vsel vm6, s31, v8;
	v4 =	vsel vm6, v3, v7  }
0x5d: {  	v2 =	vsel vm1, v2, v9;
	v6 =	vsel vm1, v6, v7;
	vm0 =	vgt.f32 v5, v4  }
0x5e: {  	v7 =	vsel vm2, v5, v10;
	vm3 =	vgt.f32 v5, v6;
	v3 =	vsel vm0, v5, v4  }
0x5f: {  	v9 =	vsel vm6, v8, v9;
	v3 =	vsel vm2, v10, v3;
	v10 =	vsel vm3, v5, v6  }
0x60: {  	v5 =	vsel vm3, v5, v6;
	vm4 =	vgt.f32 v0, v7;
	vm1 =	vgt.f32 v0, v3  }
0x61: {  	s17 =	simm.s32 $0x2;
	v12 =	vsel vm3, v6, v5;
	v6 =	vsel vm4, v0, v7;
	v11 =	vsel vm1, v0, v3  }
0x62: {  	vm5 =	vgt.f32 v0, v12;
	v5 =	vsel vm4, v7, v11;
	v11 =	vsel vm3, s17, v2  }
0x63: {  	s16 =	simm.s32 $0x3;
	s14 =	simm.s32 $0x310;
	s13 =	simm.s32 $0x4;
	v7 =	vsel vm2, s17, v1;
	v8 =	vsel vm3, v2, v11;
	v11 =	vsel vm5, v0, v12  }
.LBB2_4:
0x64: {  	v12 =	vld [tilespmem:s14+$0xFFFFFF00];
	p0 =	slt.u32 s13, $0xC4;
	v13 =	vsel vm0, s17, v9;
	v2 =	vsel vm3, s17, v2;
	v14 =	vsel vm4, s16, v7;
	s15 =	smov.u32 s13;
	s13 =	sadd.s32 $0x4, s13  }
0x65: {  	v4 =	vsel vm0, v4, v10;
	v8 =	vsel vm5, s16, v8;
	v1 =	vsel vm2, v1, v13  }
0x66: {  	v2 =	vsel vm0, v9, v2;
	vm0 =	vgt.f32 v0, v4;
	v9 =	vsel vm1, s16, v1  }
0x67: {  	v10 =	vld [tilespmem:s14+$0xFFFFFF80];
	v7 =	vsel vm4, v7, v9;
	v9 =	vsel vm0, s16, v2;
	v2 =	vsel vm0, v2, v8  }
0x68: {  	v0 =	vsel vm0, v0, v4;
	v4 =	vsel vm0, v4, v11;
	v1 =	vsel vm1, v1, v9  }
0x69: {  	v0 =	vsel vm1, v3, v0;
	vm0 =	vgt.f32 v12, v5;
	vm2 =	vgt.f32 v12, v4  }
0x6a: {  	vm1 =	vgt.f32 v12, v6;
	vm3 =	vgt.f32 v12, v0;
	v3 =	vsel vm0, v12, v5  }
0x6b: {  	v4 =	vsel vm2, v12, v4;
	v2 =	vsel vm2, s15, v2;
	v3 =	vsel vm1, v6, v3  }
0x6c: {  	v8 =	vsel vm0, s15, v7;
	v6 =	vsel vm1, v12, v6;
	v4 =	vsel vm3, v0, v4  }
0x6d: {  	s16 =	sadd.s32 $0x1, s15;
	v0 =	vsel vm3, v12, v0;
	v2 =	vsel vm3, v1, v2;
	vm2 =	vgt.f32 v10, v4  }
0x6e: {  	v1 =	vsel vm3, s15, v1;
	v4 =	vsel vm2, v10, v4;
	v2 =	vsel vm2, s16, v2  }
0x6f: {  	v5 =	vsel vm0, v5, v0;
	v0 =	vsel vm0, v7, v1;
	vm4 =	vgt.f32 v10, v3;
	v7 =	vld [tilespmem:s14+$0x0]  }
0x70: {  	v9 =	vsel vm1, s15, v14;
	vm0 =	vgt.f32 v10, v5;
	v1 =	vsel vm4, v10, v3  }
0x71: {  	v8 =	vsel vm1, v14, v8;
	vm6 =	vgt.f32 v10, v6;
	v11 =	vsel vm0, v0, v2  }
0x72: {  	v2 =	vsel vm6, v10, v6;
	v12 =	vsel vm0, v5, v4;
	v13 =	vsel vm0, s16, v0;
	v0 =	vld [tilespmem:s14+$0x80]  }
0x73: {  	v14 =	vsel vm4, s16, v8;
	v4 =	vsel vm6, v6, v1;
	v1 =	vsel vm0, v10, v5  }
0x74: {  	v5 =	vsel vm4, v3, v1;
	v1 =	vsel vm6, s16, v9;
	vm0 =	vgt.f32 v7, v4  }
0x75: {  	vm2 =	vgt.f32 v7, v2;
	vm3 =	vgt.f32 v7, v5;
	v3 =	vsel vm0, v7, v4  }
0x76: {  	v15 =	vsel vm2, v7, v2;
	v10 =	vsel vm3, v7, v5;
	v3 =	vsel vm2, v2, v3  }
.Ltmp1:
0x77: {  	vm5 =	vgt.f32 v7, v12;
	v2 =	vsel vm4, v8, v13;
	vm1 =	vgt.f32 v0, v3;
	(pc) =	sbr.rel @p0 .LBB2_4-.Ltmp1, $4  }
0x78: {  	v6 =	vsel vm5, v7, v12;
	vm4 =	vgt.f32 v0, v15;
	v7 =	vsel vm1, v0, v3  }
0x79: {  	s17 =	sadd.s32 $0x2, s15;
	v12 =	vsel vm3, v5, v6;
	v6 =	vsel vm4, v0, v15;
	v5 =	vsel vm4, v15, v7  }
0x7a: {  	v8 =	vsel vm5, s17, v11;
	vm5 =	vgt.f32 v0, v12;
	v7 =	vsel vm2, s17, v1  }
0x7b: {  	v9 =	vsel vm6, v9, v14;
	s16 =	sadd.s32 $0x3, s15;
	s14 =	sadd.s32 $0x200, s14;
	v8 =	vsel vm3, v2, v8;
	v11 =	vsel vm5, v0, v12  }
0x7c: {  	v4 =	vsel vm0, v4, v10  }
0x7d: {  	vm6 =	vgt.f32 v0, v4  }
0x7e: {  	v5 =	vsub.f32 v5, v6;
	v0 =	vsel vm6, v0, v4  }
0x7f: {  	v0 =	vsel vm1, v3, v0  }
0x80: {  	v3 =	vmul.f32 $1.442695020e+00, v5;
	v0 =	vsub.f32 v0, v6  }
0x81: {  	v4 =	vsel vm6, v4, v11  }
0x82: {  	(erf) = vpow2.f32 v3;
	v3 =	vsub.f32 v4, v6;
	v0 =	vmul.f32 $1.442695020e+00, v0;
	_ =	sdelay $0x1  }
0x83: {  	(erf) = vpow2.f32 v0;
	v0 =	vmul.f32 $1.442695020e+00, v3;
	_ =	sdelay $0x1  }
0x84: {  	(erf) = vpow2.f32 v0;
	_ =	sdelay $0x4  }
0x85: {  	v0 =	vpop (erf)  }
0x86: {  	v3 =	vadd.f32 $1.000000000e+00, v0  }
0x87: {  	v4 =	vpop (erf)  }
0x88: {  	v3 =	vadd.f32 v4, v3  }
0x89: {  	v5 =	vpop (erf)  }
0x8a: {  	v3 =	vadd.f32 v5, v3;
	_ =	sdelay $0x1  }
0x8b: {  	(erf) = vrcp.f32 v3;
	_ =	sdelay $0x5  }
0x8c: {  	v3 =	vsel vm0, s17, v9  }
0x8d: {  	v1 =	vsel vm2, v1, v3  }
0x8e: {  	v10 =	vsel vm4, s16, v7;
	v3 =	vsel vm1, s16, v1  }
0x8f: {  	[tilespmem:$0x6610] =	vst v10;
	v3 =	vsel vm4, v7, v3;
	v6 =	vpop (erf)  }
0x90: {  	v2 =	vsel vm3, s17, v2;
	[tilespmem:$0x6690] =	vst v3;
	v0 =	vmul.f32 v6, v0  }
0x91: {  	v2 =	vsel vm0, v9, v2;
	[tilespmem:$0x6410] =	vst v6;
	v4 =	vmul.f32 v6, v4  }
0x92: {  	[tilespmem:$0x6490] =	vst v0;
	v0 =	vsel vm6, s16, v2  }
0x93: {  	[tilespmem:$0x6510] =	vst v4;
	v0 =	vsel vm1, v1, v0;
	v1 =	vmul.f32 v6, v5  }
0x94: {  	v3 =	vsel vm5, s16, v8;
	[tilespmem:$0x6710] =	vst v0  }
0x95: {  	v0 =	vsel vm6, v2, v3;
	[tilespmem:$0x6590] =	vst v1  }
0x96: {  	s13 =	simm.s32 $0x120;
	[tilespmem:$0x6790] =	vst v0  }
0x97: {  	v0 =	vld [tilespmem:s13+$0xFFFFFF00];
	_ =	sdelay $0x2  }
0x98: {  	v1 =	vld [tilespmem:s13+$0xFFFFFF80]  }
0x99: {  	v2 =	vimm.f32 $-Inf  }
0x9a: {  	v5 =	vld [tilespmem:s13+$0x0];
	vm0 =	vgt.f32 v0, v2  }
0x9b: {  	s14 =	simm.s32 $0x0;
	v3 =	vsel vm0, v0, v2;
	v0 =	vimm.s32 $0x0  }
0x9c: {  	v6 =	vsel vm0, v2, v3;
	v8 =	vsel vm0, s14, v0  }
0x9d: {  	s31 =	simm.s32 $0x1;
	vm6 =	vgt.f32 v1, v3;
	vm1 =	vgt.f32 v1, v6;
	v2 =	vsel vm0, v0, v8  }
0x9e: {  	v0 =	vld [tilespmem:s13+$0x80];
	v10 =	vsel vm6, v1, v3;
	v7 =	vsel vm1, v1, v6;
	v9 =	vsel vm1, s31, v2  }
0x9f: {  	vm2 =	vgt.f32 v5, v10;
	v1 =	vsel vm6, s31, v8;
	v4 =	vsel vm6, v3, v7  }
0xa0: {  	v2 =	vsel vm1, v2, v9;
	v6 =	vsel vm1, v6, v7;
	vm0 =	vgt.f32 v5, v4  }
0xa1: {  	v7 =	vsel vm2, v5, v10;
	vm3 =	vgt.f32 v5, v6;
	v3 =	vsel vm0, v5, v4  }
0xa2: {  	v9 =	vsel vm6, v8, v9;
	v3 =	vsel vm2, v10, v3;
	v10 =	vsel vm3, v5, v6  }
0xa3: {  	v5 =	vsel vm3, v5, v6;
	vm4 =	vgt.f32 v0, v7;
	vm1 =	vgt.f32 v0, v3  }
0xa4: {  	s17 =	simm.s32 $0x2;
	v12 =	vsel vm3, v6, v5;
	v6 =	vsel vm4, v0, v7;
	v11 =	vsel vm1, v0, v3  }
0xa5: {  	vm5 =	vgt.f32 v0, v12;
	v5 =	vsel vm4, v7, v11;
	v11 =	vsel vm3, s17, v2  }
0xa6: {  	s16 =	simm.s32 $0x3;
	s14 =	simm.s32 $0x320;
	s13 =	simm.s32 $0x4;
	v7 =	vsel vm2, s17, v1;
	v8 =	vsel vm3, v2, v11;
	v11 =	vsel vm5, v0, v12  }
.LBB2_6:
0xa7: {  	v12 =	vld [tilespmem:s14+$0xFFFFFF00];
	p0 =	slt.u32 s13, $0xC4;
	v13 =	vsel vm0, s17, v9;
	v2 =	vsel vm3, s17, v2;
	v14 =	vsel vm4, s16, v7;
	s15 =	smov.u32 s13;
	s13 =	sadd.s32 $0x4, s13  }
0xa8: {  	v4 =	vsel vm0, v4, v10;
	v8 =	vsel vm5, s16, v8;
	v1 =	vsel vm2, v1, v13  }
0xa9: {  	v2 =	vsel vm0, v9, v2;
	vm0 =	vgt.f32 v0, v4;
	v9 =	vsel vm1, s16, v1  }
0xaa: {  	v10 =	vld [tilespmem:s14+$0xFFFFFF80];
	v7 =	vsel vm4, v7, v9;
	v9 =	vsel vm0, s16, v2;
	v2 =	vsel vm0, v2, v8  }
0xab: {  	v0 =	vsel vm0, v0, v4;
	v4 =	vsel vm0, v4, v11;
	v1 =	vsel vm1, v1, v9  }
0xac: {  	v0 =	vsel vm1, v3, v0;
	vm0 =	vgt.f32 v12, v5;
	vm2 =	vgt.f32 v12, v4  }
0xad: {  	vm1 =	vgt.f32 v12, v6;
	vm3 =	vgt.f32 v12, v0;
	v3 =	vsel vm0, v12, v5  }
0xae: {  	v4 =	vsel vm2, v12, v4;
	v2 =	vsel vm2, s15, v2;
	v3 =	vsel vm1, v6, v3  }
0xaf: {  	v8 =	vsel vm0, s15, v7;
	v6 =	vsel vm1, v12, v6;
	v4 =	vsel vm3, v0, v4  }
0xb0: {  	s16 =	sadd.s32 $0x1, s15;
	v0 =	vsel vm3, v12, v0;
	v2 =	vsel vm3, v1, v2;
	vm2 =	vgt.f32 v10, v4  }
0xb1: {  	v1 =	vsel vm3, s15, v1;
	v4 =	vsel vm2, v10, v4;
	v2 =	vsel vm2, s16, v2  }
0xb2: {  	v5 =	vsel vm0, v5, v0;
	v0 =	vsel vm0, v7, v1;
	vm4 =	vgt.f32 v10, v3;
	v7 =	vld [tilespmem:s14+$0x0]  }
0xb3: {  	v9 =	vsel vm1, s15, v14;
	vm0 =	vgt.f32 v10, v5;
	v1 =	vsel vm4, v10, v3  }
0xb4: {  	v8 =	vsel vm1, v14, v8;
	vm6 =	vgt.f32 v10, v6;
	v11 =	vsel vm0, v0, v2  }
0xb5: {  	v2 =	vsel vm6, v10, v6;
	v12 =	vsel vm0, v5, v4;
	v13 =	vsel vm0, s16, v0;
	v0 =	vld [tilespmem:s14+$0x80]  }
0xb6: {  	v14 =	vsel vm4, s16, v8;
	v4 =	vsel vm6, v6, v1;
	v1 =	vsel vm0, v10, v5  }
0xb7: {  	v5 =	vsel vm4, v3, v1;
	v1 =	vsel vm6, s16, v9;
	vm0 =	vgt.f32 v7, v4  }
0xb8: {  	vm2 =	vgt.f32 v7, v2;
	vm3 =	vgt.f32 v7, v5;
	v3 =	vsel vm0, v7, v4  }
0xb9: {  	v15 =	vsel vm2, v7, v2;
	v10 =	vsel vm3, v7, v5;
	v3 =	vsel vm2, v2, v3  }
.Ltmp2:
0xba: {  	vm5 =	vgt.f32 v7, v12;
	v2 =	vsel vm4, v8, v13;
	vm1 =	vgt.f32 v0, v3;
	(pc) =	sbr.rel @p0 .LBB2_6-.Ltmp2, $4  }
0xbb: {  	v6 =	vsel vm5, v7, v12;
	vm4 =	vgt.f32 v0, v15;
	v7 =	vsel vm1, v0, v3  }
0xbc: {  	s17 =	sadd.s32 $0x2, s15;
	v12 =	vsel vm3, v5, v6;
	v6 =	vsel vm4, v0, v15;
	v5 =	vsel vm4, v15, v7  }
0xbd: {  	v8 =	vsel vm5, s17, v11;
	vm5 =	vgt.f32 v0, v12;
	v7 =	vsel vm2, s17, v1  }
0xbe: {  	v9 =	vsel vm6, v9, v14;
	s16 =	sadd.s32 $0x3, s15;
	s14 =	sadd.s32 $0x200, s14;
	v8 =	vsel vm3, v2, v8;
	v11 =	vsel vm5, v0, v12  }
0xbf: {  	v4 =	vsel vm0, v4, v10  }
0xc0: {  	vm6 =	vgt.f32 v0, v4  }
0xc1: {  	v5 =	vsub.f32 v5, v6;
	v0 =	vsel vm6, v0, v4  }
0xc2: {  	v0 =	vsel vm1, v3, v0  }
0xc3: {  	v3 =	vmul.f32 $1.442695020e+00, v5;
	v0 =	vsub.f32 v0, v6  }
0xc4: {  	v4 =	vsel vm6, v4, v11  }
0xc5: {  	(erf) = vpow2.f32 v3;
	v3 =	vsub.f32 v4, v6;
	v0 =	vmul.f32 $1.442695020e+00, v0;
	_ =	sdelay $0x1  }
0xc6: {  	(erf) = vpow2.f32 v0;
	v0 =	vmul.f32 $1.442695020e+00, v3;
	_ =	sdelay $0x1  }
0xc7: {  	(erf) = vpow2.f32 v0;
	_ =	sdelay $0x4  }
0xc8: {  	v0 =	vpop (erf)  }
0xc9: {  	v3 =	vadd.f32 $1.000000000e+00, v0  }
0xca: {  	v4 =	vpop (erf)  }
0xcb: {  	v3 =	vadd.f32 v4, v3  }
0xcc: {  	v5 =	vpop (erf)  }
0xcd: {  	v3 =	vadd.f32 v5, v3;
	_ =	sdelay $0x1  }
0xce: {  	(erf) = vrcp.f32 v3;
	_ =	sdelay $0x5  }
0xcf: {  	v3 =	vsel vm0, s17, v9  }
0xd0: {  	v1 =	vsel vm2, v1, v3  }
0xd1: {  	v10 =	vsel vm4, s16, v7;
	v3 =	vsel vm1, s16, v1  }
0xd2: {  	[tilespmem:$0x6620] =	vst v10;
	v3 =	vsel vm4, v7, v3;
	v6 =	vpop (erf)  }
0xd3: {  	v2 =	vsel vm3, s17, v2;
	[tilespmem:$0x66A0] =	vst v3;
	v0 =	vmul.f32 v6, v0  }
0xd4: {  	v2 =	vsel vm0, v9, v2;
	[tilespmem:$0x6420] =	vst v6;
	v4 =	vmul.f32 v6, v4  }
0xd5: {  	[tilespmem:$0x64A0] =	vst v0;
	v0 =	vsel vm6, s16, v2  }
0xd6: {  	[tilespmem:$0x6520] =	vst v4;
	v0 =	vsel vm1, v1, v0;
	v1 =	vmul.f32 v6, v5  }
0xd7: {  	v3 =	vsel vm5, s16, v8;
	[tilespmem:$0x6720] =	vst v0  }
0xd8: {  	v0 =	vsel vm6, v2, v3;
	[tilespmem:$0x65A0] =	vst v1  }
0xd9: {  	s13 =	simm.s32 $0x130;
	[tilespmem:$0x67A0] =	vst v0  }
0xda: {  	v0 =	vld [tilespmem:s13+$0xFFFFFF00];
	_ =	sdelay $0x2  }
0xdb: {  	v1 =	vld [tilespmem:s13+$0xFFFFFF80]  }
0xdc: {  	v2 =	vimm.f32 $-Inf  }
0xdd: {  	v5 =	vld [tilespmem:s13+$0x0];
	vm0 =	vgt.f32 v0, v2  }
0xde: {  	s14 =	simm.s32 $0x0;
	v3 =	vsel vm0, v0, v2;
	v0 =	vimm.s32 $0x0  }
0xdf: {  	v6 =	vsel vm0, v2, v3;
	v8 =	vsel vm0, s14, v0  }
0xe0: {  	s31 =	simm.s32 $0x1;
	vm6 =	vgt.f32 v1, v3;
	vm1 =	vgt.f32 v1, v6;
	v2 =	vsel vm0, v0, v8  }
0xe1: {  	v0 =	vld [tilespmem:s13+$0x80];
	v10 =	vsel vm6, v1, v3;
	v7 =	vsel vm1, v1, v6;
	v9 =	vsel vm1, s31, v2  }
0xe2: {  	vm2 =	vgt.f32 v5, v10;
	v1 =	vsel vm6, s31, v8;
	v4 =	vsel vm6, v3, v7  }
0xe3: {  	v2 =	vsel vm1, v2, v9;
	v6 =	vsel vm1, v6, v7;
	vm0 =	vgt.f32 v5, v4  }
0xe4: {  	v7 =	vsel vm2, v5, v10;
	vm3 =	vgt.f32 v5, v6;
	v3 =	vsel vm0, v5, v4  }
0xe5: {  	v9 =	vsel vm6, v8, v9;
	v3 =	vsel vm2, v10, v3;
	v10 =	vsel vm3, v5, v6  }
0xe6: {  	v5 =	vsel vm3, v5, v6;
	vm4 =	vgt.f32 v0, v7;
	vm1 =	vgt.f32 v0, v3  }
0xe7: {  	s17 =	simm.s32 $0x2;
	v12 =	vsel vm3, v6, v5;
	v6 =	vsel vm4, v0, v7;
	v11 =	vsel vm1, v0, v3  }
0xe8: {  	vm5 =	vgt.f32 v0, v12;
	v5 =	vsel vm4, v7, v11;
	v11 =	vsel vm3, s17, v2  }
0xe9: {  	s16 =	simm.s32 $0x3;
	s14 =	simm.s32 $0x330;
	s13 =	simm.s32 $0x4;
	v7 =	vsel vm2, s17, v1;
	v8 =	vsel vm3, v2, v11;
	v11 =	vsel vm5, v0, v12  }
.LBB2_8:
0xea: {  	v12 =	vld [tilespmem:s14+$0xFFFFFF00];
	p0 =	slt.u32 s13, $0xC4;
	v13 =	vsel vm0, s17, v9;
	v2 =	vsel vm3, s17, v2;
	v14 =	vsel vm4, s16, v7;
	s15 =	smov.u32 s13;
	s13 =	sadd.s32 $0x4, s13  }
0xeb: {  	v4 =	vsel vm0, v4, v10;
	v8 =	vsel vm5, s16, v8;
	v1 =	vsel vm2, v1, v13  }
0xec: {  	v2 =	vsel vm0, v9, v2;
	vm0 =	vgt.f32 v0, v4;
	v9 =	vsel vm1, s16, v1  }
0xed: {  	v10 =	vld [tilespmem:s14+$0xFFFFFF80];
	v7 =	vsel vm4, v7, v9;
	v9 =	vsel vm0, s16, v2;
	v2 =	vsel vm0, v2, v8  }
0xee: {  	v0 =	vsel vm0, v0, v4;
	v4 =	vsel vm0, v4, v11;
	v1 =	vsel vm1, v1, v9  }
0xef: {  	v0 =	vsel vm1, v3, v0;
	vm0 =	vgt.f32 v12, v5;
	vm2 =	vgt.f32 v12, v4  }
0xf0: {  	vm1 =	vgt.f32 v12, v6;
	vm3 =	vgt.f32 v12, v0;
	v3 =	vsel vm0, v12, v5  }
0xf1: {  	v4 =	vsel vm2, v12, v4;
	v2 =	vsel vm2, s15, v2;
	v3 =	vsel vm1, v6, v3  }
0xf2: {  	v8 =	vsel vm0, s15, v7;
	v6 =	vsel vm1, v12, v6;
	v4 =	vsel vm3, v0, v4  }
0xf3: {  	s16 =	sadd.s32 $0x1, s15;
	v0 =	vsel vm3, v12, v0;
	v2 =	vsel vm3, v1, v2;
	vm2 =	vgt.f32 v10, v4  }
0xf4: {  	v1 =	vsel vm3, s15, v1;
	v4 =	vsel vm2, v10, v4;
	v2 =	vsel vm2, s16, v2  }
0xf5: {  	v5 =	vsel vm0, v5, v0;
	v0 =	vsel vm0, v7, v1;
	vm4 =	vgt.f32 v10, v3;
	v7 =	vld [tilespmem:s14+$0x0]  }
0xf6: {  	v9 =	vsel vm1, s15, v14;
	vm0 =	vgt.f32 v10, v5;
	v1 =	vsel vm4, v10, v3  }
0xf7: {  	v8 =	vsel vm1, v14, v8;
	vm6 =	vgt.f32 v10, v6;
	v11 =	vsel vm0, v0, v2  }
0xf8: {  	v2 =	vsel vm6, v10, v6;
	v12 =	vsel vm0, v5, v4;
	v13 =	vsel vm0, s16, v0;
	v0 =	vld [tilespmem:s14+$0x80]  }
0xf9: {  	v14 =	vsel vm4, s16, v8;
	v4 =	vsel vm6, v6, v1;
	v1 =	vsel vm0, v10, v5  }
0xfa: {  	v5 =	vsel vm4, v3, v1;
	v1 =	vsel vm6, s16, v9;
	vm0 =	vgt.f32 v7, v4  }
0xfb: {  	vm2 =	vgt.f32 v7, v2;
	vm3 =	vgt.f32 v7, v5;
	v3 =	vsel vm0, v7, v4  }
0xfc: {  	v15 =	vsel vm2, v7, v2;
	v10 =	vsel vm3, v7, v5;
	v3 =	vsel vm2, v2, v3  }
.Ltmp3:
0xfd: {  	vm5 =	vgt.f32 v7, v12;
	v2 =	vsel vm4, v8, v13;
	vm1 =	vgt.f32 v0, v3;
	(pc) =	sbr.rel @p0 .LBB2_8-.Ltmp3, $4  }
0xfe: {  	v6 =	vsel vm5, v7, v12;
	vm4 =	vgt.f32 v0, v15;
	v7 =	vsel vm1, v0, v3  }
0xff: {  	s17 =	sadd.s32 $0x2, s15;
	v12 =	vsel vm3, v5, v6;
	v6 =	vsel vm4, v0, v15;
	v5 =	vsel vm4, v15, v7  }
0x100: {  	v8 =	vsel vm5, s17, v11;
	vm5 =	vgt.f32 v0, v12;
	v7 =	vsel vm2, s17, v1  }
0x101: {  	v9 =	vsel vm6, v9, v14;
	s16 =	sadd.s32 $0x3, s15;
	s14 =	sadd.s32 $0x200, s14;
	v8 =	vsel vm3, v2, v8;
	v11 =	vsel vm5, v0, v12  }
0x102: {  	v4 =	vsel vm0, v4, v10  }
0x103: {  	vm6 =	vgt.f32 v0, v4  }
0x104: {  	v5 =	vsub.f32 v5, v6;
	v0 =	vsel vm6, v0, v4  }
0x105: {  	v0 =	vsel vm1, v3, v0  }
0x106: {  	v3 =	vmul.f32 $1.442695020e+00, v5;
	v0 =	vsub.f32 v0, v6  }
0x107: {  	v4 =	vsel vm6, v4, v11  }
0x108: {  	(erf) = vpow2.f32 v3;
	v3 =	vsub.f32 v4, v6;
	v0 =	vmul.f32 $1.442695020e+00, v0;
	_ =	sdelay $0x1  }
0x109: {  	(erf) = vpow2.f32 v0;
	v0 =	vmul.f32 $1.442695020e+00, v3;
	_ =	sdelay $0x1  }
0x10a: {  	(erf) = vpow2.f32 v0;
	_ =	sdelay $0x4  }
0x10b: {  	v0 =	vpop (erf)  }
0x10c: {  	v3 =	vadd.f32 $1.000000000e+00, v0  }
0x10d: {  	v4 =	vpop (erf)  }
0x10e: {  	v3 =	vadd.f32 v4, v3  }
0x10f: {  	v5 =	vpop (erf)  }
0x110: {  	v3 =	vadd.f32 v5, v3;
	_ =	sdelay $0x1  }
0x111: {  	(erf) = vrcp.f32 v3;
	_ =	sdelay $0x5  }
0x112: {  	v3 =	vsel vm0, s17, v9  }
0x113: {  	v1 =	vsel vm2, v1, v3  }
0x114: {  	v10 =	vsel vm4, s16, v7;
	v3 =	vsel vm1, s16, v1  }
0x115: {  	[tilespmem:$0x6630] =	vst v10;
	v3 =	vsel vm4, v7, v3;
	v6 =	vpop (erf)  }
0x116: {  	v2 =	vsel vm3, s17, v2;
	[tilespmem:$0x66B0] =	vst v3;
	v0 =	vmul.f32 v6, v0  }
0x117: {  	v2 =	vsel vm0, v9, v2;
	[tilespmem:$0x6430] =	vst v6;
	v4 =	vmul.f32 v6, v4  }
0x118: {  	[tilespmem:$0x64B0] =	vst v0;
	v0 =	vsel vm6, s16, v2  }
0x119: {  	[tilespmem:$0x6530] =	vst v4;
	v0 =	vsel vm1, v1, v0;
	v1 =	vmul.f32 v6, v5  }
0x11a: {  	v3 =	vsel vm5, s16, v8;
	[tilespmem:$0x6730] =	vst v0  }
0x11b: {  	v0 =	vsel vm6, v2, v3;
	[tilespmem:$0x65B0] =	vst v1  }
0x11c: {  	s13 =	simm.s32 $0x140;
	[tilespmem:$0x67B0] =	vst v0  }
0x11d: {  	v0 =	vld [tilespmem:s13+$0xFFFFFF00];
	_ =	sdelay $0x2  }
0x11e: {  	v1 =	vld [tilespmem:s13+$0xFFFFFF80]  }
0x11f: {  	v2 =	vimm.f32 $-Inf  }
0x120: {  	v5 =	vld [tilespmem:s13+$0x0];
	vm0 =	vgt.f32 v0, v2  }
0x121: {  	s14 =	simm.s32 $0x0;
	v3 =	vsel vm0, v0, v2;
	v0 =	vimm.s32 $0x0  }
0x122: {  	v6 =	vsel vm0, v2, v3;
	v8 =	vsel vm0, s14, v0  }
0x123: {  	s31 =	simm.s32 $0x1;
	vm6 =	vgt.f32 v1, v3;
	vm1 =	vgt.f32 v1, v6;
	v2 =	vsel vm0, v0, v8  }
0x124: {  	v0 =	vld [tilespmem:s13+$0x80];
	v10 =	vsel vm6, v1, v3;
	v7 =	vsel vm1, v1, v6;
	v9 =	vsel vm1, s31, v2  }
0x125: {  	vm2 =	vgt.f32 v5, v10;
	v1 =	vsel vm6, s31, v8;
	v4 =	vsel vm6, v3, v7  }
0x126: {  	v2 =	vsel vm1, v2, v9;
	v6 =	vsel vm1, v6, v7;
	vm0 =	vgt.f32 v5, v4  }
0x127: {  	v7 =	vsel vm2, v5, v10;
	vm3 =	vgt.f32 v5, v6;
	v3 =	vsel vm0, v5, v4  }
0x128: {  	v9 =	vsel vm6, v8, v9;
	v3 =	vsel vm2, v10, v3;
	v10 =	vsel vm3, v5, v6  }
0x129: {  	v5 =	vsel vm3, v5, v6;
	vm4 =	vgt.f32 v0, v7;
	vm1 =	vgt.f32 v0, v3  }
0x12a: {  	s17 =	simm.s32 $0x2;
	v12 =	vsel vm3, v6, v5;
	v6 =	vsel vm4, v0, v7;
	v11 =	vsel vm1, v0, v3  }
0x12b: {  	vm5 =	vgt.f32 v0, v12;
	v5 =	vsel vm4, v7, v11;
	v11 =	vsel vm3, s17, v2  }
0x12c: {  	s16 =	simm.s32 $0x3;
	s14 =	simm.s32 $0x340;
	s13 =	simm.s32 $0x4;
	v7 =	vsel vm2, s17, v1;
	v8 =	vsel vm3, v2, v11;
	v11 =	vsel vm5, v0, v12  }
.LBB2_10:
0x12d: {  	v12 =	vld [tilespmem:s14+$0xFFFFFF00];
	p0 =	slt.u32 s13, $0xC4;
	v13 =	vsel vm0, s17, v9;
	v2 =	vsel vm3, s17, v2;
	v14 =	vsel vm4, s16, v7;
	s15 =	smov.u32 s13;
	s13 =	sadd.s32 $0x4, s13  }
0x12e: {  	v4 =	vsel vm0, v4, v10;
	v8 =	vsel vm5, s16, v8;
	v1 =	vsel vm2, v1, v13  }
0x12f: {  	v2 =	vsel vm0, v9, v2;
	vm0 =	vgt.f32 v0, v4;
	v9 =	vsel vm1, s16, v1  }
0x130: {  	v10 =	vld [tilespmem:s14+$0xFFFFFF80];
	v7 =	vsel vm4, v7, v9;
	v9 =	vsel vm0, s16, v2;
	v2 =	vsel vm0, v2, v8  }
0x131: {  	v0 =	vsel vm0, v0, v4;
	v4 =	vsel vm0, v4, v11;
	v1 =	vsel vm1, v1, v9  }
0x132: {  	v0 =	vsel vm1, v3, v0;
	vm0 =	vgt.f32 v12, v5;
	vm2 =	vgt.f32 v12, v4  }
0x133: {  	vm1 =	vgt.f32 v12, v6;
	vm3 =	vgt.f32 v12, v0;
	v3 =	vsel vm0, v12, v5  }
0x134: {  	v4 =	vsel vm2, v12, v4;
	v2 =	vsel vm2, s15, v2;
	v3 =	vsel vm1, v6, v3  }
0x135: {  	v8 =	vsel vm0, s15, v7;
	v6 =	vsel vm1, v12, v6;
	v4 =	vsel vm3, v0, v4  }
0x136: {  	s16 =	sadd.s32 $0x1, s15;
	v0 =	vsel vm3, v12, v0;
	v2 =	vsel vm3, v1, v2;
	vm2 =	vgt.f32 v10, v4  }
0x137: {  	v1 =	vsel vm3, s15, v1;
	v4 =	vsel vm2, v10, v4;
	v2 =	vsel vm2, s16, v2  }
0x138: {  	v5 =	vsel vm0, v5, v0;
	v0 =	vsel vm0, v7, v1;
	vm4 =	vgt.f32 v10, v3;
	v7 =	vld [tilespmem:s14+$0x0]  }
0x139: {  	v9 =	vsel vm1, s15, v14;
	vm0 =	vgt.f32 v10, v5;
	v1 =	vsel vm4, v10, v3  }
0x13a: {  	v8 =	vsel vm1, v14, v8;
	vm6 =	vgt.f32 v10, v6;
	v11 =	vsel vm0, v0, v2  }
0x13b: {  	v2 =	vsel vm6, v10, v6;
	v12 =	vsel vm0, v5, v4;
	v13 =	vsel vm0, s16, v0;
	v0 =	vld [tilespmem:s14+$0x80]  }
0x13c: {  	v14 =	vsel vm4, s16, v8;
	v4 =	vsel vm6, v6, v1;
	v1 =	vsel vm0, v10, v5  }
0x13d: {  	v5 =	vsel vm4, v3, v1;
	v1 =	vsel vm6, s16, v9;
	vm0 =	vgt.f32 v7, v4  }
0x13e: {  	vm2 =	vgt.f32 v7, v2;
	vm3 =	vgt.f32 v7, v5;
	v3 =	vsel vm0, v7, v4  }
0x13f: {  	v15 =	vsel vm2, v7, v2;
	v10 =	vsel vm3, v7, v5;
	v3 =	vsel vm2, v2, v3  }
.Ltmp4:
0x140: {  	vm5 =	vgt.f32 v7, v12;
	v2 =	vsel vm4, v8, v13;
	vm1 =	vgt.f32 v0, v3;
	(pc) =	sbr.rel @p0 .LBB2_10-.Ltmp4, $4  }
0x141: {  	v6 =	vsel vm5, v7, v12;
	vm4 =	vgt.f32 v0, v15;
	v7 =	vsel vm1, v0, v3  }
0x142: {  	s17 =	sadd.s32 $0x2, s15;
	v12 =	vsel vm3, v5, v6;
	v6 =	vsel vm4, v0, v15;
	v5 =	vsel vm4, v15, v7  }
0x143: {  	v8 =	vsel vm5, s17, v11;
	vm5 =	vgt.f32 v0, v12;
	v7 =	vsel vm2, s17, v1  }
0x144: {  	v9 =	vsel vm6, v9, v14;
	s16 =	sadd.s32 $0x3, s15;
	s14 =	sadd.s32 $0x200, s14;
	v8 =	vsel vm3, v2, v8;
	v11 =	vsel vm5, v0, v12  }
0x145: {  	v4 =	vsel vm0, v4, v10  }
0x146: {  	vm6 =	vgt.f32 v0, v4  }
0x147: {  	v5 =	vsub.f32 v5, v6;
	v0 =	vsel vm6, v0, v4  }
0x148: {  	v0 =	vsel vm1, v3, v0  }
0x149: {  	v3 =	vmul.f32 $1.442695020e+00, v5;
	v0 =	vsub.f32 v0, v6  }
0x14a: {  	v4 =	vsel vm6, v4, v11  }
0x14b: {  	(erf) = vpow2.f32 v3;
	v3 =	vsub.f32 v4, v6;
	v0 =	vmul.f32 $1.442695020e+00, v0;
	_ =	sdelay $0x1  }
0x14c: {  	(erf) = vpow2.f32 v0;
	v0 =	vmul.f32 $1.442695020e+00, v3;
	_ =	sdelay $0x1  }
0x14d: {  	(erf) = vpow2.f32 v0;
	_ =	sdelay $0x4  }
0x14e: {  	v0 =	vpop (erf)  }
0x14f: {  	v3 =	vadd.f32 $1.000000000e+00, v0  }
0x150: {  	v4 =	vpop (erf)  }
0x151: {  	v3 =	vadd.f32 v4, v3  }
0x152: {  	v5 =	vpop (erf)  }
0x153: {  	v3 =	vadd.f32 v5, v3;
	_ =	sdelay $0x1  }
0x154: {  	(erf) = vrcp.f32 v3;
	_ =	sdelay $0x5  }
0x155: {  	v3 =	vsel vm0, s17, v9  }
0x156: {  	v1 =	vsel vm2, v1, v3  }
0x157: {  	v10 =	vsel vm4, s16, v7;
	v3 =	vsel vm1, s16, v1  }
0x158: {  	[tilespmem:$0x6640] =	vst v10;
	v3 =	vsel vm4, v7, v3;
	v6 =	vpop (erf)  }
0x159: {  	v2 =	vsel vm3, s17, v2;
	[tilespmem:$0x66C0] =	vst v3;
	v0 =	vmul.f32 v6, v0  }
0x15a: {  	v2 =	vsel vm0, v9, v2;
	[tilespmem:$0x6440] =	vst v6;
	v4 =	vmul.f32 v6, v4  }
0x15b: {  	[tilespmem:$0x64C0] =	vst v0;
	v0 =	vsel vm6, s16, v2  }
0x15c: {  	[tilespmem:$0x6540] =	vst v4;
	v0 =	vsel vm1, v1, v0;
	v1 =	vmul.f32 v6, v5  }
0x15d: {  	v3 =	vsel vm5, s16, v8;
	[tilespmem:$0x6740] =	vst v0  }
0x15e: {  	v0 =	vsel vm6, v2, v3;
	[tilespmem:$0x65C0] =	vst v1  }
0x15f: {  	s13 =	simm.s32 $0x150;
	[tilespmem:$0x67C0] =	vst v0  }
0x160: {  	v0 =	vld [tilespmem:s13+$0xFFFFFF00];
	_ =	sdelay $0x2  }
0x161: {  	v1 =	vld [tilespmem:s13+$0xFFFFFF80]  }
0x162: {  	v2 =	vimm.f32 $-Inf  }
0x163: {  	v5 =	vld [tilespmem:s13+$0x0];
	vm0 =	vgt.f32 v0, v2  }
0x164: {  	s14 =	simm.s32 $0x0;
	v3 =	vsel vm0, v0, v2;
	v0 =	vimm.s32 $0x0  }
0x165: {  	v6 =	vsel vm0, v2, v3;
	v8 =	vsel vm0, s14, v0  }
0x166: {  	s31 =	simm.s32 $0x1;
	vm6 =	vgt.f32 v1, v3;
	vm1 =	vgt.f32 v1, v6;
	v2 =	vsel vm0, v0, v8  }
0x167: {  	v0 =	vld [tilespmem:s13+$0x80];
	v10 =	vsel vm6, v1, v3;
	v7 =	vsel vm1, v1, v6;
	v9 =	vsel vm1, s31, v2  }
0x168: {  	vm2 =	vgt.f32 v5, v10;
	v1 =	vsel vm6, s31, v8;
	v4 =	vsel vm6, v3, v7  }
0x169: {  	v2 =	vsel vm1, v2, v9;
	v6 =	vsel vm1, v6, v7;
	vm0 =	vgt.f32 v5, v4  }
0x16a: {  	v7 =	vsel vm2, v5, v10;
	vm3 =	vgt.f32 v5, v6;
	v3 =	vsel vm0, v5, v4  }
0x16b: {  	v9 =	vsel vm6, v8, v9;
	v3 =	vsel vm2, v10, v3;
	v10 =	vsel vm3, v5, v6  }
0x16c: {  	v5 =	vsel vm3, v5, v6;
	vm4 =	vgt.f32 v0, v7;
	vm1 =	vgt.f32 v0, v3  }
0x16d: {  	s17 =	simm.s32 $0x2;
	v12 =	vsel vm3, v6, v5;
	v6 =	vsel vm4, v0, v7;
	v11 =	vsel vm1, v0, v3  }
0x16e: {  	vm5 =	vgt.f32 v0, v12;
	v5 =	vsel vm4, v7, v11;
	v11 =	vsel vm3, s17, v2  }
0x16f: {  	s16 =	simm.s32 $0x3;
	s14 =	simm.s32 $0x350;
	s13 =	simm.s32 $0x4;
	v7 =	vsel vm2, s17, v1;
	v8 =	vsel vm3, v2, v11;
	v11 =	vsel vm5, v0, v12  }
.LBB2_12:
0x170: {  	v12 =	vld [tilespmem:s14+$0xFFFFFF00];
	p0 =	slt.u32 s13, $0xC4;
	v13 =	vsel vm0, s17, v9;
	v2 =	vsel vm3, s17, v2;
	v14 =	vsel vm4, s16, v7;
	s15 =	smov.u32 s13;
	s13 =	sadd.s32 $0x4, s13  }
0x171: {  	v4 =	vsel vm0, v4, v10;
	v8 =	vsel vm5, s16, v8;
	v1 =	vsel vm2, v1, v13  }
0x172: {  	v2 =	vsel vm0, v9, v2;
	vm0 =	vgt.f32 v0, v4;
	v9 =	vsel vm1, s16, v1  }
0x173: {  	v10 =	vld [tilespmem:s14+$0xFFFFFF80];
	v7 =	vsel vm4, v7, v9;
	v9 =	vsel vm0, s16, v2;
	v2 =	vsel vm0, v2, v8  }
0x174: {  	v0 =	vsel vm0, v0, v4;
	v4 =	vsel vm0, v4, v11;
	v1 =	vsel vm1, v1, v9  }
0x175: {  	v0 =	vsel vm1, v3, v0;
	vm0 =	vgt.f32 v12, v5;
	vm2 =	vgt.f32 v12, v4  }
0x176: {  	vm1 =	vgt.f32 v12, v6;
	vm3 =	vgt.f32 v12, v0;
	v3 =	vsel vm0, v12, v5  }
0x177: {  	v4 =	vsel vm2, v12, v4;
	v2 =	vsel vm2, s15, v2;
	v3 =	vsel vm1, v6, v3  }
0x178: {  	v8 =	vsel vm0, s15, v7;
	v6 =	vsel vm1, v12, v6;
	v4 =	vsel vm3, v0, v4  }
0x179: {  	s16 =	sadd.s32 $0x1, s15;
	v0 =	vsel vm3, v12, v0;
	v2 =	vsel vm3, v1, v2;
	vm2 =	vgt.f32 v10, v4  }
0x17a: {  	v1 =	vsel vm3, s15, v1;
	v4 =	vsel vm2, v10, v4;
	v2 =	vsel vm2, s16, v2  }
0x17b: {  	v5 =	vsel vm0, v5, v0;
	v0 =	vsel vm0, v7, v1;
	vm4 =	vgt.f32 v10, v3;
	v7 =	vld [tilespmem:s14+$0x0]  }
0x17c: {  	v9 =	vsel vm1, s15, v14;
	vm0 =	vgt.f32 v10, v5;
	v1 =	vsel vm4, v10, v3  }
0x17d: {  	v8 =	vsel vm1, v14, v8;
	vm6 =	vgt.f32 v10, v6;
	v11 =	vsel vm0, v0, v2  }
0x17e: {  	v2 =	vsel vm6, v10, v6;
	v12 =	vsel vm0, v5, v4;
	v13 =	vsel vm0, s16, v0;
	v0 =	vld [tilespmem:s14+$0x80]  }
0x17f: {  	v14 =	vsel vm4, s16, v8;
	v4 =	vsel vm6, v6, v1;
	v1 =	vsel vm0, v10, v5  }
0x180: {  	v5 =	vsel vm4, v3, v1;
	v1 =	vsel vm6, s16, v9;
	vm0 =	vgt.f32 v7, v4  }
0x181: {  	vm2 =	vgt.f32 v7, v2;
	vm3 =	vgt.f32 v7, v5;
	v3 =	vsel vm0, v7, v4  }
0x182: {  	v15 =	vsel vm2, v7, v2;
	v10 =	vsel vm3, v7, v5;
	v3 =	vsel vm2, v2, v3  }
.Ltmp5:
0x183: {  	vm5 =	vgt.f32 v7, v12;
	v2 =	vsel vm4, v8, v13;
	vm1 =	vgt.f32 v0, v3;
	(pc) =	sbr.rel @p0 .LBB2_12-.Ltmp5, $4  }
0x184: {  	v6 =	vsel vm5, v7, v12;
	vm4 =	vgt.f32 v0, v15;
	v7 =	vsel vm1, v0, v3  }
0x185: {  	s17 =	sadd.s32 $0x2, s15;
	v12 =	vsel vm3, v5, v6;
	v6 =	vsel vm4, v0, v15;
	v5 =	vsel vm4, v15, v7  }
0x186: {  	v8 =	vsel vm5, s17, v11;
	vm5 =	vgt.f32 v0, v12;
	v7 =	vsel vm2, s17, v1  }
0x187: {  	v9 =	vsel vm6, v9, v14;
	s16 =	sadd.s32 $0x3, s15;
	s14 =	sadd.s32 $0x200, s14;
	v8 =	vsel vm3, v2, v8;
	v11 =	vsel vm5, v0, v12  }
0x188: {  	v4 =	vsel vm0, v4, v10  }
0x189: {  	vm6 =	vgt.f32 v0, v4  }
0x18a: {  	v5 =	vsub.f32 v5, v6;
	v0 =	vsel vm6, v0, v4  }
0x18b: {  	v0 =	vsel vm1, v3, v0  }
0x18c: {  	v3 =	vmul.f32 $1.442695020e+00, v5;
	v0 =	vsub.f32 v0, v6  }
0x18d: {  	v4 =	vsel vm6, v4, v11  }
0x18e: {  	(erf) = vpow2.f32 v3;
	v3 =	vsub.f32 v4, v6;
	v0 =	vmul.f32 $1.442695020e+00, v0;
	_ =	sdelay $0x1  }
0x18f: {  	(erf) = vpow2.f32 v0;
	v0 =	vmul.f32 $1.442695020e+00, v3;
	_ =	sdelay $0x1  }
0x190: {  	(erf) = vpow2.f32 v0;
	_ =	sdelay $0x4  }
0x191: {  	v0 =	vpop (erf)  }
0x192: {  	v3 =	vadd.f32 $1.000000000e+00, v0  }
0x193: {  	v4 =	vpop (erf)  }
0x194: {  	v3 =	vadd.f32 v4, v3  }
0x195: {  	v5 =	vpop (erf)  }
0x196: {  	v3 =	vadd.f32 v5, v3;
	_ =	sdelay $0x1  }
0x197: {  	(erf) = vrcp.f32 v3;
	_ =	sdelay $0x5  }
0x198: {  	v3 =	vsel vm0, s17, v9  }
0x199: {  	v1 =	vsel vm2, v1, v3  }
0x19a: {  	v10 =	vsel vm4, s16, v7;
	v3 =	vsel vm1, s16, v1  }
0x19b: {  	[tilespmem:$0x6650] =	vst v10;
	v3 =	vsel vm4, v7, v3;
	v6 =	vpop (erf)  }
0x19c: {  	v2 =	vsel vm3, s17, v2;
	[tilespmem:$0x66D0] =	vst v3;
	v0 =	vmul.f32 v6, v0  }
0x19d: {  	v2 =	vsel vm0, v9, v2;
	[tilespmem:$0x6450] =	vst v6;
	v4 =	vmul.f32 v6, v4  }
0x19e: {  	[tilespmem:$0x64D0] =	vst v0;
	v0 =	vsel vm6, s16, v2  }
0x19f: {  	[tilespmem:$0x6550] =	vst v4;
	v0 =	vsel vm1, v1, v0;
	v1 =	vmul.f32 v6, v5  }
0x1a0: {  	v3 =	vsel vm5, s16, v8;
	[tilespmem:$0x6750] =	vst v0  }
0x1a1: {  	v0 =	vsel vm6, v2, v3;
	[tilespmem:$0x65D0] =	vst v1  }
0x1a2: {  	s13 =	simm.s32 $0x160;
	[tilespmem:$0x67D0] =	vst v0  }
0x1a3: {  	v0 =	vld [tilespmem:s13+$0xFFFFFF00];
	_ =	sdelay $0x2  }
0x1a4: {  	v1 =	vld [tilespmem:s13+$0xFFFFFF80]  }
0x1a5: {  	v2 =	vimm.f32 $-Inf  }
0x1a6: {  	v5 =	vld [tilespmem:s13+$0x0];
	vm0 =	vgt.f32 v0, v2  }
0x1a7: {  	s14 =	simm.s32 $0x0;
	v3 =	vsel vm0, v0, v2;
	v0 =	vimm.s32 $0x0  }
0x1a8: {  	v6 =	vsel vm0, v2, v3;
	v8 =	vsel vm0, s14, v0  }
0x1a9: {  	s31 =	simm.s32 $0x1;
	vm6 =	vgt.f32 v1, v3;
	vm1 =	vgt.f32 v1, v6;
	v2 =	vsel vm0, v0, v8  }
0x1aa: {  	v0 =	vld [tilespmem:s13+$0x80];
	v10 =	vsel vm6, v1, v3;
	v7 =	vsel vm1, v1, v6;
	v9 =	vsel vm1, s31, v2  }
0x1ab: {  	vm2 =	vgt.f32 v5, v10;
	v1 =	vsel vm6, s31, v8;
	v4 =	vsel vm6, v3, v7  }
0x1ac: {  	v2 =	vsel vm1, v2, v9;
	v6 =	vsel vm1, v6, v7;
	vm0 =	vgt.f32 v5, v4  }
0x1ad: {  	v7 =	vsel vm2, v5, v10;
	vm3 =	vgt.f32 v5, v6;
	v3 =	vsel vm0, v5, v4  }
0x1ae: {  	v9 =	vsel vm6, v8, v9;
	v3 =	vsel vm2, v10, v3;
	v10 =	vsel vm3, v5, v6  }
0x1af: {  	v5 =	vsel vm3, v5, v6;
	vm4 =	vgt.f32 v0, v7;
	vm1 =	vgt.f32 v0, v3  }
0x1b0: {  	s17 =	simm.s32 $0x2;
	v12 =	vsel vm3, v6, v5;
	v6 =	vsel vm4, v0, v7;
	v11 =	vsel vm1, v0, v3  }
0x1b1: {  	vm5 =	vgt.f32 v0, v12;
	v5 =	vsel vm4, v7, v11;
	v11 =	vsel vm3, s17, v2  }
0x1b2: {  	s16 =	simm.s32 $0x3;
	s14 =	simm.s32 $0x360;
	s13 =	simm.s32 $0x4;
	v7 =	vsel vm2, s17, v1;
	v8 =	vsel vm3, v2, v11;
	v11 =	vsel vm5, v0, v12  }
.LBB2_14:
0x1b3: {  	v12 =	vld [tilespmem:s14+$0xFFFFFF00];
	p0 =	slt.u32 s13, $0xC4;
	v13 =	vsel vm0, s17, v9;
	v2 =	vsel vm3, s17, v2;
	v14 =	vsel vm4, s16, v7;
	s15 =	smov.u32 s13;
	s13 =	sadd.s32 $0x4, s13  }
0x1b4: {  	v4 =	vsel vm0, v4, v10;
	v8 =	vsel vm5, s16, v8;
	v1 =	vsel vm2, v1, v13  }
0x1b5: {  	v2 =	vsel vm0, v9, v2;
	vm0 =	vgt.f32 v0, v4;
	v9 =	vsel vm1, s16, v1  }
0x1b6: {  	v10 =	vld [tilespmem:s14+$0xFFFFFF80];
	v7 =	vsel vm4, v7, v9;
	v9 =	vsel vm0, s16, v2;
	v2 =	vsel vm0, v2, v8  }
0x1b7: {  	v0 =	vsel vm0, v0, v4;
	v4 =	vsel vm0, v4, v11;
	v1 =	vsel vm1, v1, v9  }
0x1b8: {  	v0 =	vsel vm1, v3, v0;
	vm0 =	vgt.f32 v12, v5;
	vm2 =	vgt.f32 v12, v4  }
0x1b9: {  	vm1 =	vgt.f32 v12, v6;
	vm3 =	vgt.f32 v12, v0;
	v3 =	vsel vm0, v12, v5  }
0x1ba: {  	v4 =	vsel vm2, v12, v4;
	v2 =	vsel vm2, s15, v2;
	v3 =	vsel vm1, v6, v3  }
0x1bb: {  	v8 =	vsel vm0, s15, v7;
	v6 =	vsel vm1, v12, v6;
	v4 =	vsel vm3, v0, v4  }
0x1bc: {  	s16 =	sadd.s32 $0x1, s15;
	v0 =	vsel vm3, v12, v0;
	v2 =	vsel vm3, v1, v2;
	vm2 =	vgt.f32 v10, v4  }
0x1bd: {  	v1 =	vsel vm3, s15, v1;
	v4 =	vsel vm2, v10, v4;
	v2 =	vsel vm2, s16, v2  }
0x1be: {  	v5 =	vsel vm0, v5, v0;
	v0 =	vsel vm0, v7, v1;
	vm4 =	vgt.f32 v10, v3;
	v7 =	vld [tilespmem:s14+$0x0]  }
0x1bf: {  	v9 =	vsel vm1, s15, v14;
	vm0 =	vgt.f32 v10, v5;
	v1 =	vsel vm4, v10, v3  }
0x1c0: {  	v8 =	vsel vm1, v14, v8;
	vm6 =	vgt.f32 v10, v6;
	v11 =	vsel vm0, v0, v2  }
0x1c1: {  	v2 =	vsel vm6, v10, v6;
	v12 =	vsel vm0, v5, v4;
	v13 =	vsel vm0, s16, v0;
	v0 =	vld [tilespmem:s14+$0x80]  }
0x1c2: {  	v14 =	vsel vm4, s16, v8;
	v4 =	vsel vm6, v6, v1;
	v1 =	vsel vm0, v10, v5  }
0x1c3: {  	v5 =	vsel vm4, v3, v1;
	v1 =	vsel vm6, s16, v9;
	vm0 =	vgt.f32 v7, v4  }
0x1c4: {  	vm2 =	vgt.f32 v7, v2;
	vm3 =	vgt.f32 v7, v5;
	v3 =	vsel vm0, v7, v4  }
0x1c5: {  	v15 =	vsel vm2, v7, v2;
	v10 =	vsel vm3, v7, v5;
	v3 =	vsel vm2, v2, v3  }
.Ltmp6:
0x1c6: {  	vm5 =	vgt.f32 v7, v12;
	v2 =	vsel vm4, v8, v13;
	vm1 =	vgt.f32 v0, v3;
	(pc) =	sbr.rel @p0 .LBB2_14-.Ltmp6, $4  }
0x1c7: {  	v6 =	vsel vm5, v7, v12;
	vm4 =	vgt.f32 v0, v15;
	v7 =	vsel vm1, v0, v3  }
0x1c8: {  	s17 =	sadd.s32 $0x2, s15;
	v12 =	vsel vm3, v5, v6;
	v6 =	vsel vm4, v0, v15;
	v5 =	vsel vm4, v15, v7  }
0x1c9: {  	v8 =	vsel vm5, s17, v11;
	vm5 =	vgt.f32 v0, v12;
	v7 =	vsel vm2, s17, v1  }
0x1ca: {  	v9 =	vsel vm6, v9, v14;
	s16 =	sadd.s32 $0x3, s15;
	s14 =	sadd.s32 $0x200, s14;
	v8 =	vsel vm3, v2, v8;
	v11 =	vsel vm5, v0, v12  }
0x1cb: {  	v4 =	vsel vm0, v4, v10  }
0x1cc: {  	vm6 =	vgt.f32 v0, v4  }
0x1cd: {  	v5 =	vsub.f32 v5, v6;
	v0 =	vsel vm6, v0, v4  }
0x1ce: {  	v0 =	vsel vm1, v3, v0  }
0x1cf: {  	v3 =	vmul.f32 $1.442695020e+00, v5;
	v0 =	vsub.f32 v0, v6  }
0x1d0: {  	v4 =	vsel vm6, v4, v11  }
0x1d1: {  	(erf) = vpow2.f32 v3;
	v3 =	vsub.f32 v4, v6;
	v0 =	vmul.f32 $1.442695020e+00, v0;
	_ =	sdelay $0x1  }
0x1d2: {  	(erf) = vpow2.f32 v0;
	v0 =	vmul.f32 $1.442695020e+00, v3;
	_ =	sdelay $0x1  }
0x1d3: {  	(erf) = vpow2.f32 v0;
	_ =	sdelay $0x4  }
0x1d4: {  	v0 =	vpop (erf)  }
0x1d5: {  	v3 =	vadd.f32 $1.000000000e+00, v0  }
0x1d6: {  	v4 =	vpop (erf)  }
0x1d7: {  	v3 =	vadd.f32 v4, v3  }
0x1d8: {  	v5 =	vpop (erf)  }
0x1d9: {  	v3 =	vadd.f32 v5, v3;
	_ =	sdelay $0x1  }
0x1da: {  	(erf) = vrcp.f32 v3;
	_ =	sdelay $0x5  }
0x1db: {  	v3 =	vsel vm0, s17, v9  }
0x1dc: {  	v1 =	vsel vm2, v1, v3  }
0x1dd: {  	v10 =	vsel vm4, s16, v7;
	v3 =	vsel vm1, s16, v1  }
0x1de: {  	[tilespmem:$0x6660] =	vst v10;
	v3 =	vsel vm4, v7, v3;
	v6 =	vpop (erf)  }
0x1df: {  	v2 =	vsel vm3, s17, v2;
	[tilespmem:$0x66E0] =	vst v3;
	v0 =	vmul.f32 v6, v0  }
0x1e0: {  	v2 =	vsel vm0, v9, v2;
	[tilespmem:$0x6460] =	vst v6;
	v4 =	vmul.f32 v6, v4  }
0x1e1: {  	[tilespmem:$0x64E0] =	vst v0;
	v0 =	vsel vm6, s16, v2  }
0x1e2: {  	[tilespmem:$0x6560] =	vst v4;
	v0 =	vsel vm1, v1, v0;
	v1 =	vmul.f32 v6, v5  }
0x1e3: {  	v3 =	vsel vm5, s16, v8;
	[tilespmem:$0x6760] =	vst v0  }
0x1e4: {  	v0 =	vsel vm6, v2, v3;
	[tilespmem:$0x65E0] =	vst v1  }
0x1e5: {  	s13 =	simm.s32 $0x170;
	[tilespmem:$0x67E0] =	vst v0  }
0x1e6: {  	v0 =	vld [tilespmem:s13+$0xFFFFFF00];
	_ =	sdelay $0x2  }
0x1e7: {  	v1 =	vld [tilespmem:s13+$0xFFFFFF80]  }
0x1e8: {  	v2 =	vimm.f32 $-Inf  }
0x1e9: {  	v5 =	vld [tilespmem:s13+$0x0];
	vm0 =	vgt.f32 v0, v2  }
0x1ea: {  	s14 =	simm.s32 $0x0;
	v3 =	vsel vm0, v0, v2;
	v0 =	vimm.s32 $0x0  }
0x1eb: {  	v6 =	vsel vm0, v2, v3;
	v8 =	vsel vm0, s14, v0  }
0x1ec: {  	s31 =	simm.s32 $0x1;
	vm6 =	vgt.f32 v1, v3;
	vm1 =	vgt.f32 v1, v6;
	v2 =	vsel vm0, v0, v8  }
0x1ed: {  	v0 =	vld [tilespmem:s13+$0x80];
	v10 =	vsel vm6, v1, v3;
	v7 =	vsel vm1, v1, v6;
	v9 =	vsel vm1, s31, v2  }
0x1ee: {  	vm2 =	vgt.f32 v5, v10;
	v1 =	vsel vm6, s31, v8;
	v4 =	vsel vm6, v3, v7  }
0x1ef: {  	v2 =	vsel vm1, v2, v9;
	v6 =	vsel vm1, v6, v7;
	vm0 =	vgt.f32 v5, v4  }
0x1f0: {  	v7 =	vsel vm2, v5, v10;
	vm3 =	vgt.f32 v5, v6;
	v3 =	vsel vm0, v5, v4  }
0x1f1: {  	v9 =	vsel vm6, v8, v9;
	v3 =	vsel vm2, v10, v3;
	v10 =	vsel vm3, v5, v6  }
0x1f2: {  	v5 =	vsel vm3, v5, v6;
	vm4 =	vgt.f32 v0, v7;
	vm1 =	vgt.f32 v0, v3  }
0x1f3: {  	s17 =	simm.s32 $0x2;
	v12 =	vsel vm3, v6, v5;
	v6 =	vsel vm4, v0, v7;
	v11 =	vsel vm1, v0, v3  }
0x1f4: {  	vm5 =	vgt.f32 v0, v12;
	v5 =	vsel vm4, v7, v11;
	v11 =	vsel vm3, s17, v2  }
0x1f5: {  	s16 =	simm.s32 $0x3;
	s14 =	simm.s32 $0x370;
	s13 =	simm.s32 $0x4;
	v7 =	vsel vm2, s17, v1;
	v8 =	vsel vm3, v2, v11;
	v11 =	vsel vm5, v0, v12  }
.LBB2_16:
0x1f6: {  	v12 =	vld [tilespmem:s14+$0xFFFFFF00];
	p0 =	slt.u32 s13, $0xC4;
	v13 =	vsel vm0, s17, v9;
	v2 =	vsel vm3, s17, v2;
	v14 =	vsel vm4, s16, v7;
	s15 =	smov.u32 s13;
	s13 =	sadd.s32 $0x4, s13  }
0x1f7: {  	v4 =	vsel vm0, v4, v10;
	v8 =	vsel vm5, s16, v8;
	v1 =	vsel vm2, v1, v13  }
0x1f8: {  	v2 =	vsel vm0, v9, v2;
	vm0 =	vgt.f32 v0, v4;
	v9 =	vsel vm1, s16, v1  }
0x1f9: {  	v10 =	vld [tilespmem:s14+$0xFFFFFF80];
	v7 =	vsel vm4, v7, v9;
	v9 =	vsel vm0, s16, v2;
	v2 =	vsel vm0, v2, v8  }
0x1fa: {  	v0 =	vsel vm0, v0, v4;
	v4 =	vsel vm0, v4, v11;
	v1 =	vsel vm1, v1, v9  }
0x1fb: {  	v0 =	vsel vm1, v3, v0;
	vm0 =	vgt.f32 v12, v5;
	vm2 =	vgt.f32 v12, v4  }
0x1fc: {  	vm1 =	vgt.f32 v12, v6;
	vm3 =	vgt.f32 v12, v0;
	v3 =	vsel vm0, v12, v5  }
0x1fd: {  	v4 =	vsel vm2, v12, v4;
	v2 =	vsel vm2, s15, v2;
	v3 =	vsel vm1, v6, v3  }
0x1fe: {  	v8 =	vsel vm0, s15, v7;
	v6 =	vsel vm1, v12, v6;
	v4 =	vsel vm3, v0, v4  }
0x1ff: {  	s16 =	sadd.s32 $0x1, s15;
	v0 =	vsel vm3, v12, v0;
	v2 =	vsel vm3, v1, v2;
	vm2 =	vgt.f32 v10, v4  }
0x200: {  	v1 =	vsel vm3, s15, v1;
	v4 =	vsel vm2, v10, v4;
	v2 =	vsel vm2, s16, v2  }
0x201: {  	v5 =	vsel vm0, v5, v0;
	v0 =	vsel vm0, v7, v1;
	vm4 =	vgt.f32 v10, v3;
	v7 =	vld [tilespmem:s14+$0x0]  }
0x202: {  	v9 =	vsel vm1, s15, v14;
	vm0 =	vgt.f32 v10, v5;
	v1 =	vsel vm4, v10, v3  }
0x203: {  	v8 =	vsel vm1, v14, v8;
	vm6 =	vgt.f32 v10, v6;
	v11 =	vsel vm0, v0, v2  }
0x204: {  	v2 =	vsel vm6, v10, v6;
	v12 =	vsel vm0, v5, v4;
	v13 =	vsel vm0, s16, v0;
	v0 =	vld [tilespmem:s14+$0x80]  }
0x205: {  	v14 =	vsel vm4, s16, v8;
	v4 =	vsel vm6, v6, v1;
	v1 =	vsel vm0, v10, v5  }
0x206: {  	v5 =	vsel vm4, v3, v1;
	v1 =	vsel vm6, s16, v9;
	vm0 =	vgt.f32 v7, v4  }
0x207: {  	vm2 =	vgt.f32 v7, v2;
	vm3 =	vgt.f32 v7, v5;
	v3 =	vsel vm0, v7, v4  }
0x208: {  	v15 =	vsel vm2, v7, v2;
	v10 =	vsel vm3, v7, v5;
	v3 =	vsel vm2, v2, v3  }
.Ltmp7:
0x209: {  	vm5 =	vgt.f32 v7, v12;
	v2 =	vsel vm4, v8, v13;
	vm1 =	vgt.f32 v0, v3;
	(pc) =	sbr.rel @p0 .LBB2_16-.Ltmp7, $4  }
0x20a: {  	v6 =	vsel vm5, v7, v12;
	vm4 =	vgt.f32 v0, v15;
	v7 =	vsel vm1, v0, v3  }
0x20b: {  	s17 =	sadd.s32 $0x2, s15;
	v12 =	vsel vm3, v5, v6;
	v6 =	vsel vm4, v0, v15;
	v5 =	vsel vm4, v15, v7  }
0x20c: {  	v8 =	vsel vm5, s17, v11;
	vm5 =	vgt.f32 v0, v12;
	v7 =	vsel vm2, s17, v1  }
0x20d: {  	v9 =	vsel vm6, v9, v14;
	s16 =	sadd.s32 $0x3, s15;
	s14 =	sadd.s32 $0x200, s14;
	v8 =	vsel vm3, v2, v8;
	v11 =	vsel vm5, v0, v12  }
0x20e: {  	v4 =	vsel vm0, v4, v10  }
0x20f: {  	vm6 =	vgt.f32 v0, v4  }
0x210: {  	v5 =	vsub.f32 v5, v6;
	v0 =	vsel vm6, v0, v4  }
0x211: {  	v0 =	vsel vm1, v3, v0  }
0x212: {  	v48 =	vmul.f32 $1.442695020e+00, v5;
	v0 =	vsub.f32 v0, v6  }
0x213: {  	v4 =	vsel vm6, v4, v11  }
0x214: {  	v49 =	vsub.f32 v4, v6;
	(erf) = vpow2.f32 v48;
	v0 =	vmul.f32 $1.442695020e+00, v0;
	_ =	sdelay $0x1  }
0x215: {  	v50 =	vmul.f32 $1.442695020e+00, v49;
	(erf) = vpow2.f32 v0;
	_ =	sdelay $0x1  }
0x216: {  	(erf) = vpow2.f32 v50;
	_ =	sdelay $0x4  }
0x217: {  	v51 =	vpop (erf)  }
0x218: {  	v52 =	vadd.f32 $1.000000000e+00, v51  }
0x219: {  	v53 =	vpop (erf)  }
0x21a: {  	v3 =	vadd.f32 v53, v52  }
0x21b: {  	v54 =	vpop (erf)  }
0x21c: {  	v3 =	vadd.f32 v54, v3;
	_ =	sdelay $0x1  }
0x21d: {  	(erf) = vrcp.f32 v3;
	_ =	sdelay $0x5  }
0x21e: {  	v55 =	vsel vm0, s17, v9;
	v57 =	vsel vm4, s16, v7;
	v2 =	vsel vm3, s17, v2  }
0x21f: {  	v62 =	vsel vm5, s16, v8;
	v1 =	vsel vm2, v1, v55;
	v2 =	vsel vm0, v9, v2  }
0x220: {  	[tilespmem:$0x6670] =	vst v57;
	v58 =	vsel vm1, s16, v1;
	v63 =	vsel vm6, v2, v62  }
0x221: {  	v59 =	vsel vm4, v7, v58;
	[tilespmem:$0x67F0] =	vst v63;
	v56 =	vpop (erf)  }
0x222: {  	[tilespmem:$0x66F0] =	vst v59;
	v0 =	vmul.f32 v56, v51  }
0x223: {  	[tilespmem:$0x6470] =	vst v56;
	v4 =	vmul.f32 v56, v53  }
0x224: {  	v61 =	vmul.f32 v56, v54;
	[tilespmem:$0x64F0] =	vst v0  }
0x225: {  	v60 =	vsel vm6, s16, v2;
	[tilespmem:$0x6570] =	vst v4  }
0x226: {  	v0 =	vsel vm1, v1, v60;
	[tilespmem:$0x65F0] =	vst v61  }
0x227: {  	[tilespmem:$0x6770] =	vst v0  }
0x228: {  	[hbm4b:s4+s2] =	stream.linear.scatter [tilespmem:s10], [sflag:$0x1], $0x200, $0x38;
	[tilespmem:$0x6800] =	vst v63  }
0x229: {  	s12 =	sadd.s32 $0x1, s12;
	_ =	swait.ge [sflag:s9], $0x200  }
0x22a: {  	p0 =	sne.s32 s12, s6;
	[sflag:s9] =	ssyncset.done $0x0  }
.Ltmp8:
0x22b: {  	[sflag:s9] =	ssyncadd.s32 $0xFFFFFE00;
	(pc) =	sbr.rel @p0 .LBB2_1-.Ltmp8, $4  }
0x22c: {  	[hbm4b:s5+s2] =	stream.linear.scatter [tilespmem:s11], [sflag:$0x1], $0x200, $0x38;
	[tilespmem:$0x6800] =	vst v63  }
0x22d: {  	_ =	swait.ge [sflag:s9], $0x200  }
0x22e: {  	[sflag:s9] =	ssyncset.done $0x0  }
0x22f: {  	[sflag:s9] =	ssyncadd.s32 $0xFFFFFE00  }
0x230: {  	_ =	sfence.sel $0x180000  }
0x231: {  	[bflag:$0x0] =	sbarrier.arrive $0xFFFF  }
0x232: {  	p0 =	sne.s32 s1, $0x0;
	_ =	strace $0x90000047  }
0x233: {  	s0 =	sadd.s32 @!p0 $0x100000, s0;
	[bflag:$0x2] =	sbarrier.arrive $0xFFFF  }
0x234: {  	[sflag:s0] =	ssyncadd.tile.s32 @!p0 $0x1;
	_ =	shalt  }
.Lfunc_end2:
_tile_overlayer_lowered:
.L_overlay_start_2:
0x235: {  	(tag) =	ssettag $0x2  }
0x236: {  	s0 =	rddreg [dreg:$0x0];
	s2 =	stileid.u32  }
0x237: {  	s1 =	rddreg [dreg:$0x1];
	p0 =	sne.s32 s2, $0x0  }
0x238: {  	s3 =	rddreg [dreg:$0x2];
	[bflag:$0x3] =	sbarrier.arrive $0xFFFF;
	s2 =	simm.s32 @!p0 $0x1C01  }
0x239: {  	[timem:s3], [sflag:s2] =	dma.local @!p0 [hbm:s0], s1  }
0x23a: {  	s0 =	simm.s32 @!p0 $0x1  }
0x23b: {  	_ =	swait.ge @!p0 [sflag:s0], s1  }
0x23c: {  	s1 =	ssub.s32 @!p0 $0x0, s1;
	[sflag:s0] =	ssyncset.done @!p0 $0x0  }
0x23d: {  	[sflag:s0] =	ssyncadd.s32 @!p0 s1  }
0x23e: {  	[bflag:$0x3] =	sbarrier.arrive $0xFFFF  }
0x23f: {  	_ =	shalt  }

</sc_bundles>
